<compile_context>
chip_gen: v7x
topology: tpu7x:2x2x1
jax: 0.10.2.dev20260603
libtpu: 0.0.44.dev20260713+nightly
codegen_flags: <defaults>
</compile_context>

<pallas_src>
import functools
import math

import jax
import jax.numpy as jnp
from jax import lax
from jax.experimental import pallas as pl
from jax.experimental.pallas import tpu as pltpu
from jax.experimental.pallas import tpu_sc as plsc

N_NODES = 100000
N_EDGES = 3200000

NC, NS, L = 2, 16, 16
NW = NC * NS
BLK = 128
NBLK = N_EDGES // BLK
BPW = NBLK // NW
EXTRA = NBLK % NW
BPW_MAX = BPW + (1 if EXTRA else 0)
CB13 = 12
CB4 = 4
CH13 = CB13 * BLK
CH4 = CB4 * BLK
N13 = -(-BPW_MAX // CB13)
N13 += N13 % 2
N4 = -(-BPW_MAX // CB4)
N4 += N4 % 2

SQ3 = math.sqrt(3.0)
SQ5 = math.sqrt(5.0)
SQ7 = math.sqrt(7.0)
SQ15 = math.sqrt(15.0)
C3A = math.sqrt(42.0) / 6.0
C3B = math.sqrt(168.0) / 8.0
C3C = math.sqrt(7.0) / 2.0


def _rsqrt16(r2):
    i = plsc.bitcast(r2, jnp.int32)
    i = jnp.int32(0x5F3759DF) - lax.shift_right_logical(i, 1)
    y = plsc.bitcast(i, jnp.float32)
    for _ in range(2):
        y = y * (1.5 - 0.5 * r2 * y * y)
    return y


def _body(xcol, ycol, zcol, src, dst, vec_out, sh_out, comp, xtab,
          sbuf0, sbuf1, dbuf0, dbuf1, cbuf0, cbuf1,
          vecb0, vecb1, shb0, shb1, isem0, isem1, osem0, osem1):
    wid = lax.axis_index("s") * NC + lax.axis_index("c")
    nb = BPW + (wid < EXTRA).astype(jnp.int32)
    base_blk = wid * BPW + jnp.minimum(wid, EXTRA)

    sbufs = (sbuf0, sbuf1)
    dbufs = (dbuf0, dbuf1)
    cbufs = (cbuf0, cbuf1)
    vecbs = (vecb0, vecb1)
    shbs = (shb0, shb1)
    isems = (isem0, isem1)
    osems = (osem0, osem1)

    def e0_of(k, cb):
        blk0 = jnp.minimum(k * cb, nb - cb)
        return pl.multiple_of((base_blk + blk0) * BLK, BLK)

    for c, col in enumerate((xcol, ycol)):
        pltpu.sync_copy(col, xtab)

        for b in (0, 1):
            e0 = e0_of(b, CB13)
            pltpu.async_copy(src.at[pl.ds(e0, CH13)], sbufs[b], isems[b])
            pltpu.async_copy(dst.at[pl.ds(e0, CH13)], dbufs[b], isems[b])

        def pair13(j, _, c=c):
            for b in (0, 1):
                k = 2 * j + b
                e0 = e0_of(k, CB13)
                pltpu.make_async_copy(
                    src.at[pl.ds(e0, CH13)], sbufs[b], isems[b]).wait()
                pltpu.make_async_copy(
                    dst.at[pl.ds(e0, CH13)], dbufs[b], isems[b]).wait()

                @pl.when(k >= 2)
                def _(b=b, e0=e0):
                    pltpu.make_async_copy(
                        cbufs[b], comp.at[pl.ds(c * N_EDGES + e0, CH13)],
                        osems[b]).wait()

                @plsc.parallel_loop(0, CH13 // L, 1, unroll=4)
                def _(g, b=b):
                    sl = pl.ds(g * L, L)
                    si = sbufs[b][sl]
                    di = dbufs[b][sl]
                    xs = plsc.load_gather(xtab, [si])
                    xd = plsc.load_gather(xtab, [di])
                    cbufs[b][sl] = xd - xs
                pltpu.async_copy(
                    cbufs[b], comp.at[pl.ds(c * N_EDGES + e0, CH13)], osems[b])

                @pl.when(k + 2 < N13)
                def _(b=b, k=k):
                    e2 = e0_of(k + 2, CB13)
                    pltpu.async_copy(src.at[pl.ds(e2, CH13)], sbufs[b], isems[b])
                    pltpu.async_copy(dst.at[pl.ds(e2, CH13)], dbufs[b], isems[b])
            return 0

        lax.fori_loop(0, N13 // 2, pair13, 0)
        for b in (0, 1):
            e0 = e0_of(N13 - 2 + b, CB13)
            pltpu.make_async_copy(
                cbufs[b], comp.at[pl.ds(c * N_EDGES + e0, CH13)],
                osems[b]).wait()

    pltpu.sync_copy(zcol, xtab)
    ones = jnp.full((L,), 1.0, jnp.float32)
    for b in (0, 1):
        for g in range(CH4 // L):
            shbs[b][0, pl.ds(g * L, L)] = ones

    def start_in4(k, b):
        e0 = e0_of(k, CB4)
        pltpu.async_copy(src.at[pl.ds(e0, CH4)],
                         sbufs[b].at[pl.ds(0, CH4)], isems[b])
        pltpu.async_copy(dst.at[pl.ds(e0, CH4)],
                         dbufs[b].at[pl.ds(0, CH4)], isems[b])
        pltpu.async_copy(comp.at[pl.ds(e0, CH4)],
                         vecbs[b].at[0], isems[b])
        pltpu.async_copy(comp.at[pl.ds(N_EDGES + e0, CH4)],
                         vecbs[b].at[1], isems[b])

    def wait_in4(k, b):
        e0 = e0_of(k, CB4)
        pltpu.make_async_copy(src.at[pl.ds(e0, CH4)],
                              sbufs[b].at[pl.ds(0, CH4)], isems[b]).wait()
        pltpu.make_async_copy(dst.at[pl.ds(e0, CH4)],
                              dbufs[b].at[pl.ds(0, CH4)], isems[b]).wait()
        pltpu.make_async_copy(comp.at[pl.ds(e0, CH4)],
                              vecbs[b].at[0], isems[b]).wait()
        pltpu.make_async_copy(comp.at[pl.ds(N_EDGES + e0, CH4)],
                              vecbs[b].at[1], isems[b]).wait()

    def wait_out4(k, b):
        e0 = e0_of(k, CB4)
        pltpu.make_async_copy(
            vecbs[b], vec_out.at[:, pl.ds(e0, CH4)], osems[b]).wait()
        pltpu.make_async_copy(
            shbs[b], sh_out.at[:, pl.ds(e0, CH4)], osems[b]).wait()

    for b in (0, 1):
        start_in4(b, b)

    def pair4(j, _):
        for b in (0, 1):
            k = 2 * j + b
            e0 = e0_of(k, CB4)
            wait_in4(k, b)

            @pl.when(k >= 2)
            def _(k=k, b=b):
                wait_out4(k, b)

            @plsc.parallel_loop(0, CH4 // L, 1, unroll=4)
            def _(g, b=b):
                sl = pl.ds(g * L, L)
                si = sbufs[b][sl]
                di = dbufs[b][sl]
                zs = plsc.load_gather(xtab, [si])
                zd = plsc.load_gather(xtab, [di])
                z = zd - zs
                x = vecbs[b][0, sl]
                y = vecbs[b][1, sl]
                vecbs[b][2, sl] = z

                r2 = x * x + y * y + z * z
                rn = _rsqrt16(jnp.maximum(r2, 1e-24))
                ux = x * rn
                uy = y * rn
                uz = z * rn
                shb = shbs[b]
                shb[1, sl] = SQ3 * ux
                shb[2, sl] = SQ3 * uy
                shb[3, sl] = SQ3 * uz

                x2 = ux * ux
                y2 = uy * uy
                z2 = uz * uz
                x2z2 = x2 + z2
                sh20 = SQ15 * ux * uz
                sh24 = (SQ15 / 2.0) * (z2 - x2)
                shb[4, sl] = sh20
                shb[5, sl] = SQ15 * ux * uy
                shb[6, sl] = SQ5 * (y2 - 0.5 * x2z2)
                shb[7, sl] = SQ15 * uy * uz
                shb[8, sl] = sh24
                fy = 4.0 * y2 - x2z2
                shb[9, sl] = C3A * (sh20 * uz + sh24 * ux)
                shb[10, sl] = SQ7 * sh20 * uy
                shb[11, sl] = C3B * fy * ux
                shb[12, sl] = C3C * uy * (2.0 * y2 - 3.0 * x2z2)
                shb[13, sl] = C3B * uz * fy
                shb[14, sl] = SQ7 * sh24 * uy
                shb[15, sl] = C3A * (sh24 * uz - sh20 * ux)
            pltpu.async_copy(vecbs[b], vec_out.at[:, pl.ds(e0, CH4)], osems[b])
            pltpu.async_copy(shbs[b], sh_out.at[:, pl.ds(e0, CH4)], osems[b])

            @pl.when(k + 2 < N4)
            def _(k=k, b=b):
                start_in4(k + 2, b)
        return 0

    lax.fori_loop(0, N4 // 2, pair4, 0)
    for b in (0, 1):
        wait_out4(N4 - 2 + b, b)


_sc_call = functools.partial(
    pl.kernel,
    mesh=plsc.VectorSubcoreMesh(core_axis_name="c", subcore_axis_name="s"),
    compiler_params=pltpu.CompilerParams(needs_layout_passes=False),
    out_type=[
        jax.ShapeDtypeStruct((3, N_EDGES), jnp.float32),
        jax.ShapeDtypeStruct((16, N_EDGES), jnp.float32),
        jax.ShapeDtypeStruct((2 * N_EDGES,), jnp.float32),
    ],
    scratch_types=[
        pltpu.VMEM((N_NODES,), jnp.float32),
        pltpu.VMEM((CH13,), jnp.int32),
        pltpu.VMEM((CH13,), jnp.int32),
        pltpu.VMEM((CH13,), jnp.int32),
        pltpu.VMEM((CH13,), jnp.int32),
        pltpu.VMEM((CH13,), jnp.float32),
        pltpu.VMEM((CH13,), jnp.float32),
        pltpu.VMEM((3, CH4), jnp.float32),
        pltpu.VMEM((3, CH4), jnp.float32),
        pltpu.VMEM((16, CH4), jnp.float32),
        pltpu.VMEM((16, CH4), jnp.float32),
        pltpu.SemaphoreType.DMA,
        pltpu.SemaphoreType.DMA,
        pltpu.SemaphoreType.DMA,
        pltpu.SemaphoreType.DMA,
    ],
)(_body)


def kernel(pos, edge_index):
    vec3, sh16, _ = _sc_call(pos[:, 0], pos[:, 1], pos[:, 2],
                             edge_index[0], edge_index[1])
    return vec3.T, sh16.T

# --- scband reference (transcript-rebuilt; emitter-appended) ---
"""Pipeline reference for scband-spherical-harmonic-edge-attrs-34325378629709 (READ-ONLY COPY).

The authoritative reference and input builder live on the scoring server;
editing this copy changes nothing except your own understanding.
"""

import math
import jax, jax.numpy as jnp
import numpy as np

N_NODES = 100000
N_EDGES = 3200000


def _spherical_harmonics_lmax3(x, y, z):
    # e3nn _spherical_harmonics generated code, lmax=3, 'component' normalization
    sh_0_0 = jnp.ones_like(x)
    sh_1_0 = math.sqrt(3.0) * x
    sh_1_1 = math.sqrt(3.0) * y
    sh_1_2 = math.sqrt(3.0) * z
    x2 = x * x
    y2 = y * y
    z2 = z * z
    x2z2 = x2 + z2
    sh_2_0 = math.sqrt(15.0) * x * z
    sh_2_1 = math.sqrt(15.0) * x * y
    sh_2_2 = math.sqrt(5.0) * (y2 - 0.5 * x2z2)
    sh_2_3 = math.sqrt(15.0) * y * z
    sh_2_4 = (math.sqrt(15.0) / 2.0) * (z2 - x2)
    sh_3_0 = (1.0 / 6.0) * math.sqrt(42.0) * (sh_2_0 * z + sh_2_4 * x)
    sh_3_1 = math.sqrt(7.0) * sh_2_0 * y
    sh_3_2 = (1.0 / 8.0) * math.sqrt(168.0) * (4.0 * y2 - x2z2) * x
    sh_3_3 = (1.0 / 2.0) * math.sqrt(7.0) * y * (2.0 * y2 - 3.0 * x2z2)
    sh_3_4 = (1.0 / 8.0) * math.sqrt(168.0) * z * (4.0 * y2 - x2z2)
    sh_3_5 = math.sqrt(7.0) * sh_2_4 * y
    sh_3_6 = (1.0 / 6.0) * math.sqrt(42.0) * (sh_2_4 * z - sh_2_0 * x)
    return jnp.stack([
        sh_0_0,
        sh_1_0, sh_1_1, sh_1_2,
        sh_2_0, sh_2_1, sh_2_2, sh_2_3, sh_2_4,
        sh_3_0, sh_3_1, sh_3_2, sh_3_3, sh_3_4, sh_3_5, sh_3_6,
    ], axis=-1)


def setup_inputs(seed: int = 0) -> dict:
    key = jax.random.key(seed)
    k1, k2 = jax.random.split(key)
    pos = jax.random.normal(k1, (N_NODES, 3), dtype=jnp.float32)
    edge_index = jax.random.randint(k2, (2, N_EDGES), 0, N_NODES, dtype=jnp.int32)
    return {"pos": pos, "edge_index": edge_index}


def reference(pos, edge_index):
    # edge_vec = pos[dst] - pos[src]
    edge_vec = jnp.take(pos, edge_index[1], axis=0) - jnp.take(pos, edge_index[0], axis=0)
    # normalize=True: F.normalize(edge_vec, dim=-1) with eps=1e-12
    norm = jnp.linalg.norm(edge_vec, axis=-1, keepdims=True)
    unit = edge_vec / jnp.maximum(norm, 1e-12)
    edge_sh = _spherical_harmonics_lmax3(unit[..., 0], unit[..., 1], unit[..., 2])
    return (edge_vec, edge_sh)

if __name__ == "__main__":
    import jax
    _d = setup_inputs()
    print(jax.jit(kernel)(*tuple(_d.values())))

</pallas_src>

<mosaic_0001>
#map = affine_map<(d0, d1) -> (0)>
#map1 = affine_map<(d0, d1) -> (0, 0)>
module attributes {stable_mosaic.version = 14 : i64} {
  func.func @_body(%arg0: i32, %arg1: i32, %arg2: memref<100000xf32, #tpu.memory_space<hbm>>, %arg3: memref<100000xf32, #tpu.memory_space<hbm>>, %arg4: memref<100000xf32, #tpu.memory_space<hbm>>, %arg5: memref<3200000xi32, #tpu.memory_space<hbm>>, %arg6: memref<3200000xi32, #tpu.memory_space<hbm>>, %arg7: memref<3x3200000xf32, #tpu.memory_space<hbm>>, %arg8: memref<16x3200000xf32, #tpu.memory_space<hbm>>, %arg9: memref<6400000xf32, #tpu.memory_space<hbm>>, %arg10: memref<100000xf32, #tpu.memory_space<vmem>>, %arg11: memref<1536xi32, #tpu.memory_space<vmem>>, %arg12: memref<1536xi32, #tpu.memory_space<vmem>>, %arg13: memref<1536xi32, #tpu.memory_space<vmem>>, %arg14: memref<1536xi32, #tpu.memory_space<vmem>>, %arg15: memref<1536xf32, #tpu.memory_space<vmem>>, %arg16: memref<1536xf32, #tpu.memory_space<vmem>>, %arg17: memref<3x512xf32, #tpu.memory_space<vmem>>, %arg18: memref<3x512xf32, #tpu.memory_space<vmem>>, %arg19: memref<16x512xf32, #tpu.memory_space<vmem>>, %arg20: memref<16x512xf32, #tpu.memory_space<vmem>>, %arg21: memref<!tpu.dma_semaphore, #tpu.memory_space<semaphore_mem>>, %arg22: memref<!tpu.dma_semaphore, #tpu.memory_space<semaphore_mem>>, %arg23: memref<!tpu.dma_semaphore, #tpu.memory_space<semaphore_mem>>, %arg24: memref<!tpu.dma_semaphore, #tpu.memory_space<semaphore_mem>>) attributes {dimension_semantics = [#tpu.dimension_semantics<core_parallel>, #tpu.dimension_semantics<subcore_parallel>], iteration_bounds = array<i64: 2, 16>, scalar_prefetch = 0 : i64, scratch_operands = 15 : i64, tpu.core_type = #tpu.core_type<sc_vector_subcore>, window_params = [{transform_indices = #map}, {transform_indices = #map}, {transform_indices = #map}, {transform_indices = #map}, {transform_indices = #map}, {transform_indices = #map1}, {transform_indices = #map1}, {transform_indices = #map}]} {
    %mul3A = arith.constant 2 : i32
    %mul3A_0 = arith.muli %arg1, %mul3A : i32
    %add3A = arith.addi %mul3A_0, %arg0 : i32
    %lt3A = arith.constant 8 : i32
    %lt3A_1 = arith.cmpi slt, %add3A, %lt3A : i32
    %convert_element_type3A = arith.extui %lt3A_1 : i1 to i32
    %add3A_2 = arith.constant 781 : i32
    %add3A_3 = arith.addi %add3A_2, %convert_element_type3A : i32
    %mul3A_4 = arith.constant 781 : i32
    %mul3A_5 = arith.muli %add3A, %mul3A_4 : i32
    %min3A = arith.constant 8 : i32
    %min3A_6 = arith.minsi %add3A, %min3A : i32
    %add3A_7 = arith.addi %mul3A_5, %min3A_6 : i32
    "tpu.region"() ({
      %run_scoped3A = tpu.sem_alloc : memref<!tpu.dma_semaphore, #tpu.memory_space<semaphore_mem>>
      tpu.enqueue_dma source(%arg2 : memref<100000xf32, #tpu.memory_space<hbm>>) target(%arg10 : memref<100000xf32, #tpu.memory_space<vmem>>) target_semaphore(%run_scoped3A : memref<!tpu.dma_semaphore, #tpu.memory_space<semaphore_mem>>)
      tpu.wait_dma2 semaphore(%run_scoped3A : memref<!tpu.dma_semaphore, #tpu.memory_space<semaphore_mem>>) src(%arg2 : memref<100000xf32, #tpu.memory_space<hbm>>) dst(%arg10 : memref<100000xf32, #tpu.memory_space<vmem>>)
      tpu.yield
    }) : () -> ()
    %sub3A = arith.constant 12 : i32
    %sub3A_8 = arith.subi %add3A_3, %sub3A : i32
    %min3A_9 = arith.constant 0 : i32
    %min3A_10 = arith.minsi %min3A_9, %sub3A_8 : i32
    %add3A_11 = arith.addi %add3A_7, %min3A_10 : i32
    %mul3A_12 = arith.constant 128 : i32
    %mul3A_13 = arith.muli %add3A_11, %mul3A_12 : i32
    %multiple_of3A = tpu.assume_multiple %mul3A_13, 128 : i32
    %dma_start3A = tpu.memref_slice %arg5[%multiple_of3A] : memref<3200000xi32, #tpu.memory_space<hbm>> -> memref<1536xi32, #tpu.memory_space<hbm>>
    %dma_start3A_14 = tpu.memref_slice %arg5[%multiple_of3A] : memref<3200000xi32, #tpu.memory_space<hbm>> -> memref<1536xi32, #tpu.memory_space<hbm>>
    tpu.enqueue_dma source(%dma_start3A_14 : memref<1536xi32, #tpu.memory_space<hbm>>) target(%arg11 : memref<1536xi32, #tpu.memory_space<vmem>>) target_semaphore(%arg21 : memref<!tpu.dma_semaphore, #tpu.memory_space<semaphore_mem>>)
    %dma_start3A_15 = tpu.memref_slice %arg6[%multiple_of3A] : memref<3200000xi32, #tpu.memory_space<hbm>> -> memref<1536xi32, #tpu.memory_space<hbm>>
    %dma_start3A_16 = tpu.memref_slice %arg6[%multiple_of3A] : memref<3200000xi32, #tpu.memory_space<hbm>> -> memref<1536xi32, #tpu.memory_space<hbm>>
    tpu.enqueue_dma source(%dma_start3A_16 : memref<1536xi32, #tpu.memory_space<hbm>>) target(%arg13 : memref<1536xi32, #tpu.memory_space<vmem>>) target_semaphore(%arg21 : memref<!tpu.dma_semaphore, #tpu.memory_space<semaphore_mem>>)
    %sub3A_17 = arith.constant 12 : i32
    %sub3A_18 = arith.subi %add3A_3, %sub3A_17 : i32
    %min3A_19 = arith.constant 12 : i32
    %min3A_20 = arith.minsi %min3A_19, %sub3A_18 : i32
    %add3A_21 = arith.addi %add3A_7, %min3A_20 : i32
    %mul3A_22 = arith.constant 128 : i32
    %mul3A_23 = arith.muli %add3A_21, %mul3A_22 : i32
    %multiple_of3A_24 = tpu.assume_multiple %mul3A_23, 128 : i32
    %dma_start3A_25 = tpu.memref_slice %arg5[%multiple_of3A_24] : memref<3200000xi32, #tpu.memory_space<hbm>> -> memref<1536xi32, #tpu.memory_space<hbm>>
    %dma_start3A_26 = tpu.memref_slice %arg5[%multiple_of3A_24] : memref<3200000xi32, #tpu.memory_space<hbm>> -> memref<1536xi32, #tpu.memory_space<hbm>>
    tpu.enqueue_dma source(%dma_start3A_26 : memref<1536xi32, #tpu.memory_space<hbm>>) target(%arg12 : memref<1536xi32, #tpu.memory_space<vmem>>) target_semaphore(%arg22 : memref<!tpu.dma_semaphore, #tpu.memory_space<semaphore_mem>>)
    %dma_start3A_27 = tpu.memref_slice %arg6[%multiple_of3A_24] : memref<3200000xi32, #tpu.memory_space<hbm>> -> memref<1536xi32, #tpu.memory_space<hbm>>
    %dma_start3A_28 = tpu.memref_slice %arg6[%multiple_of3A_24] : memref<3200000xi32, #tpu.memory_space<hbm>> -> memref<1536xi32, #tpu.memory_space<hbm>>
    tpu.enqueue_dma source(%dma_start3A_28 : memref<1536xi32, #tpu.memory_space<hbm>>) target(%arg14 : memref<1536xi32, #tpu.memory_space<vmem>>) target_semaphore(%arg22 : memref<!tpu.dma_semaphore, #tpu.memory_space<semaphore_mem>>)
    %scan3A = arith.constant 0 : i32
    %scan3A_29 = arith.constant 0 : i32
    %scan3A_30 = arith.constant 33 : i32
    %scan3A_31 = arith.addi %scan3A_29, %scan3A_30 : i32
    %scan3A_32 = arith.constant 1 : i32
    %scan3A_33 = scf.for %scan3A_488 = %scan3A_29 to %scan3A_31 step %scan3A_32 iter_args(%scan3A_489 = %scan3A) -> (i32)  : i32 {
      %mul3A_490 = arith.constant 2 : i32
      %mul3A_491 = arith.muli %mul3A_490, %scan3A_488 : i32
      %add3A_492 = arith.constant 0 : i32
      %add3A_493 = arith.addi %mul3A_491, %add3A_492 : i32
      %mul3A_494 = arith.constant 12 : i32
      %mul3A_495 = arith.muli %add3A_493, %mul3A_494 : i32
      %sub3A_496 = arith.constant 12 : i32
      %sub3A_497 = arith.subi %add3A_3, %sub3A_496 : i32
      %min3A_498 = arith.minsi %mul3A_495, %sub3A_497 : i32
      %add3A_499 = arith.addi %add3A_7, %min3A_498 : i32
      %mul3A_500 = arith.constant 128 : i32
      %mul3A_501 = arith.muli %add3A_499, %mul3A_500 : i32
      %multiple_of3A_502 = tpu.assume_multiple %mul3A_501, 128 : i32
      %dma_wait3A_503 = tpu.memref_slice %arg5[%multiple_of3A_502] : memref<3200000xi32, #tpu.memory_space<hbm>> -> memref<1536xi32, #tpu.memory_space<hbm>>
      %dma_wait3A_504 = tpu.memref_slice %arg5[%multiple_of3A_502] : memref<3200000xi32, #tpu.memory_space<hbm>> -> memref<1536xi32, #tpu.memory_space<hbm>>
      tpu.wait_dma2 semaphore(%arg21 : memref<!tpu.dma_semaphore, #tpu.memory_space<semaphore_mem>>) src(%dma_wait3A_504 : memref<1536xi32, #tpu.memory_space<hbm>>) dst(%arg11 : memref<1536xi32, #tpu.memory_space<vmem>>)
      %dma_wait3A_505 = tpu.memref_slice %arg6[%multiple_of3A_502] : memref<3200000xi32, #tpu.memory_space<hbm>> -> memref<1536xi32, #tpu.memory_space<hbm>>
      %dma_wait3A_506 = tpu.memref_slice %arg6[%multiple_of3A_502] : memref<3200000xi32, #tpu.memory_space<hbm>> -> memref<1536xi32, #tpu.memory_space<hbm>>
      tpu.wait_dma2 semaphore(%arg21 : memref<!tpu.dma_semaphore, #tpu.memory_space<semaphore_mem>>) src(%dma_wait3A_506 : memref<1536xi32, #tpu.memory_space<hbm>>) dst(%arg13 : memref<1536xi32, #tpu.memory_space<vmem>>)
      %ge3A = arith.constant 2 : i32
      %ge3A_507 = arith.cmpi sge, %add3A_493, %ge3A : i32
      %convert_element_type3A_508 = arith.extui %ge3A_507 : i1 to i32
      %cond3A = arith.constant 0 : i32
      %cond3A_509 = arith.cmpi ne, %convert_element_type3A_508, %cond3A : i32
      scf.if %cond3A_509 {
        %add3A_560 = arith.constant 0 : i32
        %add3A_561 = arith.addi %add3A_560, %multiple_of3A_502 : i32
        %dma_wait3A_562 = tpu.memref_slice %arg9[%add3A_561] : memref<6400000xf32, #tpu.memory_space<hbm>> -> memref<1536xf32, #tpu.memory_space<hbm>>
        %dma_wait3A_563 = tpu.memref_slice %arg9[%add3A_561] : memref<6400000xf32, #tpu.memory_space<hbm>> -> memref<1536xf32, #tpu.memory_space<hbm>>
        tpu.wait_dma2 semaphore(%arg23 : memref<!tpu.dma_semaphore, #tpu.memory_space<semaphore_mem>>) src(%arg15 : memref<1536xf32, #tpu.memory_space<vmem>>) dst(%dma_wait3A_563 : memref<1536xf32, #tpu.memory_space<hbm>>)
      } else {
      }
      %parallel_loop3A = arith.constant 0 : i32
      %parallel_loop3A_510 = arith.constant 96 : i32
      %parallel_loop3A_511 = arith.constant 1 : i32
      scf.for %parallel_loop3A_560 = %parallel_loop3A to %parallel_loop3A_510 step %parallel_loop3A_511  : i32 {
        %parallel_loop3A_561 = arith.constant 16 : i32
        %parallel_loop3A_562 = arith.muli %parallel_loop3A_560, %parallel_loop3A_561 : i32
        %parallel_loop3A_563 = arith.index_cast %parallel_loop3A_562 : i32 to index
        %parallel_loop3A_564 = tpu.vector_load %arg11[%parallel_loop3A_563] {strides = array<i32>} : memref<1536xi32, #tpu.memory_space<vmem>>, vector<16xi32>,
        %parallel_loop3A_565 = arith.index_cast %parallel_loop3A_562 : i32 to index
        %parallel_loop3A_566 = tpu.vector_load %arg13[%parallel_loop3A_565] {strides = array<i32>} : memref<1536xi32, #tpu.memory_space<vmem>>, vector<16xi32>,
        %parallel_loop3A_567 = tpu.vector_load_idx %arg10[%parallel_loop3A_564] : memref<100000xf32, #tpu.memory_space<vmem>>[vector<16xi32>], vector<16xf32>,
        %parallel_loop3A_568 = tpu.vector_load_idx %arg10[%parallel_loop3A_566] : memref<100000xf32, #tpu.memory_space<vmem>>[vector<16xi32>], vector<16xf32>,
        %parallel_loop3A_569 = arith.subf %parallel_loop3A_568, %parallel_loop3A_567 : vector<16xf32>
        %parallel_loop3A_570 = arith.index_cast %parallel_loop3A_562 : i32 to index
        %parallel_loop3A_571 = tpu.vector_load %arg15[%parallel_loop3A_570] {strides = array<i32>} : memref<1536xf32, #tpu.memory_space<vmem>>, vector<16xf32>,
        tpu.vector_store %arg15[%parallel_loop3A_570], %parallel_loop3A_569 {strides = array<i32>} : memref<1536xf32, #tpu.memory_space<vmem>>, vector<16xf32>,
      } {sc.loop_unroll_factor = 4 : i64, sc.parallel_access}
      %add3A_512 = arith.constant 0 : i32
      %add3A_513 = arith.addi %add3A_512, %multiple_of3A_502 : i32
      %dma_start3A_514 = tpu.memref_slice %arg9[%add3A_513] : memref<6400000xf32, #tpu.memory_space<hbm>> -> memref<1536xf32, #tpu.memory_space<hbm>>
      %dma_start3A_515 = tpu.memref_slice %arg9[%add3A_513] : memref<6400000xf32, #tpu.memory_space<hbm>> -> memref<1536xf32, #tpu.memory_space<hbm>>
      tpu.enqueue_dma source(%arg15 : memref<1536xf32, #tpu.memory_space<vmem>>) target(%dma_start3A_515 : memref<1536xf32, #tpu.memory_space<hbm>>) target_semaphore(%arg23 : memref<!tpu.dma_semaphore, #tpu.memory_space<semaphore_mem>>)
      %add3A_516 = arith.constant 2 : i32
      %add3A_517 = arith.addi %add3A_493, %add3A_516 : i32
      %lt3A_518 = arith.constant 66 : i32
      %lt3A_519 = arith.cmpi slt, %add3A_517, %lt3A_518 : i32
      %convert_element_type3A_520 = arith.extui %lt3A_519 : i1 to i32
      %cond3A_521 = arith.constant 0 : i32
      %cond3A_522 = arith.cmpi ne, %convert_element_type3A_520, %cond3A_521 : i32
      scf.if %cond3A_522 {
        %add3A_560 = arith.constant 2 : i32
        %add3A_561 = arith.addi %add3A_493, %add3A_560 : i32
        %mul3A_562 = arith.constant 12 : i32
        %mul3A_563 = arith.muli %add3A_561, %mul3A_562 : i32
        %sub3A_564 = arith.constant 12 : i32
        %sub3A_565 = arith.subi %add3A_3, %sub3A_564 : i32
        %min3A_566 = arith.minsi %mul3A_563, %sub3A_565 : i32
        %add3A_567 = arith.addi %add3A_7, %min3A_566 : i32
        %mul3A_568 = arith.constant 128 : i32
        %mul3A_569 = arith.muli %add3A_567, %mul3A_568 : i32
        %multiple_of3A_570 = tpu.assume_multiple %mul3A_569, 128 : i32
        %dma_start3A_571 = tpu.memref_slice %arg5[%multiple_of3A_570] : memref<3200000xi32, #tpu.memory_space<hbm>> -> memref<1536xi32, #tpu.memory_space<hbm>>
        %dma_start3A_572 = tpu.memref_slice %arg5[%multiple_of3A_570] : memref<3200000xi32, #tpu.memory_space<hbm>> -> memref<1536xi32, #tpu.memory_space<hbm>>
        tpu.enqueue_dma source(%dma_start3A_572 : memref<1536xi32, #tpu.memory_space<hbm>>) target(%arg11 : memref<1536xi32, #tpu.memory_space<vmem>>) target_semaphore(%arg21 : memref<!tpu.dma_semaphore, #tpu.memory_space<semaphore_mem>>)
        %dma_start3A_573 = tpu.memref_slice %arg6[%multiple_of3A_570] : memref<3200000xi32, #tpu.memory_space<hbm>> -> memref<1536xi32, #tpu.memory_space<hbm>>
        %dma_start3A_574 = tpu.memref_slice %arg6[%multiple_of3A_570] : memref<3200000xi32, #tpu.memory_space<hbm>> -> memref<1536xi32, #tpu.memory_space<hbm>>
        tpu.enqueue_dma source(%dma_start3A_574 : memref<1536xi32, #tpu.memory_space<hbm>>) target(%arg13 : memref<1536xi32, #tpu.memory_space<vmem>>) target_semaphore(%arg21 : memref<!tpu.dma_semaphore, #tpu.memory_space<semaphore_mem>>)
      } else {
      }
      %mul3A_523 = arith.constant 2 : i32
      %mul3A_524 = arith.muli %mul3A_523, %scan3A_488 : i32
      %add3A_525 = arith.constant 1 : i32
      %add3A_526 = arith.addi %mul3A_524, %add3A_525 : i32
      %mul3A_527 = arith.constant 12 : i32
      %mul3A_528 = arith.muli %add3A_526, %mul3A_527 : i32
      %sub3A_529 = arith.constant 12 : i32
      %sub3A_530 = arith.subi %add3A_3, %sub3A_529 : i32
      %min3A_531 = arith.minsi %mul3A_528, %sub3A_530 : i32
      %add3A_532 = arith.addi %add3A_7, %min3A_531 : i32
      %mul3A_533 = arith.constant 128 : i32
      %mul3A_534 = arith.muli %add3A_532, %mul3A_533 : i32
      %multiple_of3A_535 = tpu.assume_multiple %mul3A_534, 128 : i32
      %dma_wait3A_536 = tpu.memref_slice %arg5[%multiple_of3A_535] : memref<3200000xi32, #tpu.memory_space<hbm>> -> memref<1536xi32, #tpu.memory_space<hbm>>
      %dma_wait3A_537 = tpu.memref_slice %arg5[%multiple_of3A_535] : memref<3200000xi32, #tpu.memory_space<hbm>> -> memref<1536xi32, #tpu.memory_space<hbm>>
      tpu.wait_dma2 semaphore(%arg22 : memref<!tpu.dma_semaphore, #tpu.memory_space<semaphore_mem>>) src(%dma_wait3A_537 : memref<1536xi32, #tpu.memory_space<hbm>>) dst(%arg12 : memref<1536xi32, #tpu.memory_space<vmem>>)
      %dma_wait3A_538 = tpu.memref_slice %arg6[%multiple_of3A_535] : memref<3200000xi32, #tpu.memory_space<hbm>> -> memref<1536xi32, #tpu.memory_space<hbm>>
      %dma_wait3A_539 = tpu.memref_slice %arg6[%multiple_of3A_535] : memref<3200000xi32, #tpu.memory_space<hbm>> -> memref<1536xi32, #tpu.memory_space<hbm>>
      tpu.wait_dma2 semaphore(%arg22 : memref<!tpu.dma_semaphore, #tpu.memory_space<semaphore_mem>>) src(%dma_wait3A_539 : memref<1536xi32, #tpu.memory_space<hbm>>) dst(%arg14 : memref<1536xi32, #tpu.memory_space<vmem>>)
      %ge3A_540 = arith.constant 2 : i32
      %ge3A_541 = arith.cmpi sge, %add3A_526, %ge3A_540 : i32
      %convert_element_type3A_542 = arith.extui %ge3A_541 : i1 to i32
      %cond3A_543 = arith.constant 0 : i32
      %cond3A_544 = arith.cmpi ne, %convert_element_type3A_542, %cond3A_543 : i32
      scf.if %cond3A_544 {
        %add3A_560 = arith.constant 0 : i32
        %add3A_561 = arith.addi %add3A_560, %multiple_of3A_535 : i32
        %dma_wait3A_562 = tpu.memref_slice %arg9[%add3A_561] : memref<6400000xf32, #tpu.memory_space<hbm>> -> memref<1536xf32, #tpu.memory_space<hbm>>
        %dma_wait3A_563 = tpu.memref_slice %arg9[%add3A_561] : memref<6400000xf32, #tpu.memory_space<hbm>> -> memref<1536xf32, #tpu.memory_space<hbm>>
        tpu.wait_dma2 semaphore(%arg24 : memref<!tpu.dma_semaphore, #tpu.memory_space<semaphore_mem>>) src(%arg16 : memref<1536xf32, #tpu.memory_space<vmem>>) dst(%dma_wait3A_563 : memref<1536xf32, #tpu.memory_space<hbm>>)
      } else {
      }
      %parallel_loop3A_545 = arith.constant 0 : i32
      %parallel_loop3A_546 = arith.constant 96 : i32
      %parallel_loop3A_547 = arith.constant 1 : i32
      scf.for %parallel_loop3A_560 = %parallel_loop3A_545 to %parallel_loop3A_546 step %parallel_loop3A_547  : i32 {
        %parallel_loop3A_561 = arith.constant 16 : i32
        %parallel_loop3A_562 = arith.muli %parallel_loop3A_560, %parallel_loop3A_561 : i32
        %parallel_loop3A_563 = arith.index_cast %parallel_loop3A_562 : i32 to index
        %parallel_loop3A_564 = tpu.vector_load %arg12[%parallel_loop3A_563] {strides = array<i32>} : memref<1536xi32, #tpu.memory_space<vmem>>, vector<16xi32>,
        %parallel_loop3A_565 = arith.index_cast %parallel_loop3A_562 : i32 to index
        %parallel_loop3A_566 = tpu.vector_load %arg14[%parallel_loop3A_565] {strides = array<i32>} : memref<1536xi32, #tpu.memory_space<vmem>>, vector<16xi32>,
        %parallel_loop3A_567 = tpu.vector_load_idx %arg10[%parallel_loop3A_564] : memref<100000xf32, #tpu.memory_space<vmem>>[vector<16xi32>], vector<16xf32>,
        %parallel_loop3A_568 = tpu.vector_load_idx %arg10[%parallel_loop3A_566] : memref<100000xf32, #tpu.memory_space<vmem>>[vector<16xi32>], vector<16xf32>,
        %parallel_loop3A_569 = arith.subf %parallel_loop3A_568, %parallel_loop3A_567 : vector<16xf32>
        %parallel_loop3A_570 = arith.index_cast %parallel_loop3A_562 : i32 to index
        %parallel_loop3A_571 = tpu.vector_load %arg16[%parallel_loop3A_570] {strides = array<i32>} : memref<1536xf32, #tpu.memory_space<vmem>>, vector<16xf32>,
        tpu.vector_store %arg16[%parallel_loop3A_570], %parallel_loop3A_569 {strides = array<i32>} : memref<1536xf32, #tpu.memory_space<vmem>>, vector<16xf32>,
      } {sc.loop_unroll_factor = 4 : i64, sc.parallel_access}
      %add3A_548 = arith.constant 0 : i32
      %add3A_549 = arith.addi %add3A_548, %multiple_of3A_535 : i32
      %dma_start3A_550 = tpu.memref_slice %arg9[%add3A_549] : memref<6400000xf32, #tpu.memory_space<hbm>> -> memref<1536xf32, #tpu.memory_space<hbm>>
      %dma_start3A_551 = tpu.memref_slice %arg9[%add3A_549] : memref<6400000xf32, #tpu.memory_space<hbm>> -> memref<1536xf32, #tpu.memory_space<hbm>>
      tpu.enqueue_dma source(%arg16 : memref<1536xf32, #tpu.memory_space<vmem>>) target(%dma_start3A_551 : memref<1536xf32, #tpu.memory_space<hbm>>) target_semaphore(%arg24 : memref<!tpu.dma_semaphore, #tpu.memory_space<semaphore_mem>>)
      %add3A_552 = arith.constant 2 : i32
      %add3A_553 = arith.addi %add3A_526, %add3A_552 : i32
      %lt3A_554 = arith.constant 66 : i32
      %lt3A_555 = arith.cmpi slt, %add3A_553, %lt3A_554 : i32
      %convert_element_type3A_556 = arith.extui %lt3A_555 : i1 to i32
      %cond3A_557 = arith.constant 0 : i32
      %cond3A_558 = arith.cmpi ne, %convert_element_type3A_556, %cond3A_557 : i32
      scf.if %cond3A_558 {
        %add3A_560 = arith.constant 2 : i32
        %add3A_561 = arith.addi %add3A_526, %add3A_560 : i32
        %mul3A_562 = arith.constant 12 : i32
        %mul3A_563 = arith.muli %add3A_561, %mul3A_562 : i32
        %sub3A_564 = arith.constant 12 : i32
        %sub3A_565 = arith.subi %add3A_3, %sub3A_564 : i32
        %min3A_566 = arith.minsi %mul3A_563, %sub3A_565 : i32
        %add3A_567 = arith.addi %add3A_7, %min3A_566 : i32
        %mul3A_568 = arith.constant 128 : i32
        %mul3A_569 = arith.muli %add3A_567, %mul3A_568 : i32
        %multiple_of3A_570 = tpu.assume_multiple %mul3A_569, 128 : i32
        %dma_start3A_571 = tpu.memref_slice %arg5[%multiple_of3A_570] : memref<3200000xi32, #tpu.memory_space<hbm>> -> memref<1536xi32, #tpu.memory_space<hbm>>
        %dma_start3A_572 = tpu.memref_slice %arg5[%multiple_of3A_570] : memref<3200000xi32, #tpu.memory_space<hbm>> -> memref<1536xi32, #tpu.memory_space<hbm>>
        tpu.enqueue_dma source(%dma_start3A_572 : memref<1536xi32, #tpu.memory_space<hbm>>) target(%arg12 : memref<1536xi32, #tpu.memory_space<vmem>>) target_semaphore(%arg22 : memref<!tpu.dma_semaphore, #tpu.memory_space<semaphore_mem>>)
        %dma_start3A_573 = tpu.memref_slice %arg6[%multiple_of3A_570] : memref<3200000xi32, #tpu.memory_space<hbm>> -> memref<1536xi32, #tpu.memory_space<hbm>>
        %dma_start3A_574 = tpu.memref_slice %arg6[%multiple_of3A_570] : memref<3200000xi32, #tpu.memory_space<hbm>> -> memref<1536xi32, #tpu.memory_space<hbm>>
        tpu.enqueue_dma source(%dma_start3A_574 : memref<1536xi32, #tpu.memory_space<hbm>>) target(%arg14 : memref<1536xi32, #tpu.memory_space<vmem>>) target_semaphore(%arg22 : memref<!tpu.dma_semaphore, #tpu.memory_space<semaphore_mem>>)
      } else {
      }
      %scan3A_559 = arith.constant 0 : i32
      scf.yield %scan3A_559 : i32
    }
    %scan3A_34 = arith.constant 33 : i32
    %sub3A_35 = arith.constant 12 : i32
    %sub3A_36 = arith.subi %add3A_3, %sub3A_35 : i32
    %min3A_37 = arith.constant 768 : i32
    %min3A_38 = arith.minsi %min3A_37, %sub3A_36 : i32
    %add3A_39 = arith.addi %add3A_7, %min3A_38 : i32
    %mul3A_40 = arith.constant 128 : i32
    %mul3A_41 = arith.muli %add3A_39, %mul3A_40 : i32
    %multiple_of3A_42 = tpu.assume_multiple %mul3A_41, 128 : i32
    %add3A_43 = arith.constant 0 : i32
    %add3A_44 = arith.addi %add3A_43, %multiple_of3A_42 : i32
    %dma_wait3A = tpu.memref_slice %arg9[%add3A_44] : memref<6400000xf32, #tpu.memory_space<hbm>> -> memref<1536xf32, #tpu.memory_space<hbm>>
    %dma_wait3A_45 = tpu.memref_slice %arg9[%add3A_44] : memref<6400000xf32, #tpu.memory_space<hbm>> -> memref<1536xf32, #tpu.memory_space<hbm>>
    tpu.wait_dma2 semaphore(%arg23 : memref<!tpu.dma_semaphore, #tpu.memory_space<semaphore_mem>>) src(%arg15 : memref<1536xf32, #tpu.memory_space<vmem>>) dst(%dma_wait3A_45 : memref<1536xf32, #tpu.memory_space<hbm>>)
    %sub3A_46 = arith.constant 12 : i32
    %sub3A_47 = arith.subi %add3A_3, %sub3A_46 : i32
    %min3A_48 = arith.constant 780 : i32
    %min3A_49 = arith.minsi %min3A_48, %sub3A_47 : i32
    %add3A_50 = arith.addi %add3A_7, %min3A_49 : i32
    %mul3A_51 = arith.constant 128 : i32
    %mul3A_52 = arith.muli %add3A_50, %mul3A_51 : i32
    %multiple_of3A_53 = tpu.assume_multiple %mul3A_52, 128 : i32
    %add3A_54 = arith.constant 0 : i32
    %add3A_55 = arith.addi %add3A_54, %multiple_of3A_53 : i32
    %dma_wait3A_56 = tpu.memref_slice %arg9[%add3A_55] : memref<6400000xf32, #tpu.memory_space<hbm>> -> memref<1536xf32, #tpu.memory_space<hbm>>
    %dma_wait3A_57 = tpu.memref_slice %arg9[%add3A_55] : memref<6400000xf32, #tpu.memory_space<hbm>> -> memref<1536xf32, #tpu.memory_space<hbm>>
    tpu.wait_dma2 semaphore(%arg24 : memref<!tpu.dma_semaphore, #tpu.memory_space<semaphore_mem>>) src(%arg16 : memref<1536xf32, #tpu.memory_space<vmem>>) dst(%dma_wait3A_57 : memref<1536xf32, #tpu.memory_space<hbm>>)
    "tpu.region"() ({
      %run_scoped3A = tpu.sem_alloc : memref<!tpu.dma_semaphore, #tpu.memory_space<semaphore_mem>>
      tpu.enqueue_dma source(%arg3 : memref<100000xf32, #tpu.memory_space<hbm>>) target(%arg10 : memref<100000xf32, #tpu.memory_space<vmem>>) target_semaphore(%run_scoped3A : memref<!tpu.dma_semaphore, #tpu.memory_space<semaphore_mem>>)
      tpu.wait_dma2 semaphore(%run_scoped3A : memref<!tpu.dma_semaphore, #tpu.memory_space<semaphore_mem>>) src(%arg3 : memref<100000xf32, #tpu.memory_space<hbm>>) dst(%arg10 : memref<100000xf32, #tpu.memory_space<vmem>>)
      tpu.yield
    }) : () -> ()
    %sub3A_58 = arith.constant 12 : i32
    %sub3A_59 = arith.subi %add3A_3, %sub3A_58 : i32
    %min3A_60 = arith.constant 0 : i32
    %min3A_61 = arith.minsi %min3A_60, %sub3A_59 : i32
    %add3A_62 = arith.addi %add3A_7, %min3A_61 : i32
    %mul3A_63 = arith.constant 128 : i32
    %mul3A_64 = arith.muli %add3A_62, %mul3A_63 : i32
    %multiple_of3A_65 = tpu.assume_multiple %mul3A_64, 128 : i32
    %dma_start3A_66 = tpu.memref_slice %arg5[%multiple_of3A_65] : memref<3200000xi32, #tpu.memory_space<hbm>> -> memref<1536xi32, #tpu.memory_space<hbm>>
    %dma_start3A_67 = tpu.memref_slice %arg5[%multiple_of3A_65] : memref<3200000xi32, #tpu.memory_space<hbm>> -> memref<1536xi32, #tpu.memory_space<hbm>>
    tpu.enqueue_dma source(%dma_start3A_67 : memref<1536xi32, #tpu.memory_space<hbm>>) target(%arg11 : memref<1536xi32, #tpu.memory_space<vmem>>) target_semaphore(%arg21 : memref<!tpu.dma_semaphore, #tpu.memory_space<semaphore_mem>>)
    %dma_start3A_68 = tpu.memref_slice %arg6[%multiple_of3A_65] : memref<3200000xi32, #tpu.memory_space<hbm>> -> memref<1536xi32, #tpu.memory_space<hbm>>
    %dma_start3A_69 = tpu.memref_slice %arg6[%multiple_of3A_65] : memref<3200000xi32, #tpu.memory_space<hbm>> -> memref<1536xi32, #tpu.memory_space<hbm>>
    tpu.enqueue_dma source(%dma_start3A_69 : memref<1536xi32, #tpu.memory_space<hbm>>) target(%arg13 : memref<1536xi32, #tpu.memory_space<vmem>>) target_semaphore(%arg21 : memref<!tpu.dma_semaphore, #tpu.memory_space<semaphore_mem>>)
    %sub3A_70 = arith.constant 12 : i32
    %sub3A_71 = arith.subi %add3A_3, %sub3A_70 : i32
    %min3A_72 = arith.constant 12 : i32
    %min3A_73 = arith.minsi %min3A_72, %sub3A_71 : i32
    %add3A_74 = arith.addi %add3A_7, %min3A_73 : i32
    %mul3A_75 = arith.constant 128 : i32
    %mul3A_76 = arith.muli %add3A_74, %mul3A_75 : i32
    %multiple_of3A_77 = tpu.assume_multiple %mul3A_76, 128 : i32
    %dma_start3A_78 = tpu.memref_slice %arg5[%multiple_of3A_77] : memref<3200000xi32, #tpu.memory_space<hbm>> -> memref<1536xi32, #tpu.memory_space<hbm>>
    %dma_start3A_79 = tpu.memref_slice %arg5[%multiple_of3A_77] : memref<3200000xi32, #tpu.memory_space<hbm>> -> memref<1536xi32, #tpu.memory_space<hbm>>
    tpu.enqueue_dma source(%dma_start3A_79 : memref<1536xi32, #tpu.memory_space<hbm>>) target(%arg12 : memref<1536xi32, #tpu.memory_space<vmem>>) target_semaphore(%arg22 : memref<!tpu.dma_semaphore, #tpu.memory_space<semaphore_mem>>)
    %dma_start3A_80 = tpu.memref_slice %arg6[%multiple_of3A_77] : memref<3200000xi32, #tpu.memory_space<hbm>> -> memref<1536xi32, #tpu.memory_space<hbm>>
    %dma_start3A_81 = tpu.memref_slice %arg6[%multiple_of3A_77] : memref<3200000xi32, #tpu.memory_space<hbm>> -> memref<1536xi32, #tpu.memory_space<hbm>>
    tpu.enqueue_dma source(%dma_start3A_81 : memref<1536xi32, #tpu.memory_space<hbm>>) target(%arg14 : memref<1536xi32, #tpu.memory_space<vmem>>) target_semaphore(%arg22 : memref<!tpu.dma_semaphore, #tpu.memory_space<semaphore_mem>>)
    %scan3A_82 = arith.constant 0 : i32
    %scan3A_83 = arith.constant 0 : i32
    %scan3A_84 = arith.constant 33 : i32
    %scan3A_85 = arith.addi %scan3A_83, %scan3A_84 : i32
    %scan3A_86 = arith.constant 1 : i32
    %scan3A_87 = scf.for %scan3A_488 = %scan3A_83 to %scan3A_85 step %scan3A_86 iter_args(%scan3A_489 = %scan3A_82) -> (i32)  : i32 {
      %mul3A_490 = arith.constant 2 : i32
      %mul3A_491 = arith.muli %mul3A_490, %scan3A_488 : i32
      %add3A_492 = arith.constant 0 : i32
      %add3A_493 = arith.addi %mul3A_491, %add3A_492 : i32
      %mul3A_494 = arith.constant 12 : i32
      %mul3A_495 = arith.muli %add3A_493, %mul3A_494 : i32
      %sub3A_496 = arith.constant 12 : i32
      %sub3A_497 = arith.subi %add3A_3, %sub3A_496 : i32
      %min3A_498 = arith.minsi %mul3A_495, %sub3A_497 : i32
      %add3A_499 = arith.addi %add3A_7, %min3A_498 : i32
      %mul3A_500 = arith.constant 128 : i32
      %mul3A_501 = arith.muli %add3A_499, %mul3A_500 : i32
      %multiple_of3A_502 = tpu.assume_multiple %mul3A_501, 128 : i32
      %dma_wait3A_503 = tpu.memref_slice %arg5[%multiple_of3A_502] : memref<3200000xi32, #tpu.memory_space<hbm>> -> memref<1536xi32, #tpu.memory_space<hbm>>
      %dma_wait3A_504 = tpu.memref_slice %arg5[%multiple_of3A_502] : memref<3200000xi32, #tpu.memory_space<hbm>> -> memref<1536xi32, #tpu.memory_space<hbm>>
      tpu.wait_dma2 semaphore(%arg21 : memref<!tpu.dma_semaphore, #tpu.memory_space<semaphore_mem>>) src(%dma_wait3A_504 : memref<1536xi32, #tpu.memory_space<hbm>>) dst(%arg11 : memref<1536xi32, #tpu.memory_space<vmem>>)
      %dma_wait3A_505 = tpu.memref_slice %arg6[%multiple_of3A_502] : memref<3200000xi32, #tpu.memory_space<hbm>> -> memref<1536xi32, #tpu.memory_space<hbm>>
      %dma_wait3A_506 = tpu.memref_slice %arg6[%multiple_of3A_502] : memref<3200000xi32, #tpu.memory_space<hbm>> -> memref<1536xi32, #tpu.memory_space<hbm>>
      tpu.wait_dma2 semaphore(%arg21 : memref<!tpu.dma_semaphore, #tpu.memory_space<semaphore_mem>>) src(%dma_wait3A_506 : memref<1536xi32, #tpu.memory_space<hbm>>) dst(%arg13 : memref<1536xi32, #tpu.memory_space<vmem>>)
      %ge3A = arith.constant 2 : i32
      %ge3A_507 = arith.cmpi sge, %add3A_493, %ge3A : i32
      %convert_element_type3A_508 = arith.extui %ge3A_507 : i1 to i32
      %cond3A = arith.constant 0 : i32
      %cond3A_509 = arith.cmpi ne, %convert_element_type3A_508, %cond3A : i32
      scf.if %cond3A_509 {
        %add3A_560 = arith.constant 3200000 : i32
        %add3A_561 = arith.addi %add3A_560, %multiple_of3A_502 : i32
        %dma_wait3A_562 = tpu.memref_slice %arg9[%add3A_561] : memref<6400000xf32, #tpu.memory_space<hbm>> -> memref<1536xf32, #tpu.memory_space<hbm>>
        %dma_wait3A_563 = tpu.memref_slice %arg9[%add3A_561] : memref<6400000xf32, #tpu.memory_space<hbm>> -> memref<1536xf32, #tpu.memory_space<hbm>>
        tpu.wait_dma2 semaphore(%arg23 : memref<!tpu.dma_semaphore, #tpu.memory_space<semaphore_mem>>) src(%arg15 : memref<1536xf32, #tpu.memory_space<vmem>>) dst(%dma_wait3A_563 : memref<1536xf32, #tpu.memory_space<hbm>>)
      } else {
      }
      %parallel_loop3A = arith.constant 0 : i32
      %parallel_loop3A_510 = arith.constant 96 : i32
      %parallel_loop3A_511 = arith.constant 1 : i32
      scf.for %parallel_loop3A_560 = %parallel_loop3A to %parallel_loop3A_510 step %parallel_loop3A_511  : i32 {
        %parallel_loop3A_561 = arith.constant 16 : i32
        %parallel_loop3A_562 = arith.muli %parallel_loop3A_560, %parallel_loop3A_561 : i32
        %parallel_loop3A_563 = arith.index_cast %parallel_loop3A_562 : i32 to index
        %parallel_loop3A_564 = tpu.vector_load %arg11[%parallel_loop3A_563] {strides = array<i32>} : memref<1536xi32, #tpu.memory_space<vmem>>, vector<16xi32>,
        %parallel_loop3A_565 = arith.index_cast %parallel_loop3A_562 : i32 to index
        %parallel_loop3A_566 = tpu.vector_load %arg13[%parallel_loop3A_565] {strides = array<i32>} : memref<1536xi32, #tpu.memory_space<vmem>>, vector<16xi32>,
        %parallel_loop3A_567 = tpu.vector_load_idx %arg10[%parallel_loop3A_564] : memref<100000xf32, #tpu.memory_space<vmem>>[vector<16xi32>], vector<16xf32>,
        %parallel_loop3A_568 = tpu.vector_load_idx %arg10[%parallel_loop3A_566] : memref<100000xf32, #tpu.memory_space<vmem>>[vector<16xi32>], vector<16xf32>,
        %parallel_loop3A_569 = arith.subf %parallel_loop3A_568, %parallel_loop3A_567 : vector<16xf32>
        %parallel_loop3A_570 = arith.index_cast %parallel_loop3A_562 : i32 to index
        %parallel_loop3A_571 = tpu.vector_load %arg15[%parallel_loop3A_570] {strides = array<i32>} : memref<1536xf32, #tpu.memory_space<vmem>>, vector<16xf32>,
        tpu.vector_store %arg15[%parallel_loop3A_570], %parallel_loop3A_569 {strides = array<i32>} : memref<1536xf32, #tpu.memory_space<vmem>>, vector<16xf32>,
      } {sc.loop_unroll_factor = 4 : i64, sc.parallel_access}
      %add3A_512 = arith.constant 3200000 : i32
      %add3A_513 = arith.addi %add3A_512, %multiple_of3A_502 : i32
      %dma_start3A_514 = tpu.memref_slice %arg9[%add3A_513] : memref<6400000xf32, #tpu.memory_space<hbm>> -> memref<1536xf32, #tpu.memory_space<hbm>>
      %dma_start3A_515 = tpu.memref_slice %arg9[%add3A_513] : memref<6400000xf32, #tpu.memory_space<hbm>> -> memref<1536xf32, #tpu.memory_space<hbm>>
      tpu.enqueue_dma source(%arg15 : memref<1536xf32, #tpu.memory_space<vmem>>) target(%dma_start3A_515 : memref<1536xf32, #tpu.memory_space<hbm>>) target_semaphore(%arg23 : memref<!tpu.dma_semaphore, #tpu.memory_space<semaphore_mem>>)
      %add3A_516 = arith.constant 2 : i32
      %add3A_517 = arith.addi %add3A_493, %add3A_516 : i32
      %lt3A_518 = arith.constant 66 : i32
      %lt3A_519 = arith.cmpi slt, %add3A_517, %lt3A_518 : i32
      %convert_element_type3A_520 = arith.extui %lt3A_519 : i1 to i32
      %cond3A_521 = arith.constant 0 : i32
      %cond3A_522 = arith.cmpi ne, %convert_element_type3A_520, %cond3A_521 : i32
      scf.if %cond3A_522 {
        %add3A_560 = arith.constant 2 : i32
        %add3A_561 = arith.addi %add3A_493, %add3A_560 : i32
        %mul3A_562 = arith.constant 12 : i32
        %mul3A_563 = arith.muli %add3A_561, %mul3A_562 : i32
        %sub3A_564 = arith.constant 12 : i32
        %sub3A_565 = arith.subi %add3A_3, %sub3A_564 : i32
        %min3A_566 = arith.minsi %mul3A_563, %sub3A_565 : i32
        %add3A_567 = arith.addi %add3A_7, %min3A_566 : i32
        %mul3A_568 = arith.constant 128 : i32
        %mul3A_569 = arith.muli %add3A_567, %mul3A_568 : i32
        %multiple_of3A_570 = tpu.assume_multiple %mul3A_569, 128 : i32
        %dma_start3A_571 = tpu.memref_slice %arg5[%multiple_of3A_570] : memref<3200000xi32, #tpu.memory_space<hbm>> -> memref<1536xi32, #tpu.memory_space<hbm>>
        %dma_start3A_572 = tpu.memref_slice %arg5[%multiple_of3A_570] : memref<3200000xi32, #tpu.memory_space<hbm>> -> memref<1536xi32, #tpu.memory_space<hbm>>
        tpu.enqueue_dma source(%dma_start3A_572 : memref<1536xi32, #tpu.memory_space<hbm>>) target(%arg11 : memref<1536xi32, #tpu.memory_space<vmem>>) target_semaphore(%arg21 : memref<!tpu.dma_semaphore, #tpu.memory_space<semaphore_mem>>)
        %dma_start3A_573 = tpu.memref_slice %arg6[%multiple_of3A_570] : memref<3200000xi32, #tpu.memory_space<hbm>> -> memref<1536xi32, #tpu.memory_space<hbm>>
        %dma_start3A_574 = tpu.memref_slice %arg6[%multiple_of3A_570] : memref<3200000xi32, #tpu.memory_space<hbm>> -> memref<1536xi32, #tpu.memory_space<hbm>>
        tpu.enqueue_dma source(%dma_start3A_574 : memref<1536xi32, #tpu.memory_space<hbm>>) target(%arg13 : memref<1536xi32, #tpu.memory_space<vmem>>) target_semaphore(%arg21 : memref<!tpu.dma_semaphore, #tpu.memory_space<semaphore_mem>>)
      } else {
      }
      %mul3A_523 = arith.constant 2 : i32
      %mul3A_524 = arith.muli %mul3A_523, %scan3A_488 : i32
      %add3A_525 = arith.constant 1 : i32
      %add3A_526 = arith.addi %mul3A_524, %add3A_525 : i32
      %mul3A_527 = arith.constant 12 : i32
      %mul3A_528 = arith.muli %add3A_526, %mul3A_527 : i32
      %sub3A_529 = arith.constant 12 : i32
      %sub3A_530 = arith.subi %add3A_3, %sub3A_529 : i32
      %min3A_531 = arith.minsi %mul3A_528, %sub3A_530 : i32
      %add3A_532 = arith.addi %add3A_7, %min3A_531 : i32
      %mul3A_533 = arith.constant 128 : i32
      %mul3A_534 = arith.muli %add3A_532, %mul3A_533 : i32
      %multiple_of3A_535 = tpu.assume_multiple %mul3A_534, 128 : i32
      %dma_wait3A_536 = tpu.memref_slice %arg5[%multiple_of3A_535] : memref<3200000xi32, #tpu.memory_space<hbm>> -> memref<1536xi32, #tpu.memory_space<hbm>>
      %dma_wait3A_537 = tpu.memref_slice %arg5[%multiple_of3A_535] : memref<3200000xi32, #tpu.memory_space<hbm>> -> memref<1536xi32, #tpu.memory_space<hbm>>
      tpu.wait_dma2 semaphore(%arg22 : memref<!tpu.dma_semaphore, #tpu.memory_space<semaphore_mem>>) src(%dma_wait3A_537 : memref<1536xi32, #tpu.memory_space<hbm>>) dst(%arg12 : memref<1536xi32, #tpu.memory_space<vmem>>)
      %dma_wait3A_538 = tpu.memref_slice %arg6[%multiple_of3A_535] : memref<3200000xi32, #tpu.memory_space<hbm>> -> memref<1536xi32, #tpu.memory_space<hbm>>
      %dma_wait3A_539 = tpu.memref_slice %arg6[%multiple_of3A_535] : memref<3200000xi32, #tpu.memory_space<hbm>> -> memref<1536xi32, #tpu.memory_space<hbm>>
      tpu.wait_dma2 semaphore(%arg22 : memref<!tpu.dma_semaphore, #tpu.memory_space<semaphore_mem>>) src(%dma_wait3A_539 : memref<1536xi32, #tpu.memory_space<hbm>>) dst(%arg14 : memref<1536xi32, #tpu.memory_space<vmem>>)
      %ge3A_540 = arith.constant 2 : i32
      %ge3A_541 = arith.cmpi sge, %add3A_526, %ge3A_540 : i32
      %convert_element_type3A_542 = arith.extui %ge3A_541 : i1 to i32
      %cond3A_543 = arith.constant 0 : i32
      %cond3A_544 = arith.cmpi ne, %convert_element_type3A_542, %cond3A_543 : i32
      scf.if %cond3A_544 {
        %add3A_560 = arith.constant 3200000 : i32
        %add3A_561 = arith.addi %add3A_560, %multiple_of3A_535 : i32
        %dma_wait3A_562 = tpu.memref_slice %arg9[%add3A_561] : memref<6400000xf32, #tpu.memory_space<hbm>> -> memref<1536xf32, #tpu.memory_space<hbm>>
        %dma_wait3A_563 = tpu.memref_slice %arg9[%add3A_561] : memref<6400000xf32, #tpu.memory_space<hbm>> -> memref<1536xf32, #tpu.memory_space<hbm>>
        tpu.wait_dma2 semaphore(%arg24 : memref<!tpu.dma_semaphore, #tpu.memory_space<semaphore_mem>>) src(%arg16 : memref<1536xf32, #tpu.memory_space<vmem>>) dst(%dma_wait3A_563 : memref<1536xf32, #tpu.memory_space<hbm>>)
      } else {
      }
      %parallel_loop3A_545 = arith.constant 0 : i32
      %parallel_loop3A_546 = arith.constant 96 : i32
      %parallel_loop3A_547 = arith.constant 1 : i32
      scf.for %parallel_loop3A_560 = %parallel_loop3A_545 to %parallel_loop3A_546 step %parallel_loop3A_547  : i32 {
        %parallel_loop3A_561 = arith.constant 16 : i32
        %parallel_loop3A_562 = arith.muli %parallel_loop3A_560, %parallel_loop3A_561 : i32
        %parallel_loop3A_563 = arith.index_cast %parallel_loop3A_562 : i32 to index
        %parallel_loop3A_564 = tpu.vector_load %arg12[%parallel_loop3A_563] {strides = array<i32>} : memref<1536xi32, #tpu.memory_space<vmem>>, vector<16xi32>,
        %parallel_loop3A_565 = arith.index_cast %parallel_loop3A_562 : i32 to index
        %parallel_loop3A_566 = tpu.vector_load %arg14[%parallel_loop3A_565] {strides = array<i32>} : memref<1536xi32, #tpu.memory_space<vmem>>, vector<16xi32>,
        %parallel_loop3A_567 = tpu.vector_load_idx %arg10[%parallel_loop3A_564] : memref<100000xf32, #tpu.memory_space<vmem>>[vector<16xi32>], vector<16xf32>,
        %parallel_loop3A_568 = tpu.vector_load_idx %arg10[%parallel_loop3A_566] : memref<100000xf32, #tpu.memory_space<vmem>>[vector<16xi32>], vector<16xf32>,
        %parallel_loop3A_569 = arith.subf %parallel_loop3A_568, %parallel_loop3A_567 : vector<16xf32>
        %parallel_loop3A_570 = arith.index_cast %parallel_loop3A_562 : i32 to index
        %parallel_loop3A_571 = tpu.vector_load %arg16[%parallel_loop3A_570] {strides = array<i32>} : memref<1536xf32, #tpu.memory_space<vmem>>, vector<16xf32>,
        tpu.vector_store %arg16[%parallel_loop3A_570], %parallel_loop3A_569 {strides = array<i32>} : memref<1536xf32, #tpu.memory_space<vmem>>, vector<16xf32>,
      } {sc.loop_unroll_factor = 4 : i64, sc.parallel_access}
      %add3A_548 = arith.constant 3200000 : i32
      %add3A_549 = arith.addi %add3A_548, %multiple_of3A_535 : i32
      %dma_start3A_550 = tpu.memref_slice %arg9[%add3A_549] : memref<6400000xf32, #tpu.memory_space<hbm>> -> memref<1536xf32, #tpu.memory_space<hbm>>
      %dma_start3A_551 = tpu.memref_slice %arg9[%add3A_549] : memref<6400000xf32, #tpu.memory_space<hbm>> -> memref<1536xf32, #tpu.memory_space<hbm>>
      tpu.enqueue_dma source(%arg16 : memref<1536xf32, #tpu.memory_space<vmem>>) target(%dma_start3A_551 : memref<1536xf32, #tpu.memory_space<hbm>>) target_semaphore(%arg24 : memref<!tpu.dma_semaphore, #tpu.memory_space<semaphore_mem>>)
      %add3A_552 = arith.constant 2 : i32
      %add3A_553 = arith.addi %add3A_526, %add3A_552 : i32
      %lt3A_554 = arith.constant 66 : i32
      %lt3A_555 = arith.cmpi slt, %add3A_553, %lt3A_554 : i32
      %convert_element_type3A_556 = arith.extui %lt3A_555 : i1 to i32
      %cond3A_557 = arith.constant 0 : i32
      %cond3A_558 = arith.cmpi ne, %convert_element_type3A_556, %cond3A_557 : i32
      scf.if %cond3A_558 {
        %add3A_560 = arith.constant 2 : i32
        %add3A_561 = arith.addi %add3A_526, %add3A_560 : i32
        %mul3A_562 = arith.constant 12 : i32
        %mul3A_563 = arith.muli %add3A_561, %mul3A_562 : i32
        %sub3A_564 = arith.constant 12 : i32
        %sub3A_565 = arith.subi %add3A_3, %sub3A_564 : i32
        %min3A_566 = arith.minsi %mul3A_563, %sub3A_565 : i32
        %add3A_567 = arith.addi %add3A_7, %min3A_566 : i32
        %mul3A_568 = arith.constant 128 : i32
        %mul3A_569 = arith.muli %add3A_567, %mul3A_568 : i32
        %multiple_of3A_570 = tpu.assume_multiple %mul3A_569, 128 : i32
        %dma_start3A_571 = tpu.memref_slice %arg5[%multiple_of3A_570] : memref<3200000xi32, #tpu.memory_space<hbm>> -> memref<1536xi32, #tpu.memory_space<hbm>>
        %dma_start3A_572 = tpu.memref_slice %arg5[%multiple_of3A_570] : memref<3200000xi32, #tpu.memory_space<hbm>> -> memref<1536xi32, #tpu.memory_space<hbm>>
        tpu.enqueue_dma source(%dma_start3A_572 : memref<1536xi32, #tpu.memory_space<hbm>>) target(%arg12 : memref<1536xi32, #tpu.memory_space<vmem>>) target_semaphore(%arg22 : memref<!tpu.dma_semaphore, #tpu.memory_space<semaphore_mem>>)
        %dma_start3A_573 = tpu.memref_slice %arg6[%multiple_of3A_570] : memref<3200000xi32, #tpu.memory_space<hbm>> -> memref<1536xi32, #tpu.memory_space<hbm>>
        %dma_start3A_574 = tpu.memref_slice %arg6[%multiple_of3A_570] : memref<3200000xi32, #tpu.memory_space<hbm>> -> memref<1536xi32, #tpu.memory_space<hbm>>
        tpu.enqueue_dma source(%dma_start3A_574 : memref<1536xi32, #tpu.memory_space<hbm>>) target(%arg14 : memref<1536xi32, #tpu.memory_space<vmem>>) target_semaphore(%arg22 : memref<!tpu.dma_semaphore, #tpu.memory_space<semaphore_mem>>)
      } else {
      }
      %scan3A_559 = arith.constant 0 : i32
      scf.yield %scan3A_559 : i32
    }
    %scan3A_88 = arith.constant 33 : i32
    %sub3A_89 = arith.constant 12 : i32
    %sub3A_90 = arith.subi %add3A_3, %sub3A_89 : i32
    %min3A_91 = arith.constant 768 : i32
    %min3A_92 = arith.minsi %min3A_91, %sub3A_90 : i32
    %add3A_93 = arith.addi %add3A_7, %min3A_92 : i32
    %mul3A_94 = arith.constant 128 : i32
    %mul3A_95 = arith.muli %add3A_93, %mul3A_94 : i32
    %multiple_of3A_96 = tpu.assume_multiple %mul3A_95, 128 : i32
    %add3A_97 = arith.constant 3200000 : i32
    %add3A_98 = arith.addi %add3A_97, %multiple_of3A_96 : i32
    %dma_wait3A_99 = tpu.memref_slice %arg9[%add3A_98] : memref<6400000xf32, #tpu.memory_space<hbm>> -> memref<1536xf32, #tpu.memory_space<hbm>>
    %dma_wait3A_100 = tpu.memref_slice %arg9[%add3A_98] : memref<6400000xf32, #tpu.memory_space<hbm>> -> memref<1536xf32, #tpu.memory_space<hbm>>
    tpu.wait_dma2 semaphore(%arg23 : memref<!tpu.dma_semaphore, #tpu.memory_space<semaphore_mem>>) src(%arg15 : memref<1536xf32, #tpu.memory_space<vmem>>) dst(%dma_wait3A_100 : memref<1536xf32, #tpu.memory_space<hbm>>)
    %sub3A_101 = arith.constant 12 : i32
    %sub3A_102 = arith.subi %add3A_3, %sub3A_101 : i32
    %min3A_103 = arith.constant 780 : i32
    %min3A_104 = arith.minsi %min3A_103, %sub3A_102 : i32
    %add3A_105 = arith.addi %add3A_7, %min3A_104 : i32
    %mul3A_106 = arith.constant 128 : i32
    %mul3A_107 = arith.muli %add3A_105, %mul3A_106 : i32
    %multiple_of3A_108 = tpu.assume_multiple %mul3A_107, 128 : i32
    %add3A_109 = arith.constant 3200000 : i32
    %add3A_110 = arith.addi %add3A_109, %multiple_of3A_108 : i32
    %dma_wait3A_111 = tpu.memref_slice %arg9[%add3A_110] : memref<6400000xf32, #tpu.memory_space<hbm>> -> memref<1536xf32, #tpu.memory_space<hbm>>
    %dma_wait3A_112 = tpu.memref_slice %arg9[%add3A_110] : memref<6400000xf32, #tpu.memory_space<hbm>> -> memref<1536xf32, #tpu.memory_space<hbm>>
    tpu.wait_dma2 semaphore(%arg24 : memref<!tpu.dma_semaphore, #tpu.memory_space<semaphore_mem>>) src(%arg16 : memref<1536xf32, #tpu.memory_space<vmem>>) dst(%dma_wait3A_112 : memref<1536xf32, #tpu.memory_space<hbm>>)
    "tpu.region"() ({
      %run_scoped3A = tpu.sem_alloc : memref<!tpu.dma_semaphore, #tpu.memory_space<semaphore_mem>>
      tpu.enqueue_dma source(%arg4 : memref<100000xf32, #tpu.memory_space<hbm>>) target(%arg10 : memref<100000xf32, #tpu.memory_space<vmem>>) target_semaphore(%run_scoped3A : memref<!tpu.dma_semaphore, #tpu.memory_space<semaphore_mem>>)
      tpu.wait_dma2 semaphore(%run_scoped3A : memref<!tpu.dma_semaphore, #tpu.memory_space<semaphore_mem>>) src(%arg4 : memref<100000xf32, #tpu.memory_space<hbm>>) dst(%arg10 : memref<100000xf32, #tpu.memory_space<vmem>>)
      tpu.yield
    }) : () -> ()
    %broadcast_in_dim3A = arith.constant 1.000000e+00 : f32
    %broadcast_in_dim3A_113 = vector.broadcast %broadcast_in_dim3A : f32 to vector<16xf32>
    %swap3A = arith.constant 0 : i32
    %swap3A_114 = arith.index_cast %swap3A : i32 to index
    %swap3A_115 = arith.constant 0 : index
    %swap3A_116 = tpu.vector_load %arg19[%swap3A_114, %swap3A_115] {strides = array<i32>} : memref<16x512xf32, #tpu.memory_space<vmem>>, vector<16xf32>,
    tpu.vector_store %arg19[%swap3A_114, %swap3A_115], %broadcast_in_dim3A_113 {strides = array<i32>} : memref<16x512xf32, #tpu.memory_space<vmem>>, vector<16xf32>,
    %swap3A_117 = arith.constant 0 : i32
    %swap3A_118 = arith.index_cast %swap3A_117 : i32 to index
    %swap3A_119 = arith.constant 16 : index
    %swap3A_120 = tpu.vector_load %arg19[%swap3A_118, %swap3A_119] {strides = array<i32>} : memref<16x512xf32, #tpu.memory_space<vmem>>, vector<16xf32>,
    tpu.vector_store %arg19[%swap3A_118, %swap3A_119], %broadcast_in_dim3A_113 {strides = array<i32>} : memref<16x512xf32, #tpu.memory_space<vmem>>, vector<16xf32>,
    %swap3A_121 = arith.constant 0 : i32
    %swap3A_122 = arith.index_cast %swap3A_121 : i32 to index
    %swap3A_123 = arith.constant 32 : index
    %swap3A_124 = tpu.vector_load %arg19[%swap3A_122, %swap3A_123] {strides = array<i32>} : memref<16x512xf32, #tpu.memory_space<vmem>>, vector<16xf32>,
    tpu.vector_store %arg19[%swap3A_122, %swap3A_123], %broadcast_in_dim3A_113 {strides = array<i32>} : memref<16x512xf32, #tpu.memory_space<vmem>>, vector<16xf32>,
    %swap3A_125 = arith.constant 0 : i32
    %swap3A_126 = arith.index_cast %swap3A_125 : i32 to index
    %swap3A_127 = arith.constant 48 : index
    %swap3A_128 = tpu.vector_load %arg19[%swap3A_126, %swap3A_127] {strides = array<i32>} : memref<16x512xf32, #tpu.memory_space<vmem>>, vector<16xf32>,
    tpu.vector_store %arg19[%swap3A_126, %swap3A_127], %broadcast_in_dim3A_113 {strides = array<i32>} : memref<16x512xf32, #tpu.memory_space<vmem>>, vector<16xf32>,
    %swap3A_129 = arith.constant 0 : i32
    %swap3A_130 = arith.index_cast %swap3A_129 : i32 to index
    %swap3A_131 = arith.constant 64 : index
    %swap3A_132 = tpu.vector_load %arg19[%swap3A_130, %swap3A_131] {strides = array<i32>} : memref<16x512xf32, #tpu.memory_space<vmem>>, vector<16xf32>,
    tpu.vector_store %arg19[%swap3A_130, %swap3A_131], %broadcast_in_dim3A_113 {strides = array<i32>} : memref<16x512xf32, #tpu.memory_space<vmem>>, vector<16xf32>,
    %swap3A_133 = arith.constant 0 : i32
    %swap3A_134 = arith.index_cast %swap3A_133 : i32 to index
    %swap3A_135 = arith.constant 80 : index
    %swap3A_136 = tpu.vector_load %arg19[%swap3A_134, %swap3A_135] {strides = array<i32>} : memref<16x512xf32, #tpu.memory_space<vmem>>, vector<16xf32>,
    tpu.vector_store %arg19[%swap3A_134, %swap3A_135], %broadcast_in_dim3A_113 {strides = array<i32>} : memref<16x512xf32, #tpu.memory_space<vmem>>, vector<16xf32>,
    %swap3A_137 = arith.constant 0 : i32
    %swap3A_138 = arith.index_cast %swap3A_137 : i32 to index
    %swap3A_139 = arith.constant 96 : index
    %swap3A_140 = tpu.vector_load %arg19[%swap3A_138, %swap3A_139] {strides = array<i32>} : memref<16x512xf32, #tpu.memory_space<vmem>>, vector<16xf32>,
    tpu.vector_store %arg19[%swap3A_138, %swap3A_139], %broadcast_in_dim3A_113 {strides = array<i32>} : memref<16x512xf32, #tpu.memory_space<vmem>>, vector<16xf32>,
    %swap3A_141 = arith.constant 0 : i32
    %swap3A_142 = arith.index_cast %swap3A_141 : i32 to index
    %swap3A_143 = arith.constant 112 : index
    %swap3A_144 = tpu.vector_load %arg19[%swap3A_142, %swap3A_143] {strides = array<i32>} : memref<16x512xf32, #tpu.memory_space<vmem>>, vector<16xf32>,
    tpu.vector_store %arg19[%swap3A_142, %swap3A_143], %broadcast_in_dim3A_113 {strides = array<i32>} : memref<16x512xf32, #tpu.memory_space<vmem>>, vector<16xf32>,
    %swap3A_145 = arith.constant 0 : i32
    %swap3A_146 = arith.index_cast %swap3A_145 : i32 to index
    %swap3A_147 = arith.constant 128 : index
    %swap3A_148 = tpu.vector_load %arg19[%swap3A_146, %swap3A_147] {strides = array<i32>} : memref<16x512xf32, #tpu.memory_space<vmem>>, vector<16xf32>,
    tpu.vector_store %arg19[%swap3A_146, %swap3A_147], %broadcast_in_dim3A_113 {strides = array<i32>} : memref<16x512xf32, #tpu.memory_space<vmem>>, vector<16xf32>,
    %swap3A_149 = arith.constant 0 : i32
    %swap3A_150 = arith.index_cast %swap3A_149 : i32 to index
    %swap3A_151 = arith.constant 144 : index
    %swap3A_152 = tpu.vector_load %arg19[%swap3A_150, %swap3A_151] {strides = array<i32>} : memref<16x512xf32, #tpu.memory_space<vmem>>, vector<16xf32>,
    tpu.vector_store %arg19[%swap3A_150, %swap3A_151], %broadcast_in_dim3A_113 {strides = array<i32>} : memref<16x512xf32, #tpu.memory_space<vmem>>, vector<16xf32>,
    %swap3A_153 = arith.constant 0 : i32
    %swap3A_154 = arith.index_cast %swap3A_153 : i32 to index
    %swap3A_155 = arith.constant 160 : index
    %swap3A_156 = tpu.vector_load %arg19[%swap3A_154, %swap3A_155] {strides = array<i32>} : memref<16x512xf32, #tpu.memory_space<vmem>>, vector<16xf32>,
    tpu.vector_store %arg19[%swap3A_154, %swap3A_155], %broadcast_in_dim3A_113 {strides = array<i32>} : memref<16x512xf32, #tpu.memory_space<vmem>>, vector<16xf32>,
    %swap3A_157 = arith.constant 0 : i32
    %swap3A_158 = arith.index_cast %swap3A_157 : i32 to index
    %swap3A_159 = arith.constant 176 : index
    %swap3A_160 = tpu.vector_load %arg19[%swap3A_158, %swap3A_159] {strides = array<i32>} : memref<16x512xf32, #tpu.memory_space<vmem>>, vector<16xf32>,
    tpu.vector_store %arg19[%swap3A_158, %swap3A_159], %broadcast_in_dim3A_113 {strides = array<i32>} : memref<16x512xf32, #tpu.memory_space<vmem>>, vector<16xf32>,
    %swap3A_161 = arith.constant 0 : i32
    %swap3A_162 = arith.index_cast %swap3A_161 : i32 to index
    %swap3A_163 = arith.constant 192 : index
    %swap3A_164 = tpu.vector_load %arg19[%swap3A_162, %swap3A_163] {strides = array<i32>} : memref<16x512xf32, #tpu.memory_space<vmem>>, vector<16xf32>,
    tpu.vector_store %arg19[%swap3A_162, %swap3A_163], %broadcast_in_dim3A_113 {strides = array<i32>} : memref<16x512xf32, #tpu.memory_space<vmem>>, vector<16xf32>,
    %swap3A_165 = arith.constant 0 : i32
    %swap3A_166 = arith.index_cast %swap3A_165 : i32 to index
    %swap3A_167 = arith.constant 208 : index
    %swap3A_168 = tpu.vector_load %arg19[%swap3A_166, %swap3A_167] {strides = array<i32>} : memref<16x512xf32, #tpu.memory_space<vmem>>, vector<16xf32>,
    tpu.vector_store %arg19[%swap3A_166, %swap3A_167], %broadcast_in_dim3A_113 {strides = array<i32>} : memref<16x512xf32, #tpu.memory_space<vmem>>, vector<16xf32>,
    %swap3A_169 = arith.constant 0 : i32
    %swap3A_170 = arith.index_cast %swap3A_169 : i32 to index
    %swap3A_171 = arith.constant 224 : index
    %swap3A_172 = tpu.vector_load %arg19[%swap3A_170, %swap3A_171] {strides = array<i32>} : memref<16x512xf32, #tpu.memory_space<vmem>>, vector<16xf32>,
    tpu.vector_store %arg19[%swap3A_170, %swap3A_171], %broadcast_in_dim3A_113 {strides = array<i32>} : memref<16x512xf32, #tpu.memory_space<vmem>>, vector<16xf32>,
    %swap3A_173 = arith.constant 0 : i32
    %swap3A_174 = arith.index_cast %swap3A_173 : i32 to index
    %swap3A_175 = arith.constant 240 : index
    %swap3A_176 = tpu.vector_load %arg19[%swap3A_174, %swap3A_175] {strides = array<i32>} : memref<16x512xf32, #tpu.memory_space<vmem>>, vector<16xf32>,
    tpu.vector_store %arg19[%swap3A_174, %swap3A_175], %broadcast_in_dim3A_113 {strides = array<i32>} : memref<16x512xf32, #tpu.memory_space<vmem>>, vector<16xf32>,
    %swap3A_177 = arith.constant 0 : i32
    %swap3A_178 = arith.index_cast %swap3A_177 : i32 to index
    %swap3A_179 = arith.constant 256 : index
    %swap3A_180 = tpu.vector_load %arg19[%swap3A_178, %swap3A_179] {strides = array<i32>} : memref<16x512xf32, #tpu.memory_space<vmem>>, vector<16xf32>,
    tpu.vector_store %arg19[%swap3A_178, %swap3A_179], %broadcast_in_dim3A_113 {strides = array<i32>} : memref<16x512xf32, #tpu.memory_space<vmem>>, vector<16xf32>,
    %swap3A_181 = arith.constant 0 : i32
    %swap3A_182 = arith.index_cast %swap3A_181 : i32 to index
    %swap3A_183 = arith.constant 272 : index
    %swap3A_184 = tpu.vector_load %arg19[%swap3A_182, %swap3A_183] {strides = array<i32>} : memref<16x512xf32, #tpu.memory_space<vmem>>, vector<16xf32>,
    tpu.vector_store %arg19[%swap3A_182, %swap3A_183], %broadcast_in_dim3A_113 {strides = array<i32>} : memref<16x512xf32, #tpu.memory_space<vmem>>, vector<16xf32>,
    %swap3A_185 = arith.constant 0 : i32
    %swap3A_186 = arith.index_cast %swap3A_185 : i32 to index
    %swap3A_187 = arith.constant 288 : index
    %swap3A_188 = tpu.vector_load %arg19[%swap3A_186, %swap3A_187] {strides = array<i32>} : memref<16x512xf32, #tpu.memory_space<vmem>>, vector<16xf32>,
    tpu.vector_store %arg19[%swap3A_186, %swap3A_187], %broadcast_in_dim3A_113 {strides = array<i32>} : memref<16x512xf32, #tpu.memory_space<vmem>>, vector<16xf32>,
    %swap3A_189 = arith.constant 0 : i32
    %swap3A_190 = arith.index_cast %swap3A_189 : i32 to index
    %swap3A_191 = arith.constant 304 : index
    %swap3A_192 = tpu.vector_load %arg19[%swap3A_190, %swap3A_191] {strides = array<i32>} : memref<16x512xf32, #tpu.memory_space<vmem>>, vector<16xf32>,
    tpu.vector_store %arg19[%swap3A_190, %swap3A_191], %broadcast_in_dim3A_113 {strides = array<i32>} : memref<16x512xf32, #tpu.memory_space<vmem>>, vector<16xf32>,
    %swap3A_193 = arith.constant 0 : i32
    %swap3A_194 = arith.index_cast %swap3A_193 : i32 to index
    %swap3A_195 = arith.constant 320 : index
    %swap3A_196 = tpu.vector_load %arg19[%swap3A_194, %swap3A_195] {strides = array<i32>} : memref<16x512xf32, #tpu.memory_space<vmem>>, vector<16xf32>,
    tpu.vector_store %arg19[%swap3A_194, %swap3A_195], %broadcast_in_dim3A_113 {strides = array<i32>} : memref<16x512xf32, #tpu.memory_space<vmem>>, vector<16xf32>,
    %swap3A_197 = arith.constant 0 : i32
    %swap3A_198 = arith.index_cast %swap3A_197 : i32 to index
    %swap3A_199 = arith.constant 336 : index
    %swap3A_200 = tpu.vector_load %arg19[%swap3A_198, %swap3A_199] {strides = array<i32>} : memref<16x512xf32, #tpu.memory_space<vmem>>, vector<16xf32>,
    tpu.vector_store %arg19[%swap3A_198, %swap3A_199], %broadcast_in_dim3A_113 {strides = array<i32>} : memref<16x512xf32, #tpu.memory_space<vmem>>, vector<16xf32>,
    %swap3A_201 = arith.constant 0 : i32
    %swap3A_202 = arith.index_cast %swap3A_201 : i32 to index
    %swap3A_203 = arith.constant 352 : index
    %swap3A_204 = tpu.vector_load %arg19[%swap3A_202, %swap3A_203] {strides = array<i32>} : memref<16x512xf32, #tpu.memory_space<vmem>>, vector<16xf32>,
    tpu.vector_store %arg19[%swap3A_202, %swap3A_203], %broadcast_in_dim3A_113 {strides = array<i32>} : memref<16x512xf32, #tpu.memory_space<vmem>>, vector<16xf32>,
    %swap3A_205 = arith.constant 0 : i32
    %swap3A_206 = arith.index_cast %swap3A_205 : i32 to index
    %swap3A_207 = arith.constant 368 : index
    %swap3A_208 = tpu.vector_load %arg19[%swap3A_206, %swap3A_207] {strides = array<i32>} : memref<16x512xf32, #tpu.memory_space<vmem>>, vector<16xf32>,
    tpu.vector_store %arg19[%swap3A_206, %swap3A_207], %broadcast_in_dim3A_113 {strides = array<i32>} : memref<16x512xf32, #tpu.memory_space<vmem>>, vector<16xf32>,
    %swap3A_209 = arith.constant 0 : i32
    %swap3A_210 = arith.index_cast %swap3A_209 : i32 to index
    %swap3A_211 = arith.constant 384 : index
    %swap3A_212 = tpu.vector_load %arg19[%swap3A_210, %swap3A_211] {strides = array<i32>} : memref<16x512xf32, #tpu.memory_space<vmem>>, vector<16xf32>,
    tpu.vector_store %arg19[%swap3A_210, %swap3A_211], %broadcast_in_dim3A_113 {strides = array<i32>} : memref<16x512xf32, #tpu.memory_space<vmem>>, vector<16xf32>,
    %swap3A_213 = arith.constant 0 : i32
    %swap3A_214 = arith.index_cast %swap3A_213 : i32 to index
    %swap3A_215 = arith.constant 400 : index
    %swap3A_216 = tpu.vector_load %arg19[%swap3A_214, %swap3A_215] {strides = array<i32>} : memref<16x512xf32, #tpu.memory_space<vmem>>, vector<16xf32>,
    tpu.vector_store %arg19[%swap3A_214, %swap3A_215], %broadcast_in_dim3A_113 {strides = array<i32>} : memref<16x512xf32, #tpu.memory_space<vmem>>, vector<16xf32>,
    %swap3A_217 = arith.constant 0 : i32
    %swap3A_218 = arith.index_cast %swap3A_217 : i32 to index
    %swap3A_219 = arith.constant 416 : index
    %swap3A_220 = tpu.vector_load %arg19[%swap3A_218, %swap3A_219] {strides = array<i32>} : memref<16x512xf32, #tpu.memory_space<vmem>>, vector<16xf32>,
    tpu.vector_store %arg19[%swap3A_218, %swap3A_219], %broadcast_in_dim3A_113 {strides = array<i32>} : memref<16x512xf32, #tpu.memory_space<vmem>>, vector<16xf32>,
    %swap3A_221 = arith.constant 0 : i32
    %swap3A_222 = arith.index_cast %swap3A_221 : i32 to index
    %swap3A_223 = arith.constant 432 : index
    %swap3A_224 = tpu.vector_load %arg19[%swap3A_222, %swap3A_223] {strides = array<i32>} : memref<16x512xf32, #tpu.memory_space<vmem>>, vector<16xf32>,
    tpu.vector_store %arg19[%swap3A_222, %swap3A_223], %broadcast_in_dim3A_113 {strides = array<i32>} : memref<16x512xf32, #tpu.memory_space<vmem>>, vector<16xf32>,
    %swap3A_225 = arith.constant 0 : i32
    %swap3A_226 = arith.index_cast %swap3A_225 : i32 to index
    %swap3A_227 = arith.constant 448 : index
    %swap3A_228 = tpu.vector_load %arg19[%swap3A_226, %swap3A_227] {strides = array<i32>} : memref<16x512xf32, #tpu.memory_space<vmem>>, vector<16xf32>,
    tpu.vector_store %arg19[%swap3A_226, %swap3A_227], %broadcast_in_dim3A_113 {strides = array<i32>} : memref<16x512xf32, #tpu.memory_space<vmem>>, vector<16xf32>,
    %swap3A_229 = arith.constant 0 : i32
    %swap3A_230 = arith.index_cast %swap3A_229 : i32 to index
    %swap3A_231 = arith.constant 464 : index
    %swap3A_232 = tpu.vector_load %arg19[%swap3A_230, %swap3A_231] {strides = array<i32>} : memref<16x512xf32, #tpu.memory_space<vmem>>, vector<16xf32>,
    tpu.vector_store %arg19[%swap3A_230, %swap3A_231], %broadcast_in_dim3A_113 {strides = array<i32>} : memref<16x512xf32, #tpu.memory_space<vmem>>, vector<16xf32>,
    %swap3A_233 = arith.constant 0 : i32
    %swap3A_234 = arith.index_cast %swap3A_233 : i32 to index
    %swap3A_235 = arith.constant 480 : index
    %swap3A_236 = tpu.vector_load %arg19[%swap3A_234, %swap3A_235] {strides = array<i32>} : memref<16x512xf32, #tpu.memory_space<vmem>>, vector<16xf32>,
    tpu.vector_store %arg19[%swap3A_234, %swap3A_235], %broadcast_in_dim3A_113 {strides = array<i32>} : memref<16x512xf32, #tpu.memory_space<vmem>>, vector<16xf32>,
    %swap3A_237 = arith.constant 0 : i32
    %swap3A_238 = arith.index_cast %swap3A_237 : i32 to index
    %swap3A_239 = arith.constant 496 : index
    %swap3A_240 = tpu.vector_load %arg19[%swap3A_238, %swap3A_239] {strides = array<i32>} : memref<16x512xf32, #tpu.memory_space<vmem>>, vector<16xf32>,
    tpu.vector_store %arg19[%swap3A_238, %swap3A_239], %broadcast_in_dim3A_113 {strides = array<i32>} : memref<16x512xf32, #tpu.memory_space<vmem>>, vector<16xf32>,
    %swap3A_241 = arith.constant 0 : i32
    %swap3A_242 = arith.index_cast %swap3A_241 : i32 to index
    %swap3A_243 = arith.constant 0 : index
    %swap3A_244 = tpu.vector_load %arg20[%swap3A_242, %swap3A_243] {strides = array<i32>} : memref<16x512xf32, #tpu.memory_space<vmem>>, vector<16xf32>,
    tpu.vector_store %arg20[%swap3A_242, %swap3A_243], %broadcast_in_dim3A_113 {strides = array<i32>} : memref<16x512xf32, #tpu.memory_space<vmem>>, vector<16xf32>,
    %swap3A_245 = arith.constant 0 : i32
    %swap3A_246 = arith.index_cast %swap3A_245 : i32 to index
    %swap3A_247 = arith.constant 16 : index
    %swap3A_248 = tpu.vector_load %arg20[%swap3A_246, %swap3A_247] {strides = array<i32>} : memref<16x512xf32, #tpu.memory_space<vmem>>, vector<16xf32>,
    tpu.vector_store %arg20[%swap3A_246, %swap3A_247], %broadcast_in_dim3A_113 {strides = array<i32>} : memref<16x512xf32, #tpu.memory_space<vmem>>, vector<16xf32>,
    %swap3A_249 = arith.constant 0 : i32
    %swap3A_250 = arith.index_cast %swap3A_249 : i32 to index
    %swap3A_251 = arith.constant 32 : index
    %swap3A_252 = tpu.vector_load %arg20[%swap3A_250, %swap3A_251] {strides = array<i32>} : memref<16x512xf32, #tpu.memory_space<vmem>>, vector<16xf32>,
    tpu.vector_store %arg20[%swap3A_250, %swap3A_251], %broadcast_in_dim3A_113 {strides = array<i32>} : memref<16x512xf32, #tpu.memory_space<vmem>>, vector<16xf32>,
    %swap3A_253 = arith.constant 0 : i32
    %swap3A_254 = arith.index_cast %swap3A_253 : i32 to index
    %swap3A_255 = arith.constant 48 : index
    %swap3A_256 = tpu.vector_load %arg20[%swap3A_254, %swap3A_255] {strides = array<i32>} : memref<16x512xf32, #tpu.memory_space<vmem>>, vector<16xf32>,
    tpu.vector_store %arg20[%swap3A_254, %swap3A_255], %broadcast_in_dim3A_113 {strides = array<i32>} : memref<16x512xf32, #tpu.memory_space<vmem>>, vector<16xf32>,
    %swap3A_257 = arith.constant 0 : i32
    %swap3A_258 = arith.index_cast %swap3A_257 : i32 to index
    %swap3A_259 = arith.constant 64 : index
    %swap3A_260 = tpu.vector_load %arg20[%swap3A_258, %swap3A_259] {strides = array<i32>} : memref<16x512xf32, #tpu.memory_space<vmem>>, vector<16xf32>,
    tpu.vector_store %arg20[%swap3A_258, %swap3A_259], %broadcast_in_dim3A_113 {strides = array<i32>} : memref<16x512xf32, #tpu.memory_space<vmem>>, vector<16xf32>,
    %swap3A_261 = arith.constant 0 : i32
    %swap3A_262 = arith.index_cast %swap3A_261 : i32 to index
    %swap3A_263 = arith.constant 80 : index
    %swap3A_264 = tpu.vector_load %arg20[%swap3A_262, %swap3A_263] {strides = array<i32>} : memref<16x512xf32, #tpu.memory_space<vmem>>, vector<16xf32>,
    tpu.vector_store %arg20[%swap3A_262, %swap3A_263], %broadcast_in_dim3A_113 {strides = array<i32>} : memref<16x512xf32, #tpu.memory_space<vmem>>, vector<16xf32>,
    %swap3A_265 = arith.constant 0 : i32
    %swap3A_266 = arith.index_cast %swap3A_265 : i32 to index
    %swap3A_267 = arith.constant 96 : index
    %swap3A_268 = tpu.vector_load %arg20[%swap3A_266, %swap3A_267] {strides = array<i32>} : memref<16x512xf32, #tpu.memory_space<vmem>>, vector<16xf32>,
    tpu.vector_store %arg20[%swap3A_266, %swap3A_267], %broadcast_in_dim3A_113 {strides = array<i32>} : memref<16x512xf32, #tpu.memory_space<vmem>>, vector<16xf32>,
    %swap3A_269 = arith.constant 0 : i32
    %swap3A_270 = arith.index_cast %swap3A_269 : i32 to index
    %swap3A_271 = arith.constant 112 : index
    %swap3A_272 = tpu.vector_load %arg20[%swap3A_270, %swap3A_271] {strides = array<i32>} : memref<16x512xf32, #tpu.memory_space<vmem>>, vector<16xf32>,
    tpu.vector_store %arg20[%swap3A_270, %swap3A_271], %broadcast_in_dim3A_113 {strides = array<i32>} : memref<16x512xf32, #tpu.memory_space<vmem>>, vector<16xf32>,
    %swap3A_273 = arith.constant 0 : i32
    %swap3A_274 = arith.index_cast %swap3A_273 : i32 to index
    %swap3A_275 = arith.constant 128 : index
    %swap3A_276 = tpu.vector_load %arg20[%swap3A_274, %swap3A_275] {strides = array<i32>} : memref<16x512xf32, #tpu.memory_space<vmem>>, vector<16xf32>,
    tpu.vector_store %arg20[%swap3A_274, %swap3A_275], %broadcast_in_dim3A_113 {strides = array<i32>} : memref<16x512xf32, #tpu.memory_space<vmem>>, vector<16xf32>,
    %swap3A_277 = arith.constant 0 : i32
    %swap3A_278 = arith.index_cast %swap3A_277 : i32 to index
    %swap3A_279 = arith.constant 144 : index
    %swap3A_280 = tpu.vector_load %arg20[%swap3A_278, %swap3A_279] {strides = array<i32>} : memref<16x512xf32, #tpu.memory_space<vmem>>, vector<16xf32>,
    tpu.vector_store %arg20[%swap3A_278, %swap3A_279], %broadcast_in_dim3A_113 {strides = array<i32>} : memref<16x512xf32, #tpu.memory_space<vmem>>, vector<16xf32>,
    %swap3A_281 = arith.constant 0 : i32
    %swap3A_282 = arith.index_cast %swap3A_281 : i32 to index
    %swap3A_283 = arith.constant 160 : index
    %swap3A_284 = tpu.vector_load %arg20[%swap3A_282, %swap3A_283] {strides = array<i32>} : memref<16x512xf32, #tpu.memory_space<vmem>>, vector<16xf32>,
    tpu.vector_store %arg20[%swap3A_282, %swap3A_283], %broadcast_in_dim3A_113 {strides = array<i32>} : memref<16x512xf32, #tpu.memory_space<vmem>>, vector<16xf32>,
    %swap3A_285 = arith.constant 0 : i32
    %swap3A_286 = arith.index_cast %swap3A_285 : i32 to index
    %swap3A_287 = arith.constant 176 : index
    %swap3A_288 = tpu.vector_load %arg20[%swap3A_286, %swap3A_287] {strides = array<i32>} : memref<16x512xf32, #tpu.memory_space<vmem>>, vector<16xf32>,
    tpu.vector_store %arg20[%swap3A_286, %swap3A_287], %broadcast_in_dim3A_113 {strides = array<i32>} : memref<16x512xf32, #tpu.memory_space<vmem>>, vector<16xf32>,
    %swap3A_289 = arith.constant 0 : i32
    %swap3A_290 = arith.index_cast %swap3A_289 : i32 to index
    %swap3A_291 = arith.constant 192 : index
    %swap3A_292 = tpu.vector_load %arg20[%swap3A_290, %swap3A_291] {strides = array<i32>} : memref<16x512xf32, #tpu.memory_space<vmem>>, vector<16xf32>,
    tpu.vector_store %arg20[%swap3A_290, %swap3A_291], %broadcast_in_dim3A_113 {strides = array<i32>} : memref<16x512xf32, #tpu.memory_space<vmem>>, vector<16xf32>,
    %swap3A_293 = arith.constant 0 : i32
    %swap3A_294 = arith.index_cast %swap3A_293 : i32 to index
    %swap3A_295 = arith.constant 208 : index
    %swap3A_296 = tpu.vector_load %arg20[%swap3A_294, %swap3A_295] {strides = array<i32>} : memref<16x512xf32, #tpu.memory_space<vmem>>, vector<16xf32>,
    tpu.vector_store %arg20[%swap3A_294, %swap3A_295], %broadcast_in_dim3A_113 {strides = array<i32>} : memref<16x512xf32, #tpu.memory_space<vmem>>, vector<16xf32>,
    %swap3A_297 = arith.constant 0 : i32
    %swap3A_298 = arith.index_cast %swap3A_297 : i32 to index
    %swap3A_299 = arith.constant 224 : index
    %swap3A_300 = tpu.vector_load %arg20[%swap3A_298, %swap3A_299] {strides = array<i32>} : memref<16x512xf32, #tpu.memory_space<vmem>>, vector<16xf32>,
    tpu.vector_store %arg20[%swap3A_298, %swap3A_299], %broadcast_in_dim3A_113 {strides = array<i32>} : memref<16x512xf32, #tpu.memory_space<vmem>>, vector<16xf32>,
    %swap3A_301 = arith.constant 0 : i32
    %swap3A_302 = arith.index_cast %swap3A_301 : i32 to index
    %swap3A_303 = arith.constant 240 : index
    %swap3A_304 = tpu.vector_load %arg20[%swap3A_302, %swap3A_303] {strides = array<i32>} : memref<16x512xf32, #tpu.memory_space<vmem>>, vector<16xf32>,
    tpu.vector_store %arg20[%swap3A_302, %swap3A_303], %broadcast_in_dim3A_113 {strides = array<i32>} : memref<16x512xf32, #tpu.memory_space<vmem>>, vector<16xf32>,
    %swap3A_305 = arith.constant 0 : i32
    %swap3A_306 = arith.index_cast %swap3A_305 : i32 to index
    %swap3A_307 = arith.constant 256 : index
    %swap3A_308 = tpu.vector_load %arg20[%swap3A_306, %swap3A_307] {strides = array<i32>} : memref<16x512xf32, #tpu.memory_space<vmem>>, vector<16xf32>,
    tpu.vector_store %arg20[%swap3A_306, %swap3A_307], %broadcast_in_dim3A_113 {strides = array<i32>} : memref<16x512xf32, #tpu.memory_space<vmem>>, vector<16xf32>,
    %swap3A_309 = arith.constant 0 : i32
    %swap3A_310 = arith.index_cast %swap3A_309 : i32 to index
    %swap3A_311 = arith.constant 272 : index
    %swap3A_312 = tpu.vector_load %arg20[%swap3A_310, %swap3A_311] {strides = array<i32>} : memref<16x512xf32, #tpu.memory_space<vmem>>, vector<16xf32>,
    tpu.vector_store %arg20[%swap3A_310, %swap3A_311], %broadcast_in_dim3A_113 {strides = array<i32>} : memref<16x512xf32, #tpu.memory_space<vmem>>, vector<16xf32>,
    %swap3A_313 = arith.constant 0 : i32
    %swap3A_314 = arith.index_cast %swap3A_313 : i32 to index
    %swap3A_315 = arith.constant 288 : index
    %swap3A_316 = tpu.vector_load %arg20[%swap3A_314, %swap3A_315] {strides = array<i32>} : memref<16x512xf32, #tpu.memory_space<vmem>>, vector<16xf32>,
    tpu.vector_store %arg20[%swap3A_314, %swap3A_315], %broadcast_in_dim3A_113 {strides = array<i32>} : memref<16x512xf32, #tpu.memory_space<vmem>>, vector<16xf32>,
    %swap3A_317 = arith.constant 0 : i32
    %swap3A_318 = arith.index_cast %swap3A_317 : i32 to index
    %swap3A_319 = arith.constant 304 : index
    %swap3A_320 = tpu.vector_load %arg20[%swap3A_318, %swap3A_319] {strides = array<i32>} : memref<16x512xf32, #tpu.memory_space<vmem>>, vector<16xf32>,
    tpu.vector_store %arg20[%swap3A_318, %swap3A_319], %broadcast_in_dim3A_113 {strides = array<i32>} : memref<16x512xf32, #tpu.memory_space<vmem>>, vector<16xf32>,
    %swap3A_321 = arith.constant 0 : i32
    %swap3A_322 = arith.index_cast %swap3A_321 : i32 to index
    %swap3A_323 = arith.constant 320 : index
    %swap3A_324 = tpu.vector_load %arg20[%swap3A_322, %swap3A_323] {strides = array<i32>} : memref<16x512xf32, #tpu.memory_space<vmem>>, vector<16xf32>,
    tpu.vector_store %arg20[%swap3A_322, %swap3A_323], %broadcast_in_dim3A_113 {strides = array<i32>} : memref<16x512xf32, #tpu.memory_space<vmem>>, vector<16xf32>,
    %swap3A_325 = arith.constant 0 : i32
    %swap3A_326 = arith.index_cast %swap3A_325 : i32 to index
    %swap3A_327 = arith.constant 336 : index
    %swap3A_328 = tpu.vector_load %arg20[%swap3A_326, %swap3A_327] {strides = array<i32>} : memref<16x512xf32, #tpu.memory_space<vmem>>, vector<16xf32>,
    tpu.vector_store %arg20[%swap3A_326, %swap3A_327], %broadcast_in_dim3A_113 {strides = array<i32>} : memref<16x512xf32, #tpu.memory_space<vmem>>, vector<16xf32>,
    %swap3A_329 = arith.constant 0 : i32
    %swap3A_330 = arith.index_cast %swap3A_329 : i32 to index
    %swap3A_331 = arith.constant 352 : index
    %swap3A_332 = tpu.vector_load %arg20[%swap3A_330, %swap3A_331] {strides = array<i32>} : memref<16x512xf32, #tpu.memory_space<vmem>>, vector<16xf32>,
    tpu.vector_store %arg20[%swap3A_330, %swap3A_331], %broadcast_in_dim3A_113 {strides = array<i32>} : memref<16x512xf32, #tpu.memory_space<vmem>>, vector<16xf32>,
    %swap3A_333 = arith.constant 0 : i32
    %swap3A_334 = arith.index_cast %swap3A_333 : i32 to index
    %swap3A_335 = arith.constant 368 : index
    %swap3A_336 = tpu.vector_load %arg20[%swap3A_334, %swap3A_335] {strides = array<i32>} : memref<16x512xf32, #tpu.memory_space<vmem>>, vector<16xf32>,
    tpu.vector_store %arg20[%swap3A_334, %swap3A_335], %broadcast_in_dim3A_113 {strides = array<i32>} : memref<16x512xf32, #tpu.memory_space<vmem>>, vector<16xf32>,
    %swap3A_337 = arith.constant 0 : i32
    %swap3A_338 = arith.index_cast %swap3A_337 : i32 to index
    %swap3A_339 = arith.constant 384 : index
    %swap3A_340 = tpu.vector_load %arg20[%swap3A_338, %swap3A_339] {strides = array<i32>} : memref<16x512xf32, #tpu.memory_space<vmem>>, vector<16xf32>,
    tpu.vector_store %arg20[%swap3A_338, %swap3A_339], %broadcast_in_dim3A_113 {strides = array<i32>} : memref<16x512xf32, #tpu.memory_space<vmem>>, vector<16xf32>,
    %swap3A_341 = arith.constant 0 : i32
    %swap3A_342 = arith.index_cast %swap3A_341 : i32 to index
    %swap3A_343 = arith.constant 400 : index
    %swap3A_344 = tpu.vector_load %arg20[%swap3A_342, %swap3A_343] {strides = array<i32>} : memref<16x512xf32, #tpu.memory_space<vmem>>, vector<16xf32>,
    tpu.vector_store %arg20[%swap3A_342, %swap3A_343], %broadcast_in_dim3A_113 {strides = array<i32>} : memref<16x512xf32, #tpu.memory_space<vmem>>, vector<16xf32>,
    %swap3A_345 = arith.constant 0 : i32
    %swap3A_346 = arith.index_cast %swap3A_345 : i32 to index
    %swap3A_347 = arith.constant 416 : index
    %swap3A_348 = tpu.vector_load %arg20[%swap3A_346, %swap3A_347] {strides = array<i32>} : memref<16x512xf32, #tpu.memory_space<vmem>>, vector<16xf32>,
    tpu.vector_store %arg20[%swap3A_346, %swap3A_347], %broadcast_in_dim3A_113 {strides = array<i32>} : memref<16x512xf32, #tpu.memory_space<vmem>>, vector<16xf32>,
    %swap3A_349 = arith.constant 0 : i32
    %swap3A_350 = arith.index_cast %swap3A_349 : i32 to index
    %swap3A_351 = arith.constant 432 : index
    %swap3A_352 = tpu.vector_load %arg20[%swap3A_350, %swap3A_351] {strides = array<i32>} : memref<16x512xf32, #tpu.memory_space<vmem>>, vector<16xf32>,
    tpu.vector_store %arg20[%swap3A_350, %swap3A_351], %broadcast_in_dim3A_113 {strides = array<i32>} : memref<16x512xf32, #tpu.memory_space<vmem>>, vector<16xf32>,
    %swap3A_353 = arith.constant 0 : i32
    %swap3A_354 = arith.index_cast %swap3A_353 : i32 to index
    %swap3A_355 = arith.constant 448 : index
    %swap3A_356 = tpu.vector_load %arg20[%swap3A_354, %swap3A_355] {strides = array<i32>} : memref<16x512xf32, #tpu.memory_space<vmem>>, vector<16xf32>,
    tpu.vector_store %arg20[%swap3A_354, %swap3A_355], %broadcast_in_dim3A_113 {strides = array<i32>} : memref<16x512xf32, #tpu.memory_space<vmem>>, vector<16xf32>,
    %swap3A_357 = arith.constant 0 : i32
    %swap3A_358 = arith.index_cast %swap3A_357 : i32 to index
    %swap3A_359 = arith.constant 464 : index
    %swap3A_360 = tpu.vector_load %arg20[%swap3A_358, %swap3A_359] {strides = array<i32>} : memref<16x512xf32, #tpu.memory_space<vmem>>, vector<16xf32>,
    tpu.vector_store %arg20[%swap3A_358, %swap3A_359], %broadcast_in_dim3A_113 {strides = array<i32>} : memref<16x512xf32, #tpu.memory_space<vmem>>, vector<16xf32>,
    %swap3A_361 = arith.constant 0 : i32
    %swap3A_362 = arith.index_cast %swap3A_361 : i32 to index
    %swap3A_363 = arith.constant 480 : index
    %swap3A_364 = tpu.vector_load %arg20[%swap3A_362, %swap3A_363] {strides = array<i32>} : memref<16x512xf32, #tpu.memory_space<vmem>>, vector<16xf32>,
    tpu.vector_store %arg20[%swap3A_362, %swap3A_363], %broadcast_in_dim3A_113 {strides = array<i32>} : memref<16x512xf32, #tpu.memory_space<vmem>>, vector<16xf32>,
    %swap3A_365 = arith.constant 0 : i32
    %swap3A_366 = arith.index_cast %swap3A_365 : i32 to index
    %swap3A_367 = arith.constant 496 : index
    %swap3A_368 = tpu.vector_load %arg20[%swap3A_366, %swap3A_367] {strides = array<i32>} : memref<16x512xf32, #tpu.memory_space<vmem>>, vector<16xf32>,
    tpu.vector_store %arg20[%swap3A_366, %swap3A_367], %broadcast_in_dim3A_113 {strides = array<i32>} : memref<16x512xf32, #tpu.memory_space<vmem>>, vector<16xf32>,
    %sub3A_369 = arith.constant 4 : i32
    %sub3A_370 = arith.subi %add3A_3, %sub3A_369 : i32
    %min3A_371 = arith.constant 0 : i32
    %min3A_372 = arith.minsi %min3A_371, %sub3A_370 : i32
    %add3A_373 = arith.addi %add3A_7, %min3A_372 : i32
    %mul3A_374 = arith.constant 128 : i32
    %mul3A_375 = arith.muli %add3A_373, %mul3A_374 : i32
    %multiple_of3A_376 = tpu.assume_multiple %mul3A_375, 128 : i32
    %dma_start3A_377 = arith.constant 0 : i32
    %dma_start3A_378 = tpu.memref_slice %arg11[%dma_start3A_377] : memref<1536xi32, #tpu.memory_space<vmem>> -> memref<512xi32, #tpu.memory_space<vmem>>
    %dma_start3A_379 = tpu.memref_slice %arg5[%multiple_of3A_376] : memref<3200000xi32, #tpu.memory_space<hbm>> -> memref<512xi32, #tpu.memory_space<hbm>>
    %dma_start3A_380 = arith.constant 0 : i32
    %dma_start3A_381 = tpu.memref_slice %arg11[%dma_start3A_380] : memref<1536xi32, #tpu.memory_space<vmem>> -> memref<512xi32, #tpu.memory_space<vmem>>
    %dma_start3A_382 = tpu.memref_slice %arg5[%multiple_of3A_376] : memref<3200000xi32, #tpu.memory_space<hbm>> -> memref<512xi32, #tpu.memory_space<hbm>>
    tpu.enqueue_dma source(%dma_start3A_382 : memref<512xi32, #tpu.memory_space<hbm>>) target(%dma_start3A_381 : memref<512xi32, #tpu.memory_space<vmem>>) target_semaphore(%arg21 : memref<!tpu.dma_semaphore, #tpu.memory_space<semaphore_mem>>)
    %dma_start3A_383 = arith.constant 0 : i32
    %dma_start3A_384 = tpu.memref_slice %arg13[%dma_start3A_383] : memref<1536xi32, #tpu.memory_space<vmem>> -> memref<512xi32, #tpu.memory_space<vmem>>
    %dma_start3A_385 = tpu.memref_slice %arg6[%multiple_of3A_376] : memref<3200000xi32, #tpu.memory_space<hbm>> -> memref<512xi32, #tpu.memory_space<hbm>>
    %dma_start3A_386 = arith.constant 0 : i32
    %dma_start3A_387 = tpu.memref_slice %arg13[%dma_start3A_386] : memref<1536xi32, #tpu.memory_space<vmem>> -> memref<512xi32, #tpu.memory_space<vmem>>
    %dma_start3A_388 = tpu.memref_slice %arg6[%multiple_of3A_376] : memref<3200000xi32, #tpu.memory_space<hbm>> -> memref<512xi32, #tpu.memory_space<hbm>>
    tpu.enqueue_dma source(%dma_start3A_388 : memref<512xi32, #tpu.memory_space<hbm>>) target(%dma_start3A_387 : memref<512xi32, #tpu.memory_space<vmem>>) target_semaphore(%arg21 : memref<!tpu.dma_semaphore, #tpu.memory_space<semaphore_mem>>)
    %dma_start3A_389 = arith.constant 0 : i32
    %dma_start3A_390 = arith.constant 0 : i32
    %dma_start3A_391 = tpu.memref_slice %arg17[%dma_start3A_389, %dma_start3A_390] : memref<3x512xf32, #tpu.memory_space<vmem>> -> memref<1x512xf32, #tpu.memory_space<vmem>>
    %dma_start3A_392 = tpu.memref_squeeze %dma_start3A_391 : memref<1x512xf32, #tpu.memory_space<vmem>> -> memref<512xf32, #tpu.memory_space<vmem>>
    %dma_start3A_393 = tpu.memref_slice %arg9[%multiple_of3A_376] : memref<6400000xf32, #tpu.memory_space<hbm>> -> memref<512xf32, #tpu.memory_space<hbm>>
    %dma_start3A_394 = arith.constant 0 : i32
    %dma_start3A_395 = tpu.memref_slice %arg17[%dma_start3A_389, %dma_start3A_394] : memref<3x512xf32, #tpu.memory_space<vmem>> -> memref<1x512xf32, #tpu.memory_space<vmem>>
    %dma_start3A_396 = tpu.memref_squeeze %dma_start3A_395 : memref<1x512xf32, #tpu.memory_space<vmem>> -> memref<512xf32, #tpu.memory_space<vmem>>
    %dma_start3A_397 = tpu.memref_slice %arg9[%multiple_of3A_376] : memref<6400000xf32, #tpu.memory_space<hbm>> -> memref<512xf32, #tpu.memory_space<hbm>>
    tpu.enqueue_dma source(%dma_start3A_397 : memref<512xf32, #tpu.memory_space<hbm>>) target(%dma_start3A_396 : memref<512xf32, #tpu.memory_space<vmem>>) target_semaphore(%arg21 : memref<!tpu.dma_semaphore, #tpu.memory_space<semaphore_mem>>)
    %add3A_398 = arith.constant 3200000 : i32
    %add3A_399 = arith.addi %add3A_398, %multiple_of3A_376 : i32
    %dma_start3A_400 = arith.constant 1 : i32
    %dma_start3A_401 = arith.constant 0 : i32
    %dma_start3A_402 = tpu.memref_slice %arg17[%dma_start3A_400, %dma_start3A_401] : memref<3x512xf32, #tpu.memory_space<vmem>> -> memref<1x512xf32, #tpu.memory_space<vmem>>
    %dma_start3A_403 = tpu.memref_squeeze %dma_start3A_402 : memref<1x512xf32, #tpu.memory_space<vmem>> -> memref<512xf32, #tpu.memory_space<vmem>>
    %dma_start3A_404 = tpu.memref_slice %arg9[%add3A_399] : memref<6400000xf32, #tpu.memory_space<hbm>> -> memref<512xf32, #tpu.memory_space<hbm>>
    %dma_start3A_405 = arith.constant 0 : i32
    %dma_start3A_406 = tpu.memref_slice %arg17[%dma_start3A_400, %dma_start3A_405] : memref<3x512xf32, #tpu.memory_space<vmem>> -> memref<1x512xf32, #tpu.memory_space<vmem>>
    %dma_start3A_407 = tpu.memref_squeeze %dma_start3A_406 : memref<1x512xf32, #tpu.memory_space<vmem>> -> memref<512xf32, #tpu.memory_space<vmem>>
    %dma_start3A_408 = tpu.memref_slice %arg9[%add3A_399] : memref<6400000xf32, #tpu.memory_space<hbm>> -> memref<512xf32, #tpu.memory_space<hbm>>
    tpu.enqueue_dma source(%dma_start3A_408 : memref<512xf32, #tpu.memory_space<hbm>>) target(%dma_start3A_407 : memref<512xf32, #tpu.memory_space<vmem>>) target_semaphore(%arg21 : memref<!tpu.dma_semaphore, #tpu.memory_space<semaphore_mem>>)
    %sub3A_409 = arith.constant 4 : i32
    %sub3A_410 = arith.subi %add3A_3, %sub3A_409 : i32
    %min3A_411 = arith.constant 4 : i32
    %min3A_412 = arith.minsi %min3A_411, %sub3A_410 : i32
    %add3A_413 = arith.addi %add3A_7, %min3A_412 : i32
    %mul3A_414 = arith.constant 128 : i32
    %mul3A_415 = arith.muli %add3A_413, %mul3A_414 : i32
    %multiple_of3A_416 = tpu.assume_multiple %mul3A_415, 128 : i32
    %dma_start3A_417 = arith.constant 0 : i32
    %dma_start3A_418 = tpu.memref_slice %arg12[%dma_start3A_417] : memref<1536xi32, #tpu.memory_space<vmem>> -> memref<512xi32, #tpu.memory_space<vmem>>
    %dma_start3A_419 = tpu.memref_slice %arg5[%multiple_of3A_416] : memref<3200000xi32, #tpu.memory_space<hbm>> -> memref<512xi32, #tpu.memory_space<hbm>>
    %dma_start3A_420 = arith.constant 0 : i32
    %dma_start3A_421 = tpu.memref_slice %arg12[%dma_start3A_420] : memref<1536xi32, #tpu.memory_space<vmem>> -> memref<512xi32, #tpu.memory_space<vmem>>
    %dma_start3A_422 = tpu.memref_slice %arg5[%multiple_of3A_416] : memref<3200000xi32, #tpu.memory_space<hbm>> -> memref<512xi32, #tpu.memory_space<hbm>>
    tpu.enqueue_dma source(%dma_start3A_422 : memref<512xi32, #tpu.memory_space<hbm>>) target(%dma_start3A_421 : memref<512xi32, #tpu.memory_space<vmem>>) target_semaphore(%arg22 : memref<!tpu.dma_semaphore, #tpu.memory_space<semaphore_mem>>)
    %dma_start3A_423 = arith.constant 0 : i32
    %dma_start3A_424 = tpu.memref_slice %arg14[%dma_start3A_423] : memref<1536xi32, #tpu.memory_space<vmem>> -> memref<512xi32, #tpu.memory_space<vmem>>
    %dma_start3A_425 = tpu.memref_slice %arg6[%multiple_of3A_416] : memref<3200000xi32, #tpu.memory_space<hbm>> -> memref<512xi32, #tpu.memory_space<hbm>>
    %dma_start3A_426 = arith.constant 0 : i32
    %dma_start3A_427 = tpu.memref_slice %arg14[%dma_start3A_426] : memref<1536xi32, #tpu.memory_space<vmem>> -> memref<512xi32, #tpu.memory_space<vmem>>
    %dma_start3A_428 = tpu.memref_slice %arg6[%multiple_of3A_416] : memref<3200000xi32, #tpu.memory_space<hbm>> -> memref<512xi32, #tpu.memory_space<hbm>>
    tpu.enqueue_dma source(%dma_start3A_428 : memref<512xi32, #tpu.memory_space<hbm>>) target(%dma_start3A_427 : memref<512xi32, #tpu.memory_space<vmem>>) target_semaphore(%arg22 : memref<!tpu.dma_semaphore, #tpu.memory_space<semaphore_mem>>)
    %dma_start3A_429 = arith.constant 0 : i32
    %dma_start3A_430 = arith.constant 0 : i32
    %dma_start3A_431 = tpu.memref_slice %arg18[%dma_start3A_429, %dma_start3A_430] : memref<3x512xf32, #tpu.memory_space<vmem>> -> memref<1x512xf32, #tpu.memory_space<vmem>>
    %dma_start3A_432 = tpu.memref_squeeze %dma_start3A_431 : memref<1x512xf32, #tpu.memory_space<vmem>> -> memref<512xf32, #tpu.memory_space<vmem>>
    %dma_start3A_433 = tpu.memref_slice %arg9[%multiple_of3A_416] : memref<6400000xf32, #tpu.memory_space<hbm>> -> memref<512xf32, #tpu.memory_space<hbm>>
    %dma_start3A_434 = arith.constant 0 : i32
    %dma_start3A_435 = tpu.memref_slice %arg18[%dma_start3A_429, %dma_start3A_434] : memref<3x512xf32, #tpu.memory_space<vmem>> -> memref<1x512xf32, #tpu.memory_space<vmem>>
    %dma_start3A_436 = tpu.memref_squeeze %dma_start3A_435 : memref<1x512xf32, #tpu.memory_space<vmem>> -> memref<512xf32, #tpu.memory_space<vmem>>
    %dma_start3A_437 = tpu.memref_slice %arg9[%multiple_of3A_416] : memref<6400000xf32, #tpu.memory_space<hbm>> -> memref<512xf32, #tpu.memory_space<hbm>>
    tpu.enqueue_dma source(%dma_start3A_437 : memref<512xf32, #tpu.memory_space<hbm>>) target(%dma_start3A_436 : memref<512xf32, #tpu.memory_space<vmem>>) target_semaphore(%arg22 : memref<!tpu.dma_semaphore, #tpu.memory_space<semaphore_mem>>)
    %add3A_438 = arith.constant 3200000 : i32
    %add3A_439 = arith.addi %add3A_438, %multiple_of3A_416 : i32
    %dma_start3A_440 = arith.constant 1 : i32
    %dma_start3A_441 = arith.constant 0 : i32
    %dma_start3A_442 = tpu.memref_slice %arg18[%dma_start3A_440, %dma_start3A_441] : memref<3x512xf32, #tpu.memory_space<vmem>> -> memref<1x512xf32, #tpu.memory_space<vmem>>
    %dma_start3A_443 = tpu.memref_squeeze %dma_start3A_442 : memref<1x512xf32, #tpu.memory_space<vmem>> -> memref<512xf32, #tpu.memory_space<vmem>>
    %dma_start3A_444 = tpu.memref_slice %arg9[%add3A_439] : memref<6400000xf32, #tpu.memory_space<hbm>> -> memref<512xf32, #tpu.memory_space<hbm>>
    %dma_start3A_445 = arith.constant 0 : i32
    %dma_start3A_446 = tpu.memref_slice %arg18[%dma_start3A_440, %dma_start3A_445] : memref<3x512xf32, #tpu.memory_space<vmem>> -> memref<1x512xf32, #tpu.memory_space<vmem>>
    %dma_start3A_447 = tpu.memref_squeeze %dma_start3A_446 : memref<1x512xf32, #tpu.memory_space<vmem>> -> memref<512xf32, #tpu.memory_space<vmem>>
    %dma_start3A_448 = tpu.memref_slice %arg9[%add3A_439] : memref<6400000xf32, #tpu.memory_space<hbm>> -> memref<512xf32, #tpu.memory_space<hbm>>
    tpu.enqueue_dma source(%dma_start3A_448 : memref<512xf32, #tpu.memory_space<hbm>>) target(%dma_start3A_447 : memref<512xf32, #tpu.memory_space<vmem>>) target_semaphore(%arg22 : memref<!tpu.dma_semaphore, #tpu.memory_space<semaphore_mem>>)
    %scan3A_449 = arith.constant 0 : i32
    %scan3A_450 = arith.constant 0 : i32
    %scan3A_451 = arith.constant 98 : i32
    %scan3A_452 = arith.addi %scan3A_450, %scan3A_451 : i32
    %scan3A_453 = arith.constant 1 : i32
    %scan3A_454 = scf.for %scan3A_488 = %scan3A_450 to %scan3A_452 step %scan3A_453 iter_args(%scan3A_489 = %scan3A_449) -> (i32)  : i32 {
      %mul3A_490 = arith.constant 2 : i32
      %mul3A_491 = arith.muli %mul3A_490, %scan3A_488 : i32
      %add3A_492 = arith.constant 0 : i32
      %add3A_493 = arith.addi %mul3A_491, %add3A_492 : i32
      %mul3A_494 = arith.constant 4 : i32
      %mul3A_495 = arith.muli %add3A_493, %mul3A_494 : i32
      %sub3A_496 = arith.constant 4 : i32
      %sub3A_497 = arith.subi %add3A_3, %sub3A_496 : i32
      %min3A_498 = arith.minsi %mul3A_495, %sub3A_497 : i32
      %add3A_499 = arith.addi %add3A_7, %min3A_498 : i32
      %mul3A_500 = arith.constant 128 : i32
      %mul3A_501 = arith.muli %add3A_499, %mul3A_500 : i32
      %multiple_of3A_502 = tpu.assume_multiple %mul3A_501, 128 : i32
      %mul3A_503 = arith.constant 4 : i32
      %mul3A_504 = arith.muli %add3A_493, %mul3A_503 : i32
      %sub3A_505 = arith.constant 4 : i32
      %sub3A_506 = arith.subi %add3A_3, %sub3A_505 : i32
      %min3A_507 = arith.minsi %mul3A_504, %sub3A_506 : i32
      %add3A_508 = arith.addi %add3A_7, %min3A_507 : i32
      %mul3A_509 = arith.constant 128 : i32
      %mul3A_510 = arith.muli %add3A_508, %mul3A_509 : i32
      %multiple_of3A_511 = tpu.assume_multiple %mul3A_510, 128 : i32
      %dma_wait3A_512 = arith.constant 0 : i32
      %dma_wait3A_513 = tpu.memref_slice %arg11[%dma_wait3A_512] : memref<1536xi32, #tpu.memory_space<vmem>> -> memref<512xi32, #tpu.memory_space<vmem>>
      %dma_wait3A_514 = tpu.memref_slice %arg5[%multiple_of3A_511] : memref<3200000xi32, #tpu.memory_space<hbm>> -> memref<512xi32, #tpu.memory_space<hbm>>
      %dma_wait3A_515 = arith.constant 0 : i32
      %dma_wait3A_516 = tpu.memref_slice %arg11[%dma_wait3A_515] : memref<1536xi32, #tpu.memory_space<vmem>> -> memref<512xi32, #tpu.memory_space<vmem>>
      %dma_wait3A_517 = tpu.memref_slice %arg5[%multiple_of3A_511] : memref<3200000xi32, #tpu.memory_space<hbm>> -> memref<512xi32, #tpu.memory_space<hbm>>
      tpu.wait_dma2 semaphore(%arg21 : memref<!tpu.dma_semaphore, #tpu.memory_space<semaphore_mem>>) src(%dma_wait3A_517 : memref<512xi32, #tpu.memory_space<hbm>>) dst(%dma_wait3A_516 : memref<512xi32, #tpu.memory_space<vmem>>)
      %dma_wait3A_518 = arith.constant 0 : i32
      %dma_wait3A_519 = tpu.memref_slice %arg13[%dma_wait3A_518] : memref<1536xi32, #tpu.memory_space<vmem>> -> memref<512xi32, #tpu.memory_space<vmem>>
      %dma_wait3A_520 = tpu.memref_slice %arg6[%multiple_of3A_511] : memref<3200000xi32, #tpu.memory_space<hbm>> -> memref<512xi32, #tpu.memory_space<hbm>>
      %dma_wait3A_521 = arith.constant 0 : i32
      %dma_wait3A_522 = tpu.memref_slice %arg13[%dma_wait3A_521] : memref<1536xi32, #tpu.memory_space<vmem>> -> memref<512xi32, #tpu.memory_space<vmem>>
      %dma_wait3A_523 = tpu.memref_slice %arg6[%multiple_of3A_511] : memref<3200000xi32, #tpu.memory_space<hbm>> -> memref<512xi32, #tpu.memory_space<hbm>>
      tpu.wait_dma2 semaphore(%arg21 : memref<!tpu.dma_semaphore, #tpu.memory_space<semaphore_mem>>) src(%dma_wait3A_523 : memref<512xi32, #tpu.memory_space<hbm>>) dst(%dma_wait3A_522 : memref<512xi32, #tpu.memory_space<vmem>>)
      %dma_wait3A_524 = arith.constant 0 : i32
      %dma_wait3A_525 = arith.constant 0 : i32
      %dma_wait3A_526 = tpu.memref_slice %arg17[%dma_wait3A_524, %dma_wait3A_525] : memref<3x512xf32, #tpu.memory_space<vmem>> -> memref<1x512xf32, #tpu.memory_space<vmem>>
      %dma_wait3A_527 = tpu.memref_squeeze %dma_wait3A_526 : memref<1x512xf32, #tpu.memory_space<vmem>> -> memref<512xf32, #tpu.memory_space<vmem>>
      %dma_wait3A_528 = tpu.memref_slice %arg9[%multiple_of3A_511] : memref<6400000xf32, #tpu.memory_space<hbm>> -> memref<512xf32, #tpu.memory_space<hbm>>
      %dma_wait3A_529 = arith.constant 0 : i32
      %dma_wait3A_530 = tpu.memref_slice %arg17[%dma_wait3A_524, %dma_wait3A_529] : memref<3x512xf32, #tpu.memory_space<vmem>> -> memref<1x512xf32, #tpu.memory_space<vmem>>
      %dma_wait3A_531 = tpu.memref_squeeze %dma_wait3A_530 : memref<1x512xf32, #tpu.memory_space<vmem>> -> memref<512xf32, #tpu.memory_space<vmem>>
      %dma_wait3A_532 = tpu.memref_slice %arg9[%multiple_of3A_511] : memref<6400000xf32, #tpu.memory_space<hbm>> -> memref<512xf32, #tpu.memory_space<hbm>>
      tpu.wait_dma2 semaphore(%arg21 : memref<!tpu.dma_semaphore, #tpu.memory_space<semaphore_mem>>) src(%dma_wait3A_532 : memref<512xf32, #tpu.memory_space<hbm>>) dst(%dma_wait3A_531 : memref<512xf32, #tpu.memory_space<vmem>>)
      %add3A_533 = arith.constant 3200000 : i32
      %add3A_534 = arith.addi %add3A_533, %multiple_of3A_511 : i32
      %dma_wait3A_535 = arith.constant 1 : i32
      %dma_wait3A_536 = arith.constant 0 : i32
      %dma_wait3A_537 = tpu.memref_slice %arg17[%dma_wait3A_535, %dma_wait3A_536] : memref<3x512xf32, #tpu.memory_space<vmem>> -> memref<1x512xf32, #tpu.memory_space<vmem>>
      %dma_wait3A_538 = tpu.memref_squeeze %dma_wait3A_537 : memref<1x512xf32, #tpu.memory_space<vmem>> -> memref<512xf32, #tpu.memory_space<vmem>>
      %dma_wait3A_539 = tpu.memref_slice %arg9[%add3A_534] : memref<6400000xf32, #tpu.memory_space<hbm>> -> memref<512xf32, #tpu.memory_space<hbm>>
      %dma_wait3A_540 = arith.constant 0 : i32
      %dma_wait3A_541 = tpu.memref_slice %arg17[%dma_wait3A_535, %dma_wait3A_540] : memref<3x512xf32, #tpu.memory_space<vmem>> -> memref<1x512xf32, #tpu.memory_space<vmem>>
      %dma_wait3A_542 = tpu.memref_squeeze %dma_wait3A_541 : memref<1x512xf32, #tpu.memory_space<vmem>> -> memref<512xf32, #tpu.memory_space<vmem>>
      %dma_wait3A_543 = tpu.memref_slice %arg9[%add3A_534] : memref<6400000xf32, #tpu.memory_space<hbm>> -> memref<512xf32, #tpu.memory_space<hbm>>
      tpu.wait_dma2 semaphore(%arg21 : memref<!tpu.dma_semaphore, #tpu.memory_space<semaphore_mem>>) src(%dma_wait3A_543 : memref<512xf32, #tpu.memory_space<hbm>>) dst(%dma_wait3A_542 : memref<512xf32, #tpu.memory_space<vmem>>)
      %ge3A = arith.constant 2 : i32
      %ge3A_544 = arith.cmpi sge, %add3A_493, %ge3A : i32
      %convert_element_type3A_545 = arith.extui %ge3A_544 : i1 to i32
      %cond3A = arith.constant 0 : i32
      %cond3A_546 = arith.cmpi ne, %convert_element_type3A_545, %cond3A : i32
      scf.if %cond3A_546 {
        %mul3A_642 = arith.constant 4 : i32
        %mul3A_643 = arith.muli %add3A_493, %mul3A_642 : i32
        %sub3A_644 = arith.constant 4 : i32
        %sub3A_645 = arith.subi %add3A_3, %sub3A_644 : i32
        %min3A_646 = arith.minsi %mul3A_643, %sub3A_645 : i32
        %add3A_647 = arith.addi %add3A_7, %min3A_646 : i32
        %mul3A_648 = arith.constant 128 : i32
        %mul3A_649 = arith.muli %add3A_647, %mul3A_648 : i32
        %multiple_of3A_650 = tpu.assume_multiple %mul3A_649, 128 : i32
        %dma_wait3A_651 = arith.constant 0 : i32
        %dma_wait3A_652 = tpu.memref_slice %arg7[%dma_wait3A_651, %multiple_of3A_650] : memref<3x3200000xf32, #tpu.memory_space<hbm>> -> memref<3x512xf32, #tpu.memory_space<hbm>>
        %dma_wait3A_653 = arith.constant 0 : i32
        %dma_wait3A_654 = tpu.memref_slice %arg7[%dma_wait3A_653, %multiple_of3A_650] : memref<3x3200000xf32, #tpu.memory_space<hbm>> -> memref<3x512xf32, #tpu.memory_space<hbm>>
        tpu.wait_dma2 semaphore(%arg23 : memref<!tpu.dma_semaphore, #tpu.memory_space<semaphore_mem>>) src(%arg17 : memref<3x512xf32, #tpu.memory_space<vmem>>) dst(%dma_wait3A_654 : memref<3x512xf32, #tpu.memory_space<hbm>>)
        %dma_wait3A_655 = arith.constant 0 : i32
        %dma_wait3A_656 = tpu.memref_slice %arg8[%dma_wait3A_655, %multiple_of3A_650] : memref<16x3200000xf32, #tpu.memory_space<hbm>> -> memref<16x512xf32, #tpu.memory_space<hbm>>
        %dma_wait3A_657 = arith.constant 0 : i32
        %dma_wait3A_658 = tpu.memref_slice %arg8[%dma_wait3A_657, %multiple_of3A_650] : memref<16x3200000xf32, #tpu.memory_space<hbm>> -> memref<16x512xf32, #tpu.memory_space<hbm>>
        tpu.wait_dma2 semaphore(%arg23 : memref<!tpu.dma_semaphore, #tpu.memory_space<semaphore_mem>>) src(%arg19 : memref<16x512xf32, #tpu.memory_space<vmem>>) dst(%dma_wait3A_658 : memref<16x512xf32, #tpu.memory_space<hbm>>)
      } else {
      }
      %parallel_loop3A = arith.constant 0 : i32
      %parallel_loop3A_547 = arith.constant 32 : i32
      %parallel_loop3A_548 = arith.constant 1 : i32
      scf.for %parallel_loop3A_642 = %parallel_loop3A to %parallel_loop3A_547 step %parallel_loop3A_548  : i32 {
        %parallel_loop3A_643 = arith.constant 16 : i32
        %parallel_loop3A_644 = arith.muli %parallel_loop3A_642, %parallel_loop3A_643 : i32
        %parallel_loop3A_645 = arith.index_cast %parallel_loop3A_644 : i32 to index
        %parallel_loop3A_646 = tpu.vector_load %arg11[%parallel_loop3A_645] {strides = array<i32>} : memref<1536xi32, #tpu.memory_space<vmem>>, vector<16xi32>,
        %parallel_loop3A_647 = arith.index_cast %parallel_loop3A_644 : i32 to index
        %parallel_loop3A_648 = tpu.vector_load %arg13[%parallel_loop3A_647] {strides = array<i32>} : memref<1536xi32, #tpu.memory_space<vmem>>, vector<16xi32>,
        %parallel_loop3A_649 = tpu.vector_load_idx %arg10[%parallel_loop3A_646] : memref<100000xf32, #tpu.memory_space<vmem>>[vector<16xi32>], vector<16xf32>,
        %parallel_loop3A_650 = tpu.vector_load_idx %arg10[%parallel_loop3A_648] : memref<100000xf32, #tpu.memory_space<vmem>>[vector<16xi32>], vector<16xf32>,
        %parallel_loop3A_651 = arith.subf %parallel_loop3A_650, %parallel_loop3A_649 : vector<16xf32>
        %parallel_loop3A_652 = arith.constant 0 : i32
        %parallel_loop3A_653 = arith.index_cast %parallel_loop3A_652 : i32 to index
        %parallel_loop3A_654 = arith.index_cast %parallel_loop3A_644 : i32 to index
        %parallel_loop3A_655 = tpu.vector_load %arg17[%parallel_loop3A_653, %parallel_loop3A_654] {strides = array<i32>} : memref<3x512xf32, #tpu.memory_space<vmem>>, vector<16xf32>,
        %parallel_loop3A_656 = arith.constant 1 : i32
        %parallel_loop3A_657 = arith.index_cast %parallel_loop3A_656 : i32 to index
        %parallel_loop3A_658 = arith.index_cast %parallel_loop3A_644 : i32 to index
        %parallel_loop3A_659 = tpu.vector_load %arg17[%parallel_loop3A_657, %parallel_loop3A_658] {strides = array<i32>} : memref<3x512xf32, #tpu.memory_space<vmem>>, vector<16xf32>,
        %parallel_loop3A_660 = arith.constant 2 : i32
        %parallel_loop3A_661 = arith.index_cast %parallel_loop3A_660 : i32 to index
        %parallel_loop3A_662 = arith.index_cast %parallel_loop3A_644 : i32 to index
        %parallel_loop3A_663 = tpu.vector_load %arg17[%parallel_loop3A_661, %parallel_loop3A_662] {strides = array<i32>} : memref<3x512xf32, #tpu.memory_space<vmem>>, vector<16xf32>,
        tpu.vector_store %arg17[%parallel_loop3A_661, %parallel_loop3A_662], %parallel_loop3A_651 {strides = array<i32>} : memref<3x512xf32, #tpu.memory_space<vmem>>, vector<16xf32>,
        %parallel_loop3A_664 = arith.mulf %parallel_loop3A_655, %parallel_loop3A_655 : vector<16xf32>
        %parallel_loop3A_665 = arith.mulf %parallel_loop3A_659, %parallel_loop3A_659 : vector<16xf32>
        %parallel_loop3A_666 = arith.addf %parallel_loop3A_664, %parallel_loop3A_665 : vector<16xf32>
        %parallel_loop3A_667 = arith.mulf %parallel_loop3A_651, %parallel_loop3A_651 : vector<16xf32>
        %parallel_loop3A_668 = arith.addf %parallel_loop3A_666, %parallel_loop3A_667 : vector<16xf32>
        %parallel_loop3A_669 = arith.constant 1.000000e-24 : f32
        %parallel_loop3A_670 = vector.broadcast %parallel_loop3A_669 : f32 to vector<16xf32>
        %parallel_loop3A_671 = arith.maximumf %parallel_loop3A_668, %parallel_loop3A_670 : vector<16xf32>
        %parallel_loop3A_672 = vector.bitcast %parallel_loop3A_671 : vector<16xf32> to vector<16xi32>
        %parallel_loop3A_673 = arith.constant 1 : i32
        %parallel_loop3A_674 = vector.broadcast %parallel_loop3A_673 : i32 to vector<16xi32>
        %parallel_loop3A_675 = arith.shrui %parallel_loop3A_672, %parallel_loop3A_674 : vector<16xi32>
        %parallel_loop3A_676 = arith.constant 1597463007 : i32
        %parallel_loop3A_677 = vector.broadcast %parallel_loop3A_676 : i32 to vector<16xi32>
        %parallel_loop3A_678 = arith.subi %parallel_loop3A_677, %parallel_loop3A_675 : vector<16xi32>
        %parallel_loop3A_679 = vector.bitcast %parallel_loop3A_678 : vector<16xi32> to vector<16xf32>
        %parallel_loop3A_680 = arith.constant 5.000000e-01 : f32
        %parallel_loop3A_681 = vector.broadcast %parallel_loop3A_680 : f32 to vector<16xf32>
        %parallel_loop3A_682 = arith.mulf %parallel_loop3A_681, %parallel_loop3A_671 : vector<16xf32>
        %parallel_loop3A_683 = arith.mulf %parallel_loop3A_682, %parallel_loop3A_679 : vector<16xf32>
        %parallel_loop3A_684 = arith.mulf %parallel_loop3A_683, %parallel_loop3A_679 : vector<16xf32>
        %parallel_loop3A_685 = arith.constant 1.500000e+00 : f32
        %parallel_loop3A_686 = vector.broadcast %parallel_loop3A_685 : f32 to vector<16xf32>
        %parallel_loop3A_687 = arith.subf %parallel_loop3A_686, %parallel_loop3A_684 : vector<16xf32>
        %parallel_loop3A_688 = arith.mulf %parallel_loop3A_679, %parallel_loop3A_687 : vector<16xf32>
        %parallel_loop3A_689 = arith.constant 5.000000e-01 : f32
        %parallel_loop3A_690 = vector.broadcast %parallel_loop3A_689 : f32 to vector<16xf32>
        %parallel_loop3A_691 = arith.mulf %parallel_loop3A_690, %parallel_loop3A_671 : vector<16xf32>
        %parallel_loop3A_692 = arith.mulf %parallel_loop3A_691, %parallel_loop3A_688 : vector<16xf32>
        %parallel_loop3A_693 = arith.mulf %parallel_loop3A_692, %parallel_loop3A_688 : vector<16xf32>
        %parallel_loop3A_694 = arith.constant 1.500000e+00 : f32
        %parallel_loop3A_695 = vector.broadcast %parallel_loop3A_694 : f32 to vector<16xf32>
        %parallel_loop3A_696 = arith.subf %parallel_loop3A_695, %parallel_loop3A_693 : vector<16xf32>
        %parallel_loop3A_697 = arith.mulf %parallel_loop3A_688, %parallel_loop3A_696 : vector<16xf32>
        %parallel_loop3A_698 = arith.mulf %parallel_loop3A_655, %parallel_loop3A_697 : vector<16xf32>
        %parallel_loop3A_699 = arith.mulf %parallel_loop3A_659, %parallel_loop3A_697 : vector<16xf32>
        %parallel_loop3A_700 = arith.mulf %parallel_loop3A_651, %parallel_loop3A_697 : vector<16xf32>
        %parallel_loop3A_701 = arith.constant 1.73205078 : f32
        %parallel_loop3A_702 = vector.broadcast %parallel_loop3A_701 : f32 to vector<16xf32>
        %parallel_loop3A_703 = arith.mulf %parallel_loop3A_702, %parallel_loop3A_698 : vector<16xf32>
        %parallel_loop3A_704 = arith.constant 1 : i32
        %parallel_loop3A_705 = arith.index_cast %parallel_loop3A_704 : i32 to index
        %parallel_loop3A_706 = arith.index_cast %parallel_loop3A_644 : i32 to index
        %parallel_loop3A_707 = tpu.vector_load %arg19[%parallel_loop3A_705, %parallel_loop3A_706] {strides = array<i32>} : memref<16x512xf32, #tpu.memory_space<vmem>>, vector<16xf32>,
        tpu.vector_store %arg19[%parallel_loop3A_705, %parallel_loop3A_706], %parallel_loop3A_703 {strides = array<i32>} : memref<16x512xf32, #tpu.memory_space<vmem>>, vector<16xf32>,
        %parallel_loop3A_708 = arith.constant 1.73205078 : f32
        %parallel_loop3A_709 = vector.broadcast %parallel_loop3A_708 : f32 to vector<16xf32>
        %parallel_loop3A_710 = arith.mulf %parallel_loop3A_709, %parallel_loop3A_699 : vector<16xf32>
        %parallel_loop3A_711 = arith.constant 2 : i32
        %parallel_loop3A_712 = arith.index_cast %parallel_loop3A_711 : i32 to index
        %parallel_loop3A_713 = arith.index_cast %parallel_loop3A_644 : i32 to index
        %parallel_loop3A_714 = tpu.vector_load %arg19[%parallel_loop3A_712, %parallel_loop3A_713] {strides = array<i32>} : memref<16x512xf32, #tpu.memory_space<vmem>>, vector<16xf32>,
        tpu.vector_store %arg19[%parallel_loop3A_712, %parallel_loop3A_713], %parallel_loop3A_710 {strides = array<i32>} : memref<16x512xf32, #tpu.memory_space<vmem>>, vector<16xf32>,
        %parallel_loop3A_715 = arith.constant 1.73205078 : f32
        %parallel_loop3A_716 = vector.broadcast %parallel_loop3A_715 : f32 to vector<16xf32>
        %parallel_loop3A_717 = arith.mulf %parallel_loop3A_716, %parallel_loop3A_700 : vector<16xf32>
        %parallel_loop3A_718 = arith.constant 3 : i32
        %parallel_loop3A_719 = arith.index_cast %parallel_loop3A_718 : i32 to index
        %parallel_loop3A_720 = arith.index_cast %parallel_loop3A_644 : i32 to index
        %parallel_loop3A_721 = tpu.vector_load %arg19[%parallel_loop3A_719, %parallel_loop3A_720] {strides = array<i32>} : memref<16x512xf32, #tpu.memory_space<vmem>>, vector<16xf32>,
        tpu.vector_store %arg19[%parallel_loop3A_719, %parallel_loop3A_720], %parallel_loop3A_717 {strides = array<i32>} : memref<16x512xf32, #tpu.memory_space<vmem>>, vector<16xf32>,
        %parallel_loop3A_722 = arith.mulf %parallel_loop3A_698, %parallel_loop3A_698 : vector<16xf32>
        %parallel_loop3A_723 = arith.mulf %parallel_loop3A_699, %parallel_loop3A_699 : vector<16xf32>
        %parallel_loop3A_724 = arith.mulf %parallel_loop3A_700, %parallel_loop3A_700 : vector<16xf32>
        %parallel_loop3A_725 = arith.addf %parallel_loop3A_722, %parallel_loop3A_724 : vector<16xf32>
        %parallel_loop3A_726 = arith.constant 3.87298346 : f32
        %parallel_loop3A_727 = vector.broadcast %parallel_loop3A_726 : f32 to vector<16xf32>
        %parallel_loop3A_728 = arith.mulf %parallel_loop3A_727, %parallel_loop3A_698 : vector<16xf32>
        %parallel_loop3A_729 = arith.mulf %parallel_loop3A_728, %parallel_loop3A_700 : vector<16xf32>
        %parallel_loop3A_730 = arith.subf %parallel_loop3A_724, %parallel_loop3A_722 : vector<16xf32>
        %parallel_loop3A_731 = arith.constant 1.93649173 : f32
        %parallel_loop3A_732 = vector.broadcast %parallel_loop3A_731 : f32 to vector<16xf32>
        %parallel_loop3A_733 = arith.mulf %parallel_loop3A_732, %parallel_loop3A_730 : vector<16xf32>
        %parallel_loop3A_734 = arith.constant 4 : i32
        %parallel_loop3A_735 = arith.index_cast %parallel_loop3A_734 : i32 to index
        %parallel_loop3A_736 = arith.index_cast %parallel_loop3A_644 : i32 to index
        %parallel_loop3A_737 = tpu.vector_load %arg19[%parallel_loop3A_735, %parallel_loop3A_736] {strides = array<i32>} : memref<16x512xf32, #tpu.memory_space<vmem>>, vector<16xf32>,
        tpu.vector_store %arg19[%parallel_loop3A_735, %parallel_loop3A_736], %parallel_loop3A_729 {strides = array<i32>} : memref<16x512xf32, #tpu.memory_space<vmem>>, vector<16xf32>,
        %parallel_loop3A_738 = arith.constant 3.87298346 : f32
        %parallel_loop3A_739 = vector.broadcast %parallel_loop3A_738 : f32 to vector<16xf32>
        %parallel_loop3A_740 = arith.mulf %parallel_loop3A_739, %parallel_loop3A_698 : vector<16xf32>
        %parallel_loop3A_741 = arith.mulf %parallel_loop3A_740, %parallel_loop3A_699 : vector<16xf32>
        %parallel_loop3A_742 = arith.constant 5 : i32
        %parallel_loop3A_743 = arith.index_cast %parallel_loop3A_742 : i32 to index
        %parallel_loop3A_744 = arith.index_cast %parallel_loop3A_644 : i32 to index
        %parallel_loop3A_745 = tpu.vector_load %arg19[%parallel_loop3A_743, %parallel_loop3A_744] {strides = array<i32>} : memref<16x512xf32, #tpu.memory_space<vmem>>, vector<16xf32>,
        tpu.vector_store %arg19[%parallel_loop3A_743, %parallel_loop3A_744], %parallel_loop3A_741 {strides = array<i32>} : memref<16x512xf32, #tpu.memory_space<vmem>>, vector<16xf32>,
        %parallel_loop3A_746 = arith.constant 5.000000e-01 : f32
        %parallel_loop3A_747 = vector.broadcast %parallel_loop3A_746 : f32 to vector<16xf32>
        %parallel_loop3A_748 = arith.mulf %parallel_loop3A_747, %parallel_loop3A_725 : vector<16xf32>
        %parallel_loop3A_749 = arith.subf %parallel_loop3A_723, %parallel_loop3A_748 : vector<16xf32>
        %parallel_loop3A_750 = arith.constant 2.23606801 : f32
        %parallel_loop3A_751 = vector.broadcast %parallel_loop3A_750 : f32 to vector<16xf32>
        %parallel_loop3A_752 = arith.mulf %parallel_loop3A_751, %parallel_loop3A_749 : vector<16xf32>
        %parallel_loop3A_753 = arith.constant 6 : i32
        %parallel_loop3A_754 = arith.index_cast %parallel_loop3A_753 : i32 to index
        %parallel_loop3A_755 = arith.index_cast %parallel_loop3A_644 : i32 to index
        %parallel_loop3A_756 = tpu.vector_load %arg19[%parallel_loop3A_754, %parallel_loop3A_755] {strides = array<i32>} : memref<16x512xf32, #tpu.memory_space<vmem>>, vector<16xf32>,
        tpu.vector_store %arg19[%parallel_loop3A_754, %parallel_loop3A_755], %parallel_loop3A_752 {strides = array<i32>} : memref<16x512xf32, #tpu.memory_space<vmem>>, vector<16xf32>,
        %parallel_loop3A_757 = arith.constant 3.87298346 : f32
        %parallel_loop3A_758 = vector.broadcast %parallel_loop3A_757 : f32 to vector<16xf32>
        %parallel_loop3A_759 = arith.mulf %parallel_loop3A_758, %parallel_loop3A_699 : vector<16xf32>
        %parallel_loop3A_760 = arith.mulf %parallel_loop3A_759, %parallel_loop3A_700 : vector<16xf32>
        %parallel_loop3A_761 = arith.constant 7 : i32
        %parallel_loop3A_762 = arith.index_cast %parallel_loop3A_761 : i32 to index
        %parallel_loop3A_763 = arith.index_cast %parallel_loop3A_644 : i32 to index
        %parallel_loop3A_764 = tpu.vector_load %arg19[%parallel_loop3A_762, %parallel_loop3A_763] {strides = array<i32>} : memref<16x512xf32, #tpu.memory_space<vmem>>, vector<16xf32>,
        tpu.vector_store %arg19[%parallel_loop3A_762, %parallel_loop3A_763], %parallel_loop3A_760 {strides = array<i32>} : memref<16x512xf32, #tpu.memory_space<vmem>>, vector<16xf32>,
        %parallel_loop3A_765 = arith.constant 8 : i32
        %parallel_loop3A_766 = arith.index_cast %parallel_loop3A_765 : i32 to index
        %parallel_loop3A_767 = arith.index_cast %parallel_loop3A_644 : i32 to index
        %parallel_loop3A_768 = tpu.vector_load %arg19[%parallel_loop3A_766, %parallel_loop3A_767] {strides = array<i32>} : memref<16x512xf32, #tpu.memory_space<vmem>>, vector<16xf32>,
        tpu.vector_store %arg19[%parallel_loop3A_766, %parallel_loop3A_767], %parallel_loop3A_733 {strides = array<i32>} : memref<16x512xf32, #tpu.memory_space<vmem>>, vector<16xf32>,
        %parallel_loop3A_769 = arith.constant 4.000000e+00 : f32
        %parallel_loop3A_770 = vector.broadcast %parallel_loop3A_769 : f32 to vector<16xf32>
        %parallel_loop3A_771 = arith.mulf %parallel_loop3A_770, %parallel_loop3A_723 : vector<16xf32>
        %parallel_loop3A_772 = arith.subf %parallel_loop3A_771, %parallel_loop3A_725 : vector<16xf32>
        %parallel_loop3A_773 = arith.mulf %parallel_loop3A_729, %parallel_loop3A_700 : vector<16xf32>
        %parallel_loop3A_774 = arith.mulf %parallel_loop3A_733, %parallel_loop3A_698 : vector<16xf32>
        %parallel_loop3A_775 = arith.addf %parallel_loop3A_773, %parallel_loop3A_774 : vector<16xf32>
        %parallel_loop3A_776 = arith.constant 1.08012342 : f32
        %parallel_loop3A_777 = vector.broadcast %parallel_loop3A_776 : f32 to vector<16xf32>
        %parallel_loop3A_778 = arith.mulf %parallel_loop3A_777, %parallel_loop3A_775 : vector<16xf32>
        %parallel_loop3A_779 = arith.constant 9 : i32
        %parallel_loop3A_780 = arith.index_cast %parallel_loop3A_779 : i32 to index
        %parallel_loop3A_781 = arith.index_cast %parallel_loop3A_644 : i32 to index
        %parallel_loop3A_782 = tpu.vector_load %arg19[%parallel_loop3A_780, %parallel_loop3A_781] {strides = array<i32>} : memref<16x512xf32, #tpu.memory_space<vmem>>, vector<16xf32>,
        tpu.vector_store %arg19[%parallel_loop3A_780, %parallel_loop3A_781], %parallel_loop3A_778 {strides = array<i32>} : memref<16x512xf32, #tpu.memory_space<vmem>>, vector<16xf32>,
        %parallel_loop3A_783 = arith.constant 2.64575124 : f32
        %parallel_loop3A_784 = vector.broadcast %parallel_loop3A_783 : f32 to vector<16xf32>
        %parallel_loop3A_785 = arith.mulf %parallel_loop3A_784, %parallel_loop3A_729 : vector<16xf32>
        %parallel_loop3A_786 = arith.mulf %parallel_loop3A_785, %parallel_loop3A_699 : vector<16xf32>
        %parallel_loop3A_787 = arith.constant 10 : i32
        %parallel_loop3A_788 = arith.index_cast %parallel_loop3A_787 : i32 to index
        %parallel_loop3A_789 = arith.index_cast %parallel_loop3A_644 : i32 to index
        %parallel_loop3A_790 = tpu.vector_load %arg19[%parallel_loop3A_788, %parallel_loop3A_789] {strides = array<i32>} : memref<16x512xf32, #tpu.memory_space<vmem>>, vector<16xf32>,
        tpu.vector_store %arg19[%parallel_loop3A_788, %parallel_loop3A_789], %parallel_loop3A_786 {strides = array<i32>} : memref<16x512xf32, #tpu.memory_space<vmem>>, vector<16xf32>,
        %parallel_loop3A_791 = arith.constant 1.62018514 : f32
        %parallel_loop3A_792 = vector.broadcast %parallel_loop3A_791 : f32 to vector<16xf32>
        %parallel_loop3A_793 = arith.mulf %parallel_loop3A_792, %parallel_loop3A_772 : vector<16xf32>
        %parallel_loop3A_794 = arith.mulf %parallel_loop3A_793, %parallel_loop3A_698 : vector<16xf32>
        %parallel_loop3A_795 = arith.constant 11 : i32
        %parallel_loop3A_796 = arith.index_cast %parallel_loop3A_795 : i32 to index
        %parallel_loop3A_797 = arith.index_cast %parallel_loop3A_644 : i32 to index
        %parallel_loop3A_798 = tpu.vector_load %arg19[%parallel_loop3A_796, %parallel_loop3A_797] {strides = array<i32>} : memref<16x512xf32, #tpu.memory_space<vmem>>, vector<16xf32>,
        tpu.vector_store %arg19[%parallel_loop3A_796, %parallel_loop3A_797], %parallel_loop3A_794 {strides = array<i32>} : memref<16x512xf32, #tpu.memory_space<vmem>>, vector<16xf32>,
        %parallel_loop3A_799 = arith.constant 1.32287562 : f32
        %parallel_loop3A_800 = vector.broadcast %parallel_loop3A_799 : f32 to vector<16xf32>
        %parallel_loop3A_801 = arith.mulf %parallel_loop3A_800, %parallel_loop3A_699 : vector<16xf32>
        %parallel_loop3A_802 = arith.constant 2.000000e+00 : f32
        %parallel_loop3A_803 = vector.broadcast %parallel_loop3A_802 : f32 to vector<16xf32>
        %parallel_loop3A_804 = arith.mulf %parallel_loop3A_803, %parallel_loop3A_723 : vector<16xf32>
        %parallel_loop3A_805 = arith.constant 3.000000e+00 : f32
        %parallel_loop3A_806 = vector.broadcast %parallel_loop3A_805 : f32 to vector<16xf32>
        %parallel_loop3A_807 = arith.mulf %parallel_loop3A_806, %parallel_loop3A_725 : vector<16xf32>
        %parallel_loop3A_808 = arith.subf %parallel_loop3A_804, %parallel_loop3A_807 : vector<16xf32>
        %parallel_loop3A_809 = arith.mulf %parallel_loop3A_801, %parallel_loop3A_808 : vector<16xf32>
        %parallel_loop3A_810 = arith.constant 12 : i32
        %parallel_loop3A_811 = arith.index_cast %parallel_loop3A_810 : i32 to index
        %parallel_loop3A_812 = arith.index_cast %parallel_loop3A_644 : i32 to index
        %parallel_loop3A_813 = tpu.vector_load %arg19[%parallel_loop3A_811, %parallel_loop3A_812] {strides = array<i32>} : memref<16x512xf32, #tpu.memory_space<vmem>>, vector<16xf32>,
        tpu.vector_store %arg19[%parallel_loop3A_811, %parallel_loop3A_812], %parallel_loop3A_809 {strides = array<i32>} : memref<16x512xf32, #tpu.memory_space<vmem>>, vector<16xf32>,
        %parallel_loop3A_814 = arith.constant 1.62018514 : f32
        %parallel_loop3A_815 = vector.broadcast %parallel_loop3A_814 : f32 to vector<16xf32>
        %parallel_loop3A_816 = arith.mulf %parallel_loop3A_815, %parallel_loop3A_700 : vector<16xf32>
        %parallel_loop3A_817 = arith.mulf %parallel_loop3A_816, %parallel_loop3A_772 : vector<16xf32>
        %parallel_loop3A_818 = arith.constant 13 : i32
        %parallel_loop3A_819 = arith.index_cast %parallel_loop3A_818 : i32 to index
        %parallel_loop3A_820 = arith.index_cast %parallel_loop3A_644 : i32 to index
        %parallel_loop3A_821 = tpu.vector_load %arg19[%parallel_loop3A_819, %parallel_loop3A_820] {strides = array<i32>} : memref<16x512xf32, #tpu.memory_space<vmem>>, vector<16xf32>,
        tpu.vector_store %arg19[%parallel_loop3A_819, %parallel_loop3A_820], %parallel_loop3A_817 {strides = array<i32>} : memref<16x512xf32, #tpu.memory_space<vmem>>, vector<16xf32>,
        %parallel_loop3A_822 = arith.constant 2.64575124 : f32
        %parallel_loop3A_823 = vector.broadcast %parallel_loop3A_822 : f32 to vector<16xf32>
        %parallel_loop3A_824 = arith.mulf %parallel_loop3A_823, %parallel_loop3A_733 : vector<16xf32>
        %parallel_loop3A_825 = arith.mulf %parallel_loop3A_824, %parallel_loop3A_699 : vector<16xf32>
        %parallel_loop3A_826 = arith.constant 14 : i32
        %parallel_loop3A_827 = arith.index_cast %parallel_loop3A_826 : i32 to index
        %parallel_loop3A_828 = arith.index_cast %parallel_loop3A_644 : i32 to index
        %parallel_loop3A_829 = tpu.vector_load %arg19[%parallel_loop3A_827, %parallel_loop3A_828] {strides = array<i32>} : memref<16x512xf32, #tpu.memory_space<vmem>>, vector<16xf32>,
        tpu.vector_store %arg19[%parallel_loop3A_827, %parallel_loop3A_828], %parallel_loop3A_825 {strides = array<i32>} : memref<16x512xf32, #tpu.memory_space<vmem>>, vector<16xf32>,
        %parallel_loop3A_830 = arith.mulf %parallel_loop3A_733, %parallel_loop3A_700 : vector<16xf32>
        %parallel_loop3A_831 = arith.mulf %parallel_loop3A_729, %parallel_loop3A_698 : vector<16xf32>
        %parallel_loop3A_832 = arith.subf %parallel_loop3A_830, %parallel_loop3A_831 : vector<16xf32>
        %parallel_loop3A_833 = arith.constant 1.08012342 : f32
        %parallel_loop3A_834 = vector.broadcast %parallel_loop3A_833 : f32 to vector<16xf32>
        %parallel_loop3A_835 = arith.mulf %parallel_loop3A_834, %parallel_loop3A_832 : vector<16xf32>
        %parallel_loop3A_836 = arith.constant 15 : i32
        %parallel_loop3A_837 = arith.index_cast %parallel_loop3A_836 : i32 to index
        %parallel_loop3A_838 = arith.index_cast %parallel_loop3A_644 : i32 to index
        %parallel_loop3A_839 = tpu.vector_load %arg19[%parallel_loop3A_837, %parallel_loop3A_838] {strides = array<i32>} : memref<16x512xf32, #tpu.memory_space<vmem>>, vector<16xf32>,
        tpu.vector_store %arg19[%parallel_loop3A_837, %parallel_loop3A_838], %parallel_loop3A_835 {strides = array<i32>} : memref<16x512xf32, #tpu.memory_space<vmem>>, vector<16xf32>,
      } {sc.loop_unroll_factor = 4 : i64, sc.parallel_access}
      %dma_start3A_549 = arith.constant 0 : i32
      %dma_start3A_550 = tpu.memref_slice %arg7[%dma_start3A_549, %multiple_of3A_502] : memref<3x3200000xf32, #tpu.memory_space<hbm>> -> memref<3x512xf32, #tpu.memory_space<hbm>>
      %dma_start3A_551 = arith.constant 0 : i32
      %dma_start3A_552 = tpu.memref_slice %arg7[%dma_start3A_551, %multiple_of3A_502] : memref<3x3200000xf32, #tpu.memory_space<hbm>> -> memref<3x512xf32, #tpu.memory_space<hbm>>
      tpu.enqueue_dma source(%arg17 : memref<3x512xf32, #tpu.memory_space<vmem>>) target(%dma_start3A_552 : memref<3x512xf32, #tpu.memory_space<hbm>>) target_semaphore(%arg23 : memref<!tpu.dma_semaphore, #tpu.memory_space<semaphore_mem>>)
      %dma_start3A_553 = arith.constant 0 : i32
      %dma_start3A_554 = tpu.memref_slice %arg8[%dma_start3A_553, %multiple_of3A_502] : memref<16x3200000xf32, #tpu.memory_space<hbm>> -> memref<16x512xf32, #tpu.memory_space<hbm>>
      %dma_start3A_555 = arith.constant 0 : i32
      %dma_start3A_556 = tpu.memref_slice %arg8[%dma_start3A_555, %multiple_of3A_502] : memref<16x3200000xf32, #tpu.memory_space<hbm>> -> memref<16x512xf32, #tpu.memory_space<hbm>>
      tpu.enqueue_dma source(%arg19 : memref<16x512xf32, #tpu.memory_space<vmem>>) target(%dma_start3A_556 : memref<16x512xf32, #tpu.memory_space<hbm>>) target_semaphore(%arg23 : memref<!tpu.dma_semaphore, #tpu.memory_space<semaphore_mem>>)
      %add3A_557 = arith.constant 2 : i32
      %add3A_558 = arith.addi %add3A_493, %add3A_557 : i32
      %lt3A_559 = arith.constant 196 : i32
      %lt3A_560 = arith.cmpi slt, %add3A_558, %lt3A_559 : i32
      %convert_element_type3A_561 = arith.extui %lt3A_560 : i1 to i32
      %cond3A_562 = arith.constant 0 : i32
      %cond3A_563 = arith.cmpi ne, %convert_element_type3A_561, %cond3A_562 : i32
      scf.if %cond3A_563 {
        %add3A_642 = arith.constant 2 : i32
        %add3A_643 = arith.addi %add3A_493, %add3A_642 : i32
        %mul3A_644 = arith.constant 4 : i32
        %mul3A_645 = arith.muli %add3A_643, %mul3A_644 : i32
        %sub3A_646 = arith.constant 4 : i32
        %sub3A_647 = arith.subi %add3A_3, %sub3A_646 : i32
        %min3A_648 = arith.minsi %mul3A_645, %sub3A_647 : i32
        %add3A_649 = arith.addi %add3A_7, %min3A_648 : i32
        %mul3A_650 = arith.constant 128 : i32
        %mul3A_651 = arith.muli %add3A_649, %mul3A_650 : i32
        %multiple_of3A_652 = tpu.assume_multiple %mul3A_651, 128 : i32
        %dma_start3A_653 = arith.constant 0 : i32
        %dma_start3A_654 = tpu.memref_slice %arg11[%dma_start3A_653] : memref<1536xi32, #tpu.memory_space<vmem>> -> memref<512xi32, #tpu.memory_space<vmem>>
        %dma_start3A_655 = tpu.memref_slice %arg5[%multiple_of3A_652] : memref<3200000xi32, #tpu.memory_space<hbm>> -> memref<512xi32, #tpu.memory_space<hbm>>
        %dma_start3A_656 = arith.constant 0 : i32
        %dma_start3A_657 = tpu.memref_slice %arg11[%dma_start3A_656] : memref<1536xi32, #tpu.memory_space<vmem>> -> memref<512xi32, #tpu.memory_space<vmem>>
        %dma_start3A_658 = tpu.memref_slice %arg5[%multiple_of3A_652] : memref<3200000xi32, #tpu.memory_space<hbm>> -> memref<512xi32, #tpu.memory_space<hbm>>
        tpu.enqueue_dma source(%dma_start3A_658 : memref<512xi32, #tpu.memory_space<hbm>>) target(%dma_start3A_657 : memref<512xi32, #tpu.memory_space<vmem>>) target_semaphore(%arg21 : memref<!tpu.dma_semaphore, #tpu.memory_space<semaphore_mem>>)
        %dma_start3A_659 = arith.constant 0 : i32
        %dma_start3A_660 = tpu.memref_slice %arg13[%dma_start3A_659] : memref<1536xi32, #tpu.memory_space<vmem>> -> memref<512xi32, #tpu.memory_space<vmem>>
        %dma_start3A_661 = tpu.memref_slice %arg6[%multiple_of3A_652] : memref<3200000xi32, #tpu.memory_space<hbm>> -> memref<512xi32, #tpu.memory_space<hbm>>
        %dma_start3A_662 = arith.constant 0 : i32
        %dma_start3A_663 = tpu.memref_slice %arg13[%dma_start3A_662] : memref<1536xi32, #tpu.memory_space<vmem>> -> memref<512xi32, #tpu.memory_space<vmem>>
        %dma_start3A_664 = tpu.memref_slice %arg6[%multiple_of3A_652] : memref<3200000xi32, #tpu.memory_space<hbm>> -> memref<512xi32, #tpu.memory_space<hbm>>
        tpu.enqueue_dma source(%dma_start3A_664 : memref<512xi32, #tpu.memory_space<hbm>>) target(%dma_start3A_663 : memref<512xi32, #tpu.memory_space<vmem>>) target_semaphore(%arg21 : memref<!tpu.dma_semaphore, #tpu.memory_space<semaphore_mem>>)
        %dma_start3A_665 = arith.constant 0 : i32
        %dma_start3A_666 = arith.constant 0 : i32
        %dma_start3A_667 = tpu.memref_slice %arg17[%dma_start3A_665, %dma_start3A_666] : memref<3x512xf32, #tpu.memory_space<vmem>> -> memref<1x512xf32, #tpu.memory_space<vmem>>
        %dma_start3A_668 = tpu.memref_squeeze %dma_start3A_667 : memref<1x512xf32, #tpu.memory_space<vmem>> -> memref<512xf32, #tpu.memory_space<vmem>>
        %dma_start3A_669 = tpu.memref_slice %arg9[%multiple_of3A_652] : memref<6400000xf32, #tpu.memory_space<hbm>> -> memref<512xf32, #tpu.memory_space<hbm>>
        %dma_start3A_670 = arith.constant 0 : i32
        %dma_start3A_671 = tpu.memref_slice %arg17[%dma_start3A_665, %dma_start3A_670] : memref<3x512xf32, #tpu.memory_space<vmem>> -> memref<1x512xf32, #tpu.memory_space<vmem>>
        %dma_start3A_672 = tpu.memref_squeeze %dma_start3A_671 : memref<1x512xf32, #tpu.memory_space<vmem>> -> memref<512xf32, #tpu.memory_space<vmem>>
        %dma_start3A_673 = tpu.memref_slice %arg9[%multiple_of3A_652] : memref<6400000xf32, #tpu.memory_space<hbm>> -> memref<512xf32, #tpu.memory_space<hbm>>
        tpu.enqueue_dma source(%dma_start3A_673 : memref<512xf32, #tpu.memory_space<hbm>>) target(%dma_start3A_672 : memref<512xf32, #tpu.memory_space<vmem>>) target_semaphore(%arg21 : memref<!tpu.dma_semaphore, #tpu.memory_space<semaphore_mem>>)
        %add3A_674 = arith.constant 3200000 : i32
        %add3A_675 = arith.addi %add3A_674, %multiple_of3A_652 : i32
        %dma_start3A_676 = arith.constant 1 : i32
        %dma_start3A_677 = arith.constant 0 : i32
        %dma_start3A_678 = tpu.memref_slice %arg17[%dma_start3A_676, %dma_start3A_677] : memref<3x512xf32, #tpu.memory_space<vmem>> -> memref<1x512xf32, #tpu.memory_space<vmem>>
        %dma_start3A_679 = tpu.memref_squeeze %dma_start3A_678 : memref<1x512xf32, #tpu.memory_space<vmem>> -> memref<512xf32, #tpu.memory_space<vmem>>
        %dma_start3A_680 = tpu.memref_slice %arg9[%add3A_675] : memref<6400000xf32, #tpu.memory_space<hbm>> -> memref<512xf32, #tpu.memory_space<hbm>>
        %dma_start3A_681 = arith.constant 0 : i32
        %dma_start3A_682 = tpu.memref_slice %arg17[%dma_start3A_676, %dma_start3A_681] : memref<3x512xf32, #tpu.memory_space<vmem>> -> memref<1x512xf32, #tpu.memory_space<vmem>>
        %dma_start3A_683 = tpu.memref_squeeze %dma_start3A_682 : memref<1x512xf32, #tpu.memory_space<vmem>> -> memref<512xf32, #tpu.memory_space<vmem>>
        %dma_start3A_684 = tpu.memref_slice %arg9[%add3A_675] : memref<6400000xf32, #tpu.memory_space<hbm>> -> memref<512xf32, #tpu.memory_space<hbm>>
        tpu.enqueue_dma source(%dma_start3A_684 : memref<512xf32, #tpu.memory_space<hbm>>) target(%dma_start3A_683 : memref<512xf32, #tpu.memory_space<vmem>>) target_semaphore(%arg21 : memref<!tpu.dma_semaphore, #tpu.memory_space<semaphore_mem>>)
      } else {
      }
      %mul3A_564 = arith.constant 2 : i32
      %mul3A_565 = arith.muli %mul3A_564, %scan3A_488 : i32
      %add3A_566 = arith.constant 1 : i32
      %add3A_567 = arith.addi %mul3A_565, %add3A_566 : i32
      %mul3A_568 = arith.constant 4 : i32
      %mul3A_569 = arith.muli %add3A_567, %mul3A_568 : i32
      %sub3A_570 = arith.constant 4 : i32
      %sub3A_571 = arith.subi %add3A_3, %sub3A_570 : i32
      %min3A_572 = arith.minsi %mul3A_569, %sub3A_571 : i32
      %add3A_573 = arith.addi %add3A_7, %min3A_572 : i32
      %mul3A_574 = arith.constant 128 : i32
      %mul3A_575 = arith.muli %add3A_573, %mul3A_574 : i32
      %multiple_of3A_576 = tpu.assume_multiple %mul3A_575, 128 : i32
      %mul3A_577 = arith.constant 4 : i32
      %mul3A_578 = arith.muli %add3A_567, %mul3A_577 : i32
      %sub3A_579 = arith.constant 4 : i32
      %sub3A_580 = arith.subi %add3A_3, %sub3A_579 : i32
      %min3A_581 = arith.minsi %mul3A_578, %sub3A_580 : i32
      %add3A_582 = arith.addi %add3A_7, %min3A_581 : i32
      %mul3A_583 = arith.constant 128 : i32
      %mul3A_584 = arith.muli %add3A_582, %mul3A_583 : i32
      %multiple_of3A_585 = tpu.assume_multiple %mul3A_584, 128 : i32
      %dma_wait3A_586 = arith.constant 0 : i32
      %dma_wait3A_587 = tpu.memref_slice %arg12[%dma_wait3A_586] : memref<1536xi32, #tpu.memory_space<vmem>> -> memref<512xi32, #tpu.memory_space<vmem>>
      %dma_wait3A_588 = tpu.memref_slice %arg5[%multiple_of3A_585] : memref<3200000xi32, #tpu.memory_space<hbm>> -> memref<512xi32, #tpu.memory_space<hbm>>
      %dma_wait3A_589 = arith.constant 0 : i32
      %dma_wait3A_590 = tpu.memref_slice %arg12[%dma_wait3A_589] : memref<1536xi32, #tpu.memory_space<vmem>> -> memref<512xi32, #tpu.memory_space<vmem>>
      %dma_wait3A_591 = tpu.memref_slice %arg5[%multiple_of3A_585] : memref<3200000xi32, #tpu.memory_space<hbm>> -> memref<512xi32, #tpu.memory_space<hbm>>
      tpu.wait_dma2 semaphore(%arg22 : memref<!tpu.dma_semaphore, #tpu.memory_space<semaphore_mem>>) src(%dma_wait3A_591 : memref<512xi32, #tpu.memory_space<hbm>>) dst(%dma_wait3A_590 : memref<512xi32, #tpu.memory_space<vmem>>)
      %dma_wait3A_592 = arith.constant 0 : i32
      %dma_wait3A_593 = tpu.memref_slice %arg14[%dma_wait3A_592] : memref<1536xi32, #tpu.memory_space<vmem>> -> memref<512xi32, #tpu.memory_space<vmem>>
      %dma_wait3A_594 = tpu.memref_slice %arg6[%multiple_of3A_585] : memref<3200000xi32, #tpu.memory_space<hbm>> -> memref<512xi32, #tpu.memory_space<hbm>>
      %dma_wait3A_595 = arith.constant 0 : i32
      %dma_wait3A_596 = tpu.memref_slice %arg14[%dma_wait3A_595] : memref<1536xi32, #tpu.memory_space<vmem>> -> memref<512xi32, #tpu.memory_space<vmem>>
      %dma_wait3A_597 = tpu.memref_slice %arg6[%multiple_of3A_585] : memref<3200000xi32, #tpu.memory_space<hbm>> -> memref<512xi32, #tpu.memory_space<hbm>>
      tpu.wait_dma2 semaphore(%arg22 : memref<!tpu.dma_semaphore, #tpu.memory_space<semaphore_mem>>) src(%dma_wait3A_597 : memref<512xi32, #tpu.memory_space<hbm>>) dst(%dma_wait3A_596 : memref<512xi32, #tpu.memory_space<vmem>>)
      %dma_wait3A_598 = arith.constant 0 : i32
      %dma_wait3A_599 = arith.constant 0 : i32
      %dma_wait3A_600 = tpu.memref_slice %arg18[%dma_wait3A_598, %dma_wait3A_599] : memref<3x512xf32, #tpu.memory_space<vmem>> -> memref<1x512xf32, #tpu.memory_space<vmem>>
      %dma_wait3A_601 = tpu.memref_squeeze %dma_wait3A_600 : memref<1x512xf32, #tpu.memory_space<vmem>> -> memref<512xf32, #tpu.memory_space<vmem>>
      %dma_wait3A_602 = tpu.memref_slice %arg9[%multiple_of3A_585] : memref<6400000xf32, #tpu.memory_space<hbm>> -> memref<512xf32, #tpu.memory_space<hbm>>
      %dma_wait3A_603 = arith.constant 0 : i32
      %dma_wait3A_604 = tpu.memref_slice %arg18[%dma_wait3A_598, %dma_wait3A_603] : memref<3x512xf32, #tpu.memory_space<vmem>> -> memref<1x512xf32, #tpu.memory_space<vmem>>
      %dma_wait3A_605 = tpu.memref_squeeze %dma_wait3A_604 : memref<1x512xf32, #tpu.memory_space<vmem>> -> memref<512xf32, #tpu.memory_space<vmem>>
      %dma_wait3A_606 = tpu.memref_slice %arg9[%multiple_of3A_585] : memref<6400000xf32, #tpu.memory_space<hbm>> -> memref<512xf32, #tpu.memory_space<hbm>>
      tpu.wait_dma2 semaphore(%arg22 : memref<!tpu.dma_semaphore, #tpu.memory_space<semaphore_mem>>) src(%dma_wait3A_606 : memref<512xf32, #tpu.memory_space<hbm>>) dst(%dma_wait3A_605 : memref<512xf32, #tpu.memory_space<vmem>>)
      %add3A_607 = arith.constant 3200000 : i32
      %add3A_608 = arith.addi %add3A_607, %multiple_of3A_585 : i32
      %dma_wait3A_609 = arith.constant 1 : i32
      %dma_wait3A_610 = arith.constant 0 : i32
      %dma_wait3A_611 = tpu.memref_slice %arg18[%dma_wait3A_609, %dma_wait3A_610] : memref<3x512xf32, #tpu.memory_space<vmem>> -> memref<1x512xf32, #tpu.memory_space<vmem>>
      %dma_wait3A_612 = tpu.memref_squeeze %dma_wait3A_611 : memref<1x512xf32, #tpu.memory_space<vmem>> -> memref<512xf32, #tpu.memory_space<vmem>>
      %dma_wait3A_613 = tpu.memref_slice %arg9[%add3A_608] : memref<6400000xf32, #tpu.memory_space<hbm>> -> memref<512xf32, #tpu.memory_space<hbm>>
      %dma_wait3A_614 = arith.constant 0 : i32
      %dma_wait3A_615 = tpu.memref_slice %arg18[%dma_wait3A_609, %dma_wait3A_614] : memref<3x512xf32, #tpu.memory_space<vmem>> -> memref<1x512xf32, #tpu.memory_space<vmem>>
      %dma_wait3A_616 = tpu.memref_squeeze %dma_wait3A_615 : memref<1x512xf32, #tpu.memory_space<vmem>> -> memref<512xf32, #tpu.memory_space<vmem>>
      %dma_wait3A_617 = tpu.memref_slice %arg9[%add3A_608] : memref<6400000xf32, #tpu.memory_space<hbm>> -> memref<512xf32, #tpu.memory_space<hbm>>
      tpu.wait_dma2 semaphore(%arg22 : memref<!tpu.dma_semaphore, #tpu.memory_space<semaphore_mem>>) src(%dma_wait3A_617 : memref<512xf32, #tpu.memory_space<hbm>>) dst(%dma_wait3A_616 : memref<512xf32, #tpu.memory_space<vmem>>)
      %ge3A_618 = arith.constant 2 : i32
      %ge3A_619 = arith.cmpi sge, %add3A_567, %ge3A_618 : i32
      %convert_element_type3A_620 = arith.extui %ge3A_619 : i1 to i32
      %cond3A_621 = arith.constant 0 : i32
      %cond3A_622 = arith.cmpi ne, %convert_element_type3A_620, %cond3A_621 : i32
      scf.if %cond3A_622 {
        %mul3A_642 = arith.constant 4 : i32
        %mul3A_643 = arith.muli %add3A_567, %mul3A_642 : i32
        %sub3A_644 = arith.constant 4 : i32
        %sub3A_645 = arith.subi %add3A_3, %sub3A_644 : i32
        %min3A_646 = arith.minsi %mul3A_643, %sub3A_645 : i32
        %add3A_647 = arith.addi %add3A_7, %min3A_646 : i32
        %mul3A_648 = arith.constant 128 : i32
        %mul3A_649 = arith.muli %add3A_647, %mul3A_648 : i32
        %multiple_of3A_650 = tpu.assume_multiple %mul3A_649, 128 : i32
        %dma_wait3A_651 = arith.constant 0 : i32
        %dma_wait3A_652 = tpu.memref_slice %arg7[%dma_wait3A_651, %multiple_of3A_650] : memref<3x3200000xf32, #tpu.memory_space<hbm>> -> memref<3x512xf32, #tpu.memory_space<hbm>>
        %dma_wait3A_653 = arith.constant 0 : i32
        %dma_wait3A_654 = tpu.memref_slice %arg7[%dma_wait3A_653, %multiple_of3A_650] : memref<3x3200000xf32, #tpu.memory_space<hbm>> -> memref<3x512xf32, #tpu.memory_space<hbm>>
        tpu.wait_dma2 semaphore(%arg24 : memref<!tpu.dma_semaphore, #tpu.memory_space<semaphore_mem>>) src(%arg18 : memref<3x512xf32, #tpu.memory_space<vmem>>) dst(%dma_wait3A_654 : memref<3x512xf32, #tpu.memory_space<hbm>>)
        %dma_wait3A_655 = arith.constant 0 : i32
        %dma_wait3A_656 = tpu.memref_slice %arg8[%dma_wait3A_655, %multiple_of3A_650] : memref<16x3200000xf32, #tpu.memory_space<hbm>> -> memref<16x512xf32, #tpu.memory_space<hbm>>
        %dma_wait3A_657 = arith.constant 0 : i32
        %dma_wait3A_658 = tpu.memref_slice %arg8[%dma_wait3A_657, %multiple_of3A_650] : memref<16x3200000xf32, #tpu.memory_space<hbm>> -> memref<16x512xf32, #tpu.memory_space<hbm>>
        tpu.wait_dma2 semaphore(%arg24 : memref<!tpu.dma_semaphore, #tpu.memory_space<semaphore_mem>>) src(%arg20 : memref<16x512xf32, #tpu.memory_space<vmem>>) dst(%dma_wait3A_658 : memref<16x512xf32, #tpu.memory_space<hbm>>)
      } else {
      }
      %parallel_loop3A_623 = arith.constant 0 : i32
      %parallel_loop3A_624 = arith.constant 32 : i32
      %parallel_loop3A_625 = arith.constant 1 : i32
      scf.for %parallel_loop3A_642 = %parallel_loop3A_623 to %parallel_loop3A_624 step %parallel_loop3A_625  : i32 {
        %parallel_loop3A_643 = arith.constant 16 : i32
        %parallel_loop3A_644 = arith.muli %parallel_loop3A_642, %parallel_loop3A_643 : i32
        %parallel_loop3A_645 = arith.index_cast %parallel_loop3A_644 : i32 to index
        %parallel_loop3A_646 = tpu.vector_load %arg12[%parallel_loop3A_645] {strides = array<i32>} : memref<1536xi32, #tpu.memory_space<vmem>>, vector<16xi32>,
        %parallel_loop3A_647 = arith.index_cast %parallel_loop3A_644 : i32 to index
        %parallel_loop3A_648 = tpu.vector_load %arg14[%parallel_loop3A_647] {strides = array<i32>} : memref<1536xi32, #tpu.memory_space<vmem>>, vector<16xi32>,
        %parallel_loop3A_649 = tpu.vector_load_idx %arg10[%parallel_loop3A_646] : memref<100000xf32, #tpu.memory_space<vmem>>[vector<16xi32>], vector<16xf32>,
        %parallel_loop3A_650 = tpu.vector_load_idx %arg10[%parallel_loop3A_648] : memref<100000xf32, #tpu.memory_space<vmem>>[vector<16xi32>], vector<16xf32>,
        %parallel_loop3A_651 = arith.subf %parallel_loop3A_650, %parallel_loop3A_649 : vector<16xf32>
        %parallel_loop3A_652 = arith.constant 0 : i32
        %parallel_loop3A_653 = arith.index_cast %parallel_loop3A_652 : i32 to index
        %parallel_loop3A_654 = arith.index_cast %parallel_loop3A_644 : i32 to index
        %parallel_loop3A_655 = tpu.vector_load %arg18[%parallel_loop3A_653, %parallel_loop3A_654] {strides = array<i32>} : memref<3x512xf32, #tpu.memory_space<vmem>>, vector<16xf32>,
        %parallel_loop3A_656 = arith.constant 1 : i32
        %parallel_loop3A_657 = arith.index_cast %parallel_loop3A_656 : i32 to index
        %parallel_loop3A_658 = arith.index_cast %parallel_loop3A_644 : i32 to index
        %parallel_loop3A_659 = tpu.vector_load %arg18[%parallel_loop3A_657, %parallel_loop3A_658] {strides = array<i32>} : memref<3x512xf32, #tpu.memory_space<vmem>>, vector<16xf32>,
        %parallel_loop3A_660 = arith.constant 2 : i32
        %parallel_loop3A_661 = arith.index_cast %parallel_loop3A_660 : i32 to index
        %parallel_loop3A_662 = arith.index_cast %parallel_loop3A_644 : i32 to index
        %parallel_loop3A_663 = tpu.vector_load %arg18[%parallel_loop3A_661, %parallel_loop3A_662] {strides = array<i32>} : memref<3x512xf32, #tpu.memory_space<vmem>>, vector<16xf32>,
        tpu.vector_store %arg18[%parallel_loop3A_661, %parallel_loop3A_662], %parallel_loop3A_651 {strides = array<i32>} : memref<3x512xf32, #tpu.memory_space<vmem>>, vector<16xf32>,
        %parallel_loop3A_664 = arith.mulf %parallel_loop3A_655, %parallel_loop3A_655 : vector<16xf32>
        %parallel_loop3A_665 = arith.mulf %parallel_loop3A_659, %parallel_loop3A_659 : vector<16xf32>
        %parallel_loop3A_666 = arith.addf %parallel_loop3A_664, %parallel_loop3A_665 : vector<16xf32>
        %parallel_loop3A_667 = arith.mulf %parallel_loop3A_651, %parallel_loop3A_651 : vector<16xf32>
        %parallel_loop3A_668 = arith.addf %parallel_loop3A_666, %parallel_loop3A_667 : vector<16xf32>
        %parallel_loop3A_669 = arith.constant 1.000000e-24 : f32
        %parallel_loop3A_670 = vector.broadcast %parallel_loop3A_669 : f32 to vector<16xf32>
        %parallel_loop3A_671 = arith.maximumf %parallel_loop3A_668, %parallel_loop3A_670 : vector<16xf32>
        %parallel_loop3A_672 = vector.bitcast %parallel_loop3A_671 : vector<16xf32> to vector<16xi32>
        %parallel_loop3A_673 = arith.constant 1 : i32
        %parallel_loop3A_674 = vector.broadcast %parallel_loop3A_673 : i32 to vector<16xi32>
        %parallel_loop3A_675 = arith.shrui %parallel_loop3A_672, %parallel_loop3A_674 : vector<16xi32>
        %parallel_loop3A_676 = arith.constant 1597463007 : i32
        %parallel_loop3A_677 = vector.broadcast %parallel_loop3A_676 : i32 to vector<16xi32>
        %parallel_loop3A_678 = arith.subi %parallel_loop3A_677, %parallel_loop3A_675 : vector<16xi32>
        %parallel_loop3A_679 = vector.bitcast %parallel_loop3A_678 : vector<16xi32> to vector<16xf32>
        %parallel_loop3A_680 = arith.constant 5.000000e-01 : f32
        %parallel_loop3A_681 = vector.broadcast %parallel_loop3A_680 : f32 to vector<16xf32>
        %parallel_loop3A_682 = arith.mulf %parallel_loop3A_681, %parallel_loop3A_671 : vector<16xf32>
        %parallel_loop3A_683 = arith.mulf %parallel_loop3A_682, %parallel_loop3A_679 : vector<16xf32>
        %parallel_loop3A_684 = arith.mulf %parallel_loop3A_683, %parallel_loop3A_679 : vector<16xf32>
        %parallel_loop3A_685 = arith.constant 1.500000e+00 : f32
        %parallel_loop3A_686 = vector.broadcast %parallel_loop3A_685 : f32 to vector<16xf32>
        %parallel_loop3A_687 = arith.subf %parallel_loop3A_686, %parallel_loop3A_684 : vector<16xf32>
        %parallel_loop3A_688 = arith.mulf %parallel_loop3A_679, %parallel_loop3A_687 : vector<16xf32>
        %parallel_loop3A_689 = arith.constant 5.000000e-01 : f32
        %parallel_loop3A_690 = vector.broadcast %parallel_loop3A_689 : f32 to vector<16xf32>
        %parallel_loop3A_691 = arith.mulf %parallel_loop3A_690, %parallel_loop3A_671 : vector<16xf32>
        %parallel_loop3A_692 = arith.mulf %parallel_loop3A_691, %parallel_loop3A_688 : vector<16xf32>
        %parallel_loop3A_693 = arith.mulf %parallel_loop3A_692, %parallel_loop3A_688 : vector<16xf32>
        %parallel_loop3A_694 = arith.constant 1.500000e+00 : f32
        %parallel_loop3A_695 = vector.broadcast %parallel_loop3A_694 : f32 to vector<16xf32>
        %parallel_loop3A_696 = arith.subf %parallel_loop3A_695, %parallel_loop3A_693 : vector<16xf32>
        %parallel_loop3A_697 = arith.mulf %parallel_loop3A_688, %parallel_loop3A_696 : vector<16xf32>
        %parallel_loop3A_698 = arith.mulf %parallel_loop3A_655, %parallel_loop3A_697 : vector<16xf32>
        %parallel_loop3A_699 = arith.mulf %parallel_loop3A_659, %parallel_loop3A_697 : vector<16xf32>
        %parallel_loop3A_700 = arith.mulf %parallel_loop3A_651, %parallel_loop3A_697 : vector<16xf32>
        %parallel_loop3A_701 = arith.constant 1.73205078 : f32
        %parallel_loop3A_702 = vector.broadcast %parallel_loop3A_701 : f32 to vector<16xf32>
        %parallel_loop3A_703 = arith.mulf %parallel_loop3A_702, %parallel_loop3A_698 : vector<16xf32>
        %parallel_loop3A_704 = arith.constant 1 : i32
        %parallel_loop3A_705 = arith.index_cast %parallel_loop3A_704 : i32 to index
        %parallel_loop3A_706 = arith.index_cast %parallel_loop3A_644 : i32 to index
        %parallel_loop3A_707 = tpu.vector_load %arg20[%parallel_loop3A_705, %parallel_loop3A_706] {strides = array<i32>} : memref<16x512xf32, #tpu.memory_space<vmem>>, vector<16xf32>,
        tpu.vector_store %arg20[%parallel_loop3A_705, %parallel_loop3A_706], %parallel_loop3A_703 {strides = array<i32>} : memref<16x512xf32, #tpu.memory_space<vmem>>, vector<16xf32>,
        %parallel_loop3A_708 = arith.constant 1.73205078 : f32
        %parallel_loop3A_709 = vector.broadcast %parallel_loop3A_708 : f32 to vector<16xf32>
        %parallel_loop3A_710 = arith.mulf %parallel_loop3A_709, %parallel_loop3A_699 : vector<16xf32>
        %parallel_loop3A_711 = arith.constant 2 : i32
        %parallel_loop3A_712 = arith.index_cast %parallel_loop3A_711 : i32 to index
        %parallel_loop3A_713 = arith.index_cast %parallel_loop3A_644 : i32 to index
        %parallel_loop3A_714 = tpu.vector_load %arg20[%parallel_loop3A_712, %parallel_loop3A_713] {strides = array<i32>} : memref<16x512xf32, #tpu.memory_space<vmem>>, vector<16xf32>,
        tpu.vector_store %arg20[%parallel_loop3A_712, %parallel_loop3A_713], %parallel_loop3A_710 {strides = array<i32>} : memref<16x512xf32, #tpu.memory_space<vmem>>, vector<16xf32>,
        %parallel_loop3A_715 = arith.constant 1.73205078 : f32
        %parallel_loop3A_716 = vector.broadcast %parallel_loop3A_715 : f32 to vector<16xf32>
        %parallel_loop3A_717 = arith.mulf %parallel_loop3A_716, %parallel_loop3A_700 : vector<16xf32>
        %parallel_loop3A_718 = arith.constant 3 : i32
        %parallel_loop3A_719 = arith.index_cast %parallel_loop3A_718 : i32 to index
        %parallel_loop3A_720 = arith.index_cast %parallel_loop3A_644 : i32 to index
        %parallel_loop3A_721 = tpu.vector_load %arg20[%parallel_loop3A_719, %parallel_loop3A_720] {strides = array<i32>} : memref<16x512xf32, #tpu.memory_space<vmem>>, vector<16xf32>,
        tpu.vector_store %arg20[%parallel_loop3A_719, %parallel_loop3A_720], %parallel_loop3A_717 {strides = array<i32>} : memref<16x512xf32, #tpu.memory_space<vmem>>, vector<16xf32>,
        %parallel_loop3A_722 = arith.mulf %parallel_loop3A_698, %parallel_loop3A_698 : vector<16xf32>
        %parallel_loop3A_723 = arith.mulf %parallel_loop3A_699, %parallel_loop3A_699 : vector<16xf32>
        %parallel_loop3A_724 = arith.mulf %parallel_loop3A_700, %parallel_loop3A_700 : vector<16xf32>
        %parallel_loop3A_725 = arith.addf %parallel_loop3A_722, %parallel_loop3A_724 : vector<16xf32>
        %parallel_loop3A_726 = arith.constant 3.87298346 : f32
        %parallel_loop3A_727 = vector.broadcast %parallel_loop3A_726 : f32 to vector<16xf32>
        %parallel_loop3A_728 = arith.mulf %parallel_loop3A_727, %parallel_loop3A_698 : vector<16xf32>
        %parallel_loop3A_729 = arith.mulf %parallel_loop3A_728, %parallel_loop3A_700 : vector<16xf32>
        %parallel_loop3A_730 = arith.subf %parallel_loop3A_724, %parallel_loop3A_722 : vector<16xf32>
        %parallel_loop3A_731 = arith.constant 1.93649173 : f32
        %parallel_loop3A_732 = vector.broadcast %parallel_loop3A_731 : f32 to vector<16xf32>
        %parallel_loop3A_733 = arith.mulf %parallel_loop3A_732, %parallel_loop3A_730 : vector<16xf32>
        %parallel_loop3A_734 = arith.constant 4 : i32
        %parallel_loop3A_735 = arith.index_cast %parallel_loop3A_734 : i32 to index
        %parallel_loop3A_736 = arith.index_cast %parallel_loop3A_644 : i32 to index
        %parallel_loop3A_737 = tpu.vector_load %arg20[%parallel_loop3A_735, %parallel_loop3A_736] {strides = array<i32>} : memref<16x512xf32, #tpu.memory_space<vmem>>, vector<16xf32>,
        tpu.vector_store %arg20[%parallel_loop3A_735, %parallel_loop3A_736], %parallel_loop3A_729 {strides = array<i32>} : memref<16x512xf32, #tpu.memory_space<vmem>>, vector<16xf32>,
        %parallel_loop3A_738 = arith.constant 3.87298346 : f32
        %parallel_loop3A_739 = vector.broadcast %parallel_loop3A_738 : f32 to vector<16xf32>
        %parallel_loop3A_740 = arith.mulf %parallel_loop3A_739, %parallel_loop3A_698 : vector<16xf32>
        %parallel_loop3A_741 = arith.mulf %parallel_loop3A_740, %parallel_loop3A_699 : vector<16xf32>
        %parallel_loop3A_742 = arith.constant 5 : i32
        %parallel_loop3A_743 = arith.index_cast %parallel_loop3A_742 : i32 to index
        %parallel_loop3A_744 = arith.index_cast %parallel_loop3A_644 : i32 to index
        %parallel_loop3A_745 = tpu.vector_load %arg20[%parallel_loop3A_743, %parallel_loop3A_744] {strides = array<i32>} : memref<16x512xf32, #tpu.memory_space<vmem>>, vector<16xf32>,
        tpu.vector_store %arg20[%parallel_loop3A_743, %parallel_loop3A_744], %parallel_loop3A_741 {strides = array<i32>} : memref<16x512xf32, #tpu.memory_space<vmem>>, vector<16xf32>,
        %parallel_loop3A_746 = arith.constant 5.000000e-01 : f32
        %parallel_loop3A_747 = vector.broadcast %parallel_loop3A_746 : f32 to vector<16xf32>
        %parallel_loop3A_748 = arith.mulf %parallel_loop3A_747, %parallel_loop3A_725 : vector<16xf32>
        %parallel_loop3A_749 = arith.subf %parallel_loop3A_723, %parallel_loop3A_748 : vector<16xf32>
        %parallel_loop3A_750 = arith.constant 2.23606801 : f32
        %parallel_loop3A_751 = vector.broadcast %parallel_loop3A_750 : f32 to vector<16xf32>
        %parallel_loop3A_752 = arith.mulf %parallel_loop3A_751, %parallel_loop3A_749 : vector<16xf32>
        %parallel_loop3A_753 = arith.constant 6 : i32
        %parallel_loop3A_754 = arith.index_cast %parallel_loop3A_753 : i32 to index
        %parallel_loop3A_755 = arith.index_cast %parallel_loop3A_644 : i32 to index
        %parallel_loop3A_756 = tpu.vector_load %arg20[%parallel_loop3A_754, %parallel_loop3A_755] {strides = array<i32>} : memref<16x512xf32, #tpu.memory_space<vmem>>, vector<16xf32>,
        tpu.vector_store %arg20[%parallel_loop3A_754, %parallel_loop3A_755], %parallel_loop3A_752 {strides = array<i32>} : memref<16x512xf32, #tpu.memory_space<vmem>>, vector<16xf32>,
        %parallel_loop3A_757 = arith.constant 3.87298346 : f32
        %parallel_loop3A_758 = vector.broadcast %parallel_loop3A_757 : f32 to vector<16xf32>
        %parallel_loop3A_759 = arith.mulf %parallel_loop3A_758, %parallel_loop3A_699 : vector<16xf32>
        %parallel_loop3A_760 = arith.mulf %parallel_loop3A_759, %parallel_loop3A_700 : vector<16xf32>
        %parallel_loop3A_761 = arith.constant 7 : i32
        %parallel_loop3A_762 = arith.index_cast %parallel_loop3A_761 : i32 to index
        %parallel_loop3A_763 = arith.index_cast %parallel_loop3A_644 : i32 to index
        %parallel_loop3A_764 = tpu.vector_load %arg20[%parallel_loop3A_762, %parallel_loop3A_763] {strides = array<i32>} : memref<16x512xf32, #tpu.memory_space<vmem>>, vector<16xf32>,
        tpu.vector_store %arg20[%parallel_loop3A_762, %parallel_loop3A_763], %parallel_loop3A_760 {strides = array<i32>} : memref<16x512xf32, #tpu.memory_space<vmem>>, vector<16xf32>,
        %parallel_loop3A_765 = arith.constant 8 : i32
        %parallel_loop3A_766 = arith.index_cast %parallel_loop3A_765 : i32 to index
        %parallel_loop3A_767 = arith.index_cast %parallel_loop3A_644 : i32 to index
        %parallel_loop3A_768 = tpu.vector_load %arg20[%parallel_loop3A_766, %parallel_loop3A_767] {strides = array<i32>} : memref<16x512xf32, #tpu.memory_space<vmem>>, vector<16xf32>,
        tpu.vector_store %arg20[%parallel_loop3A_766, %parallel_loop3A_767], %parallel_loop3A_733 {strides = array<i32>} : memref<16x512xf32, #tpu.memory_space<vmem>>, vector<16xf32>,
        %parallel_loop3A_769 = arith.constant 4.000000e+00 : f32
        %parallel_loop3A_770 = vector.broadcast %parallel_loop3A_769 : f32 to vector<16xf32>
        %parallel_loop3A_771 = arith.mulf %parallel_loop3A_770, %parallel_loop3A_723 : vector<16xf32>
        %parallel_loop3A_772 = arith.subf %parallel_loop3A_771, %parallel_loop3A_725 : vector<16xf32>
        %parallel_loop3A_773 = arith.mulf %parallel_loop3A_729, %parallel_loop3A_700 : vector<16xf32>
        %parallel_loop3A_774 = arith.mulf %parallel_loop3A_733, %parallel_loop3A_698 : vector<16xf32>
        %parallel_loop3A_775 = arith.addf %parallel_loop3A_773, %parallel_loop3A_774 : vector<16xf32>
        %parallel_loop3A_776 = arith.constant 1.08012342 : f32
        %parallel_loop3A_777 = vector.broadcast %parallel_loop3A_776 : f32 to vector<16xf32>
        %parallel_loop3A_778 = arith.mulf %parallel_loop3A_777, %parallel_loop3A_775 : vector<16xf32>
        %parallel_loop3A_779 = arith.constant 9 : i32
        %parallel_loop3A_780 = arith.index_cast %parallel_loop3A_779 : i32 to index
        %parallel_loop3A_781 = arith.index_cast %parallel_loop3A_644 : i32 to index
        %parallel_loop3A_782 = tpu.vector_load %arg20[%parallel_loop3A_780, %parallel_loop3A_781] {strides = array<i32>} : memref<16x512xf32, #tpu.memory_space<vmem>>, vector<16xf32>,
        tpu.vector_store %arg20[%parallel_loop3A_780, %parallel_loop3A_781], %parallel_loop3A_778 {strides = array<i32>} : memref<16x512xf32, #tpu.memory_space<vmem>>, vector<16xf32>,
        %parallel_loop3A_783 = arith.constant 2.64575124 : f32
        %parallel_loop3A_784 = vector.broadcast %parallel_loop3A_783 : f32 to vector<16xf32>
        %parallel_loop3A_785 = arith.mulf %parallel_loop3A_784, %parallel_loop3A_729 : vector<16xf32>
        %parallel_loop3A_786 = arith.mulf %parallel_loop3A_785, %parallel_loop3A_699 : vector<16xf32>
        %parallel_loop3A_787 = arith.constant 10 : i32
        %parallel_loop3A_788 = arith.index_cast %parallel_loop3A_787 : i32 to index
        %parallel_loop3A_789 = arith.index_cast %parallel_loop3A_644 : i32 to index
        %parallel_loop3A_790 = tpu.vector_load %arg20[%parallel_loop3A_788, %parallel_loop3A_789] {strides = array<i32>} : memref<16x512xf32, #tpu.memory_space<vmem>>, vector<16xf32>,
        tpu.vector_store %arg20[%parallel_loop3A_788, %parallel_loop3A_789], %parallel_loop3A_786 {strides = array<i32>} : memref<16x512xf32, #tpu.memory_space<vmem>>, vector<16xf32>,
        %parallel_loop3A_791 = arith.constant 1.62018514 : f32
        %parallel_loop3A_792 = vector.broadcast %parallel_loop3A_791 : f32 to vector<16xf32>
        %parallel_loop3A_793 = arith.mulf %parallel_loop3A_792, %parallel_loop3A_772 : vector<16xf32>
        %parallel_loop3A_794 = arith.mulf %parallel_loop3A_793, %parallel_loop3A_698 : vector<16xf32>
        %parallel_loop3A_795 = arith.constant 11 : i32
        %parallel_loop3A_796 = arith.index_cast %parallel_loop3A_795 : i32 to index
        %parallel_loop3A_797 = arith.index_cast %parallel_loop3A_644 : i32 to index
        %parallel_loop3A_798 = tpu.vector_load %arg20[%parallel_loop3A_796, %parallel_loop3A_797] {strides = array<i32>} : memref<16x512xf32, #tpu.memory_space<vmem>>, vector<16xf32>,
        tpu.vector_store %arg20[%parallel_loop3A_796, %parallel_loop3A_797], %parallel_loop3A_794 {strides = array<i32>} : memref<16x512xf32, #tpu.memory_space<vmem>>, vector<16xf32>,
        %parallel_loop3A_799 = arith.constant 1.32287562 : f32
        %parallel_loop3A_800 = vector.broadcast %parallel_loop3A_799 : f32 to vector<16xf32>
        %parallel_loop3A_801 = arith.mulf %parallel_loop3A_800, %parallel_loop3A_699 : vector<16xf32>
        %parallel_loop3A_802 = arith.constant 2.000000e+00 : f32
        %parallel_loop3A_803 = vector.broadcast %parallel_loop3A_802 : f32 to vector<16xf32>
        %parallel_loop3A_804 = arith.mulf %parallel_loop3A_803, %parallel_loop3A_723 : vector<16xf32>
        %parallel_loop3A_805 = arith.constant 3.000000e+00 : f32
        %parallel_loop3A_806 = vector.broadcast %parallel_loop3A_805 : f32 to vector<16xf32>
        %parallel_loop3A_807 = arith.mulf %parallel_loop3A_806, %parallel_loop3A_725 : vector<16xf32>
        %parallel_loop3A_808 = arith.subf %parallel_loop3A_804, %parallel_loop3A_807 : vector<16xf32>
        %parallel_loop3A_809 = arith.mulf %parallel_loop3A_801, %parallel_loop3A_808 : vector<16xf32>
        %parallel_loop3A_810 = arith.constant 12 : i32
        %parallel_loop3A_811 = arith.index_cast %parallel_loop3A_810 : i32 to index
        %parallel_loop3A_812 = arith.index_cast %parallel_loop3A_644 : i32 to index
        %parallel_loop3A_813 = tpu.vector_load %arg20[%parallel_loop3A_811, %parallel_loop3A_812] {strides = array<i32>} : memref<16x512xf32, #tpu.memory_space<vmem>>, vector<16xf32>,
        tpu.vector_store %arg20[%parallel_loop3A_811, %parallel_loop3A_812], %parallel_loop3A_809 {strides = array<i32>} : memref<16x512xf32, #tpu.memory_space<vmem>>, vector<16xf32>,
        %parallel_loop3A_814 = arith.constant 1.62018514 : f32
        %parallel_loop3A_815 = vector.broadcast %parallel_loop3A_814 : f32 to vector<16xf32>
        %parallel_loop3A_816 = arith.mulf %parallel_loop3A_815, %parallel_loop3A_700 : vector<16xf32>
        %parallel_loop3A_817 = arith.mulf %parallel_loop3A_816, %parallel_loop3A_772 : vector<16xf32>
        %parallel_loop3A_818 = arith.constant 13 : i32
        %parallel_loop3A_819 = arith.index_cast %parallel_loop3A_818 : i32 to index
        %parallel_loop3A_820 = arith.index_cast %parallel_loop3A_644 : i32 to index
        %parallel_loop3A_821 = tpu.vector_load %arg20[%parallel_loop3A_819, %parallel_loop3A_820] {strides = array<i32>} : memref<16x512xf32, #tpu.memory_space<vmem>>, vector<16xf32>,
        tpu.vector_store %arg20[%parallel_loop3A_819, %parallel_loop3A_820], %parallel_loop3A_817 {strides = array<i32>} : memref<16x512xf32, #tpu.memory_space<vmem>>, vector<16xf32>,
        %parallel_loop3A_822 = arith.constant 2.64575124 : f32
        %parallel_loop3A_823 = vector.broadcast %parallel_loop3A_822 : f32 to vector<16xf32>
        %parallel_loop3A_824 = arith.mulf %parallel_loop3A_823, %parallel_loop3A_733 : vector<16xf32>
        %parallel_loop3A_825 = arith.mulf %parallel_loop3A_824, %parallel_loop3A_699 : vector<16xf32>
        %parallel_loop3A_826 = arith.constant 14 : i32
        %parallel_loop3A_827 = arith.index_cast %parallel_loop3A_826 : i32 to index
        %parallel_loop3A_828 = arith.index_cast %parallel_loop3A_644 : i32 to index
        %parallel_loop3A_829 = tpu.vector_load %arg20[%parallel_loop3A_827, %parallel_loop3A_828] {strides = array<i32>} : memref<16x512xf32, #tpu.memory_space<vmem>>, vector<16xf32>,
        tpu.vector_store %arg20[%parallel_loop3A_827, %parallel_loop3A_828], %parallel_loop3A_825 {strides = array<i32>} : memref<16x512xf32, #tpu.memory_space<vmem>>, vector<16xf32>,
        %parallel_loop3A_830 = arith.mulf %parallel_loop3A_733, %parallel_loop3A_700 : vector<16xf32>
        %parallel_loop3A_831 = arith.mulf %parallel_loop3A_729, %parallel_loop3A_698 : vector<16xf32>
        %parallel_loop3A_832 = arith.subf %parallel_loop3A_830, %parallel_loop3A_831 : vector<16xf32>
        %parallel_loop3A_833 = arith.constant 1.08012342 : f32
        %parallel_loop3A_834 = vector.broadcast %parallel_loop3A_833 : f32 to vector<16xf32>
        %parallel_loop3A_835 = arith.mulf %parallel_loop3A_834, %parallel_loop3A_832 : vector<16xf32>
        %parallel_loop3A_836 = arith.constant 15 : i32
        %parallel_loop3A_837 = arith.index_cast %parallel_loop3A_836 : i32 to index
        %parallel_loop3A_838 = arith.index_cast %parallel_loop3A_644 : i32 to index
        %parallel_loop3A_839 = tpu.vector_load %arg20[%parallel_loop3A_837, %parallel_loop3A_838] {strides = array<i32>} : memref<16x512xf32, #tpu.memory_space<vmem>>, vector<16xf32>,
        tpu.vector_store %arg20[%parallel_loop3A_837, %parallel_loop3A_838], %parallel_loop3A_835 {strides = array<i32>} : memref<16x512xf32, #tpu.memory_space<vmem>>, vector<16xf32>,
      } {sc.loop_unroll_factor = 4 : i64, sc.parallel_access}
      %dma_start3A_626 = arith.constant 0 : i32
      %dma_start3A_627 = tpu.memref_slice %arg7[%dma_start3A_626, %multiple_of3A_576] : memref<3x3200000xf32, #tpu.memory_space<hbm>> -> memref<3x512xf32, #tpu.memory_space<hbm>>
      %dma_start3A_628 = arith.constant 0 : i32
      %dma_start3A_629 = tpu.memref_slice %arg7[%dma_start3A_628, %multiple_of3A_576] : memref<3x3200000xf32, #tpu.memory_space<hbm>> -> memref<3x512xf32, #tpu.memory_space<hbm>>
      tpu.enqueue_dma source(%arg18 : memref<3x512xf32, #tpu.memory_space<vmem>>) target(%dma_start3A_629 : memref<3x512xf32, #tpu.memory_space<hbm>>) target_semaphore(%arg24 : memref<!tpu.dma_semaphore, #tpu.memory_space<semaphore_mem>>)
      %dma_start3A_630 = arith.constant 0 : i32
      %dma_start3A_631 = tpu.memref_slice %arg8[%dma_start3A_630, %multiple_of3A_576] : memref<16x3200000xf32, #tpu.memory_space<hbm>> -> memref<16x512xf32, #tpu.memory_space<hbm>>
      %dma_start3A_632 = arith.constant 0 : i32
      %dma_start3A_633 = tpu.memref_slice %arg8[%dma_start3A_632, %multiple_of3A_576] : memref<16x3200000xf32, #tpu.memory_space<hbm>> -> memref<16x512xf32, #tpu.memory_space<hbm>>
      tpu.enqueue_dma source(%arg20 : memref<16x512xf32, #tpu.memory_space<vmem>>) target(%dma_start3A_633 : memref<16x512xf32, #tpu.memory_space<hbm>>) target_semaphore(%arg24 : memref<!tpu.dma_semaphore, #tpu.memory_space<semaphore_mem>>)
      %add3A_634 = arith.constant 2 : i32
      %add3A_635 = arith.addi %add3A_567, %add3A_634 : i32
      %lt3A_636 = arith.constant 196 : i32
      %lt3A_637 = arith.cmpi slt, %add3A_635, %lt3A_636 : i32
      %convert_element_type3A_638 = arith.extui %lt3A_637 : i1 to i32
      %cond3A_639 = arith.constant 0 : i32
      %cond3A_640 = arith.cmpi ne, %convert_element_type3A_638, %cond3A_639 : i32
      scf.if %cond3A_640 {
        %add3A_642 = arith.constant 2 : i32
        %add3A_643 = arith.addi %add3A_567, %add3A_642 : i32
        %mul3A_644 = arith.constant 4 : i32
        %mul3A_645 = arith.muli %add3A_643, %mul3A_644 : i32
        %sub3A_646 = arith.constant 4 : i32
        %sub3A_647 = arith.subi %add3A_3, %sub3A_646 : i32
        %min3A_648 = arith.minsi %mul3A_645, %sub3A_647 : i32
        %add3A_649 = arith.addi %add3A_7, %min3A_648 : i32
        %mul3A_650 = arith.constant 128 : i32
        %mul3A_651 = arith.muli %add3A_649, %mul3A_650 : i32
        %multiple_of3A_652 = tpu.assume_multiple %mul3A_651, 128 : i32
        %dma_start3A_653 = arith.constant 0 : i32
        %dma_start3A_654 = tpu.memref_slice %arg12[%dma_start3A_653] : memref<1536xi32, #tpu.memory_space<vmem>> -> memref<512xi32, #tpu.memory_space<vmem>>
        %dma_start3A_655 = tpu.memref_slice %arg5[%multiple_of3A_652] : memref<3200000xi32, #tpu.memory_space<hbm>> -> memref<512xi32, #tpu.memory_space<hbm>>
        %dma_start3A_656 = arith.constant 0 : i32
        %dma_start3A_657 = tpu.memref_slice %arg12[%dma_start3A_656] : memref<1536xi32, #tpu.memory_space<vmem>> -> memref<512xi32, #tpu.memory_space<vmem>>
        %dma_start3A_658 = tpu.memref_slice %arg5[%multiple_of3A_652] : memref<3200000xi32, #tpu.memory_space<hbm>> -> memref<512xi32, #tpu.memory_space<hbm>>
        tpu.enqueue_dma source(%dma_start3A_658 : memref<512xi32, #tpu.memory_space<hbm>>) target(%dma_start3A_657 : memref<512xi32, #tpu.memory_space<vmem>>) target_semaphore(%arg22 : memref<!tpu.dma_semaphore, #tpu.memory_space<semaphore_mem>>)
        %dma_start3A_659 = arith.constant 0 : i32
        %dma_start3A_660 = tpu.memref_slice %arg14[%dma_start3A_659] : memref<1536xi32, #tpu.memory_space<vmem>> -> memref<512xi32, #tpu.memory_space<vmem>>
        %dma_start3A_661 = tpu.memref_slice %arg6[%multiple_of3A_652] : memref<3200000xi32, #tpu.memory_space<hbm>> -> memref<512xi32, #tpu.memory_space<hbm>>
        %dma_start3A_662 = arith.constant 0 : i32
        %dma_start3A_663 = tpu.memref_slice %arg14[%dma_start3A_662] : memref<1536xi32, #tpu.memory_space<vmem>> -> memref<512xi32, #tpu.memory_space<vmem>>
        %dma_start3A_664 = tpu.memref_slice %arg6[%multiple_of3A_652] : memref<3200000xi32, #tpu.memory_space<hbm>> -> memref<512xi32, #tpu.memory_space<hbm>>
        tpu.enqueue_dma source(%dma_start3A_664 : memref<512xi32, #tpu.memory_space<hbm>>) target(%dma_start3A_663 : memref<512xi32, #tpu.memory_space<vmem>>) target_semaphore(%arg22 : memref<!tpu.dma_semaphore, #tpu.memory_space<semaphore_mem>>)
        %dma_start3A_665 = arith.constant 0 : i32
        %dma_start3A_666 = arith.constant 0 : i32
        %dma_start3A_667 = tpu.memref_slice %arg18[%dma_start3A_665, %dma_start3A_666] : memref<3x512xf32, #tpu.memory_space<vmem>> -> memref<1x512xf32, #tpu.memory_space<vmem>>
        %dma_start3A_668 = tpu.memref_squeeze %dma_start3A_667 : memref<1x512xf32, #tpu.memory_space<vmem>> -> memref<512xf32, #tpu.memory_space<vmem>>
        %dma_start3A_669 = tpu.memref_slice %arg9[%multiple_of3A_652] : memref<6400000xf32, #tpu.memory_space<hbm>> -> memref<512xf32, #tpu.memory_space<hbm>>
        %dma_start3A_670 = arith.constant 0 : i32
        %dma_start3A_671 = tpu.memref_slice %arg18[%dma_start3A_665, %dma_start3A_670] : memref<3x512xf32, #tpu.memory_space<vmem>> -> memref<1x512xf32, #tpu.memory_space<vmem>>
        %dma_start3A_672 = tpu.memref_squeeze %dma_start3A_671 : memref<1x512xf32, #tpu.memory_space<vmem>> -> memref<512xf32, #tpu.memory_space<vmem>>
        %dma_start3A_673 = tpu.memref_slice %arg9[%multiple_of3A_652] : memref<6400000xf32, #tpu.memory_space<hbm>> -> memref<512xf32, #tpu.memory_space<hbm>>
        tpu.enqueue_dma source(%dma_start3A_673 : memref<512xf32, #tpu.memory_space<hbm>>) target(%dma_start3A_672 : memref<512xf32, #tpu.memory_space<vmem>>) target_semaphore(%arg22 : memref<!tpu.dma_semaphore, #tpu.memory_space<semaphore_mem>>)
        %add3A_674 = arith.constant 3200000 : i32
        %add3A_675 = arith.addi %add3A_674, %multiple_of3A_652 : i32
        %dma_start3A_676 = arith.constant 1 : i32
        %dma_start3A_677 = arith.constant 0 : i32
        %dma_start3A_678 = tpu.memref_slice %arg18[%dma_start3A_676, %dma_start3A_677] : memref<3x512xf32, #tpu.memory_space<vmem>> -> memref<1x512xf32, #tpu.memory_space<vmem>>
        %dma_start3A_679 = tpu.memref_squeeze %dma_start3A_678 : memref<1x512xf32, #tpu.memory_space<vmem>> -> memref<512xf32, #tpu.memory_space<vmem>>
        %dma_start3A_680 = tpu.memref_slice %arg9[%add3A_675] : memref<6400000xf32, #tpu.memory_space<hbm>> -> memref<512xf32, #tpu.memory_space<hbm>>
        %dma_start3A_681 = arith.constant 0 : i32
        %dma_start3A_682 = tpu.memref_slice %arg18[%dma_start3A_676, %dma_start3A_681] : memref<3x512xf32, #tpu.memory_space<vmem>> -> memref<1x512xf32, #tpu.memory_space<vmem>>
        %dma_start3A_683 = tpu.memref_squeeze %dma_start3A_682 : memref<1x512xf32, #tpu.memory_space<vmem>> -> memref<512xf32, #tpu.memory_space<vmem>>
        %dma_start3A_684 = tpu.memref_slice %arg9[%add3A_675] : memref<6400000xf32, #tpu.memory_space<hbm>> -> memref<512xf32, #tpu.memory_space<hbm>>
        tpu.enqueue_dma source(%dma_start3A_684 : memref<512xf32, #tpu.memory_space<hbm>>) target(%dma_start3A_683 : memref<512xf32, #tpu.memory_space<vmem>>) target_semaphore(%arg22 : memref<!tpu.dma_semaphore, #tpu.memory_space<semaphore_mem>>)
      } else {
      }
      %scan3A_641 = arith.constant 0 : i32
      scf.yield %scan3A_641 : i32
    }
    %scan3A_455 = arith.constant 98 : i32
    %sub3A_456 = arith.constant 4 : i32
    %sub3A_457 = arith.subi %add3A_3, %sub3A_456 : i32
    %min3A_458 = arith.constant 776 : i32
    %min3A_459 = arith.minsi %min3A_458, %sub3A_457 : i32
    %add3A_460 = arith.addi %add3A_7, %min3A_459 : i32
    %mul3A_461 = arith.constant 128 : i32
    %mul3A_462 = arith.muli %add3A_460, %mul3A_461 : i32
    %multiple_of3A_463 = tpu.assume_multiple %mul3A_462, 128 : i32
    %dma_wait3A_464 = arith.constant 0 : i32
    %dma_wait3A_465 = tpu.memref_slice %arg7[%dma_wait3A_464, %multiple_of3A_463] : memref<3x3200000xf32, #tpu.memory_space<hbm>> -> memref<3x512xf32, #tpu.memory_space<hbm>>
    %dma_wait3A_466 = arith.constant 0 : i32
    %dma_wait3A_467 = tpu.memref_slice %arg7[%dma_wait3A_466, %multiple_of3A_463] : memref<3x3200000xf32, #tpu.memory_space<hbm>> -> memref<3x512xf32, #tpu.memory_space<hbm>>
    tpu.wait_dma2 semaphore(%arg23 : memref<!tpu.dma_semaphore, #tpu.memory_space<semaphore_mem>>) src(%arg17 : memref<3x512xf32, #tpu.memory_space<vmem>>) dst(%dma_wait3A_467 : memref<3x512xf32, #tpu.memory_space<hbm>>)
    %dma_wait3A_468 = arith.constant 0 : i32
    %dma_wait3A_469 = tpu.memref_slice %arg8[%dma_wait3A_468, %multiple_of3A_463] : memref<16x3200000xf32, #tpu.memory_space<hbm>> -> memref<16x512xf32, #tpu.memory_space<hbm>>
    %dma_wait3A_470 = arith.constant 0 : i32
    %dma_wait3A_471 = tpu.memref_slice %arg8[%dma_wait3A_470, %multiple_of3A_463] : memref<16x3200000xf32, #tpu.memory_space<hbm>> -> memref<16x512xf32, #tpu.memory_space<hbm>>
    tpu.wait_dma2 semaphore(%arg23 : memref<!tpu.dma_semaphore, #tpu.memory_space<semaphore_mem>>) src(%arg19 : memref<16x512xf32, #tpu.memory_space<vmem>>) dst(%dma_wait3A_471 : memref<16x512xf32, #tpu.memory_space<hbm>>)
    %sub3A_472 = arith.constant 4 : i32
    %sub3A_473 = arith.subi %add3A_3, %sub3A_472 : i32
    %min3A_474 = arith.constant 780 : i32
    %min3A_475 = arith.minsi %min3A_474, %sub3A_473 : i32
    %add3A_476 = arith.addi %add3A_7, %min3A_475 : i32
    %mul3A_477 = arith.constant 128 : i32
    %mul3A_478 = arith.muli %add3A_476, %mul3A_477 : i32
    %multiple_of3A_479 = tpu.assume_multiple %mul3A_478, 128 : i32
    %dma_wait3A_480 = arith.constant 0 : i32
    %dma_wait3A_481 = tpu.memref_slice %arg7[%dma_wait3A_480, %multiple_of3A_479] : memref<3x3200000xf32, #tpu.memory_space<hbm>> -> memref<3x512xf32, #tpu.memory_space<hbm>>
    %dma_wait3A_482 = arith.constant 0 : i32
    %dma_wait3A_483 = tpu.memref_slice %arg7[%dma_wait3A_482, %multiple_of3A_479] : memref<3x3200000xf32, #tpu.memory_space<hbm>> -> memref<3x512xf32, #tpu.memory_space<hbm>>
    tpu.wait_dma2 semaphore(%arg24 : memref<!tpu.dma_semaphore, #tpu.memory_space<semaphore_mem>>) src(%arg18 : memref<3x512xf32, #tpu.memory_space<vmem>>) dst(%dma_wait3A_483 : memref<3x512xf32, #tpu.memory_space<hbm>>)
    %dma_wait3A_484 = arith.constant 0 : i32
    %dma_wait3A_485 = tpu.memref_slice %arg8[%dma_wait3A_484, %multiple_of3A_479] : memref<16x3200000xf32, #tpu.memory_space<hbm>> -> memref<16x512xf32, #tpu.memory_space<hbm>>
    %dma_wait3A_486 = arith.constant 0 : i32
    %dma_wait3A_487 = tpu.memref_slice %arg8[%dma_wait3A_486, %multiple_of3A_479] : memref<16x3200000xf32, #tpu.memory_space<hbm>> -> memref<16x512xf32, #tpu.memory_space<hbm>>
    tpu.wait_dma2 semaphore(%arg24 : memref<!tpu.dma_semaphore, #tpu.memory_space<semaphore_mem>>) src(%arg20 : memref<16x512xf32, #tpu.memory_space<vmem>>) dst(%dma_wait3A_487 : memref<16x512xf32, #tpu.memory_space<hbm>>)
    return
  }
}

</mosaic_0001>

<sc_bundles>
// kernel: kernel.3.cloned.1.call-start
scs
__scs_entry_jumppad:
0x0: {  	(pc) =	sbr.rel $0x88, $3  }
0x1: {  	(tag) =	ssettag $0x0;
	lr =	simm.s32 $0x1  }
0x2: {  	[smem:$0x3F9F] =	sst lr;
	_ =	strace $0xD0000000  }
0x3: {  	_ = 	snop  }
0x4: {  	_ = 	snop  }
0x5: {  	_ = 	snop  }
0x6: {  	_ = 	snop  }
0x7: {  	_ = 	snop  }
__scs_overlays_trampoline_lowered:
0x8: {  	[smem:$0x3FAE] =	sst s0  }
0x9: {  	[smem:$0x3FAF] =	sst s1  }
0xa: {  	[smem:$0x3FB0] =	sst s2  }
0xb: {  	[smem:$0x3FB1] =	sst s3  }
0xc: {  	[smem:$0x3FB2] =	sst s4  }
0xd: {  	[smem:$0x3FB3] =	sst s5  }
0xe: {  	[smem:$0x3FB4] =	sst s6  }
0xf: {  	[smem:$0x3FB5] =	sst s7  }
0x10: {  	[smem:$0x3FB6] =	sst s8  }
0x11: {  	[smem:$0x3FB7] =	sst s9;
	s0 =	simm.s32 @!p0 $0x0  }
0x12: {  	s1 =	sld [smem:$0x3F9D];
	s0 =	simm.s32 @p0 $0x1  }
0x13: {  	[smem:$0x3FB8] =	sst s0;
	s0 =	simm.s32 @!p1 $0x0  }
0x14: {  	s2 =	sld [smem:$0x3F9C];
	s0 =	simm.s32 @p1 $0x1  }
0x15: {  	[smem:$0x3FB9] =	sst s0;
	s0 =	simm.s32 @!p2 $0x0  }
0x16: {  	s3 =	sld [smem:$0x3FDB];
	s0 =	simm.s32 @p2 $0x1  }
0x17: {  	s4 =	simm.s32 $0x1BF5;
	[smem:$0x3FBB] =	sst s0  }
0x18: {  	s0 =	sld [smem:$0x3F9E];
	_ =	swait.ge [sflag:s4], $0x0  }
0x19: {  	s7 =	sld [smem:$0x3F9F]  }
0x1a: {  	s8 =	sadd.s32 $0xFFFFE003, lr  }
0x1b: {  	s9 =	sadd.s32 $0xFFFFFEF7, lr;
	s5 =	simm.s32 $0xFFFFFFFF;
	p2 =	slt.u32 s8, $0xFFFFF086  }
0x1c: {  	p1 =	slt.u32 s9, $0xF7A;
	s5 =	simm.s32 @!p2 $0x0  }
0x1d: {  	s5 =	simm.s32 @p1 $0x1;
	p0 =	seq.s32 s7, s2  }
0x1e: {  	s7 =	smul.u32 @!p0 $0xF7A, s2;
	p2 =	seq.s32 @!p0 s5, $0x0  }
0x1f: {  	s9 =	smul.u32 $0xF7A, s1;
	s8 =	simm.s32 @!p0 $0x1BF5;
	p2 =	por !p2, p0  }
0x20: {  	[sflag:s8] =	ssyncset.s32 @!p0 $0xFFFFF086;
	s6 =	sadd.s32 @!p0 s3, s7;
	s7 =	simm.s32 @!p0 $0x108  }
0x21: {  	s3 =	sadd.s32 s3, s9;
	s6 =	sadd.s32 @!p0 $0x88, s6;
	s7 =	simm.s32 @p2 $0x1082  }
0x22: {  	[simem:s7], [sflag:s8] =	dma.local @!p0 [hbm:s6], $0xF7A  }
0x23: {  	s9 =	sor.u32 $0xD0000000, s2;
	s6 =	simm.s32 $0x108;
	_ =	swait.ge @!p0 [sflag:s8], $0x0  }
0x24: {  	s3 =	sadd.s32 $0x88, s3;
	s6 =	simm.s32 @!p1 $0x1082;
	[sflag:s4] =	ssyncset.s32 $0xFFFFF086  }
0x25: {  	[simem:s6], [sflag:s4] =	dma.local [hbm:s3], $0xF7A  }
0x26: {  	[smem:$0x3F9F] =	sst s1;
	(tag) =	ssettag s2;
	_ =	strace s9  }
0x27: {  	s1 =	sld [smem:$0x3FAF]  }
0x28: {  	s2 =	sld [smem:$0x3FB0]  }
0x29: {  	s4 =	sld [smem:$0x3FB2]  }
0x2a: {  	p0 =	seq.s32 s5, $0x0;
	s5 =	sld [smem:$0x3FB3]  }
0x2b: {  	s6 =	sld [smem:$0x3FB4]  }
0x2c: {  	s7 =	sld [smem:$0x3FB5]  }
0x2d: {  	s3 =	simm.s32 $0x108;
	s8 =	sld [smem:$0x3FB6]  }
0x2e: {  	s3 =	simm.s32 @!p0 $0x1082;
	s9 =	sld [smem:$0x3FB7]  }
0x2f: {  	lr =	sadd.s32 s0, s3;
	s0 =	sld [smem:$0x3FAE]  }
0x30: {  	s3 =	sld [smem:$0x3FB1]  }
0x31: {  	[smem:$0x3FBA] =	sst s10  }
0x32: {  	s10 =	sld [smem:$0x3FB8];
	_ =	sdelay $0x3  }
0x33: {  	p0 =	seq.s32 s10, $0x1;
	s10 =	sld [smem:$0x3FBA];
	_ =	sdelay $0x3  }
0x34: {  	[smem:$0x3FBA] =	sst s10  }
0x35: {  	s10 =	sld [smem:$0x3FB9];
	_ =	sdelay $0x3  }
0x36: {  	p1 =	seq.s32 s10, $0x1;
	s10 =	sld [smem:$0x3FBA];
	_ =	sdelay $0x3  }
0x37: {  	[smem:$0x3FBA] =	sst s10  }
0x38: {  	s10 =	sld [smem:$0x3FBB]  }
0x39: {  	_ = 	snop;
	(pc) =	sbr.ind lr, $3  }
0x3a: {  	_ = 	snop  }
0x3b: {  	_ = 	snop  }
0x3c: {  	p2 =	seq.s32 s10, $0x1;
	s10 =	sld [smem:$0x3FBA]  }
0x3d: {  	_ =	shalt  }
0x3e: {  	_ =	shalt  }
0x3f: {  	_ =	shalt  }
0x40: {  	_ =	shalt  }
0x41: {  	_ =	shalt  }
0x42: {  	_ =	shalt  }
0x43: {  	_ =	shalt  }
0x44: {  	_ =	shalt  }
0x45: {  	_ =	shalt  }
0x46: {  	_ =	shalt  }
0x47: {  	_ =	shalt  }
0x48: {  	_ =	shalt  }
0x49: {  	_ =	shalt  }
0x4a: {  	_ =	shalt  }
0x4b: {  	_ =	shalt  }
0x4c: {  	_ =	shalt  }
0x4d: {  	_ =	shalt  }
0x4e: {  	_ =	shalt  }
0x4f: {  	_ =	shalt  }
0x50: {  	_ =	shalt  }
0x51: {  	_ =	shalt  }
0x52: {  	_ =	shalt  }
0x53: {  	_ =	shalt  }
0x54: {  	_ =	shalt  }
0x55: {  	_ =	shalt  }
0x56: {  	_ =	shalt  }
0x57: {  	_ =	shalt  }
0x58: {  	_ =	shalt  }
0x59: {  	_ =	shalt  }
0x5a: {  	_ =	shalt  }
0x5b: {  	_ =	shalt  }
0x5c: {  	_ =	shalt  }
0x5d: {  	_ =	shalt  }
0x5e: {  	_ =	shalt  }
0x5f: {  	_ =	shalt  }
0x60: {  	_ =	shalt  }
0x61: {  	_ =	shalt  }
0x62: {  	_ =	shalt  }
0x63: {  	_ =	shalt  }
0x64: {  	_ =	shalt  }
0x65: {  	_ =	shalt  }
0x66: {  	_ =	shalt  }
0x67: {  	_ =	shalt  }
0x68: {  	_ =	shalt  }
0x69: {  	_ =	shalt  }
0x6a: {  	_ =	shalt  }
0x6b: {  	_ =	shalt  }
0x6c: {  	_ =	shalt  }
0x6d: {  	_ =	shalt  }
0x6e: {  	_ =	shalt  }
0x6f: {  	_ =	shalt  }
0x70: {  	_ =	shalt  }
0x71: {  	_ =	shalt  }
0x72: {  	_ =	shalt  }
0x73: {  	_ =	shalt  }
0x74: {  	_ =	shalt  }
0x75: {  	_ =	shalt  }
0x76: {  	_ =	shalt  }
0x77: {  	_ =	shalt  }
0x78: {  	_ =	shalt  }
0x79: {  	_ =	shalt  }
0x7a: {  	_ =	shalt  }
0x7b: {  	_ =	shalt  }
0x7c: {  	_ =	shalt  }
0x7d: {  	_ =	shalt  }
0x7e: {  	_ =	shalt  }
0x7f: {  	_ =	shalt  }
0x80: {  	_ =	shalt  }
0x81: {  	_ =	shalt  }
0x82: {  	_ =	shalt  }
0x83: {  	_ =	shalt  }
0x84: {  	_ =	shalt  }
0x85: {  	_ =	shalt  }
0x86: {  	_ =	shalt  }
0x87: {  	_ =	shalt  }
.Lfunc_end0:
.L_simem_size_0:
called_computation_lowered:
.L_overlay_start_0:
0x88: {  	s2 =	sld [smem:$0x3FD9]  }
0x89: {  	s3 =	sld [smem:$0x3FFE];
	_ =	sdelay $0x1  }
0x8a: {  	s1 =	srdreg.scid  }
0x8b: {  	s0 =	sand.u32 $0x1, s1  }
0x8c: {  	s14 =	sshll.u32 s0, $0xA;
	s2 =	sadd.s32 s3, s2  }
0x8d: {  	s2 =	sadd.s32 s2, s14  }
0x8e: {  	[smem:$0x3FC6] =	sst s2  }
0x8f: {  	_ = 	snop  }
0x90: {  	s2 =	sld [smem:$0x3FD0];
	_ =	sdelay $0x2  }
0x91: {  	s15 =	simm.s32 $0xA;
	s4 =	simm.s32 $0x10  }
0x92: {  	[smem:s4], [sflag:s15] =	dma.local [hbm:s2], $0x1  }
0x93: {  	_ =	swait.eq [sflag:s15], $0x1  }
0x94: {  	[sflag:s15] =	ssyncset.done $0x0  }
0x95: {  	s16 =	sld [smem:$0x10];
	[sflag:s15] =	ssyncadd.s32 $0xFFFFFFFF  }
0x96: {  	s17 =	sld [smem:$0x11];
	(tm) =	ssettm $0x1  }
0x97: {  	s18 =	sld [smem:$0x3FFB];
	_ =	sdelay $0x3  }
0x98: {  	_ =	strace s18  }
0x99: {  	s4 =	sld [smem:$0x3FFC];
	_ =	sdelay $0x3  }
0x9a: {  	_ =	strace s4  }
0x9b: {  	s4 =	sld [smem:$0x3FFD];
	_ =	sdelay $0x3  }
0x9c: {  	_ =	strace s4  }
0x9d: {  	_ =	strace $0x8FFFFFFF  }
0x9e: {  	s19 =	sld [smem:$0x3FDB];
	_ =	sdelay $0x1  }
0x9f: {  	s5 =	simm.s32 $_scs_section_size  }
0xa0: {  	s6 =	simm.s32 $_size__tile_overlayer_lowered;
	s7 =	simm.s32 $_tile_overlayer_lowered  }
0xa1: {  	s22 =	simm.s32 $0x1BFF;
	s21 =	sshll.u32 s7, $0x1;
	s4 =	sadd.s32 s5, s19  }
0xa2: {  	s8 =	simm.s32 $0x0;
	s20 =	sshll.u32 s6, $0x1;
	s6 =	sadd.s32 s21, s4  }
0xa3: {  	[timem:s8], [sflag:s22] =	dma.local [hbm:s6], s20  }
0xa4: {  	_ =	swait.ge [sflag:s22], s20  }
0xa5: {  	s5 =	ssub.s32 $0x0, s20;
	[sflag:s22] =	ssyncset.done $0x0  }
0xa6: {  	[sflag:s22] =	ssyncadd.s32 s5;
	_ =	sdelay $0x1  }
0xa7: {  	s23 =	simm.s32 $0x1B8B  }
0xa8: {  	_ =	swait.ge [sflag:s23], $0x1  }
0xa9: {  	[sflag:s23] =	ssyncset.done $0x0  }
0xaa: {  	s25 =	simm.s32 $0x1B8E;
	s24 =	sld [smem:$0x3FFE];
	[sflag:s23] =	ssyncadd.s32 $0xFFFFFFFF  }
0xab: {  	s26 =	simm.s32 $execute0_lowered;
	[smem:$0x3FD2] =	sst s25  }
0xac: {  	s6 =	sshll.u32 s26, $0x1;
	_ =	strace $0x80000046;
	[dreg:$0x1] =	wrdreg $0xFFFFFFFF  }
0xad: {  	s28 =	simm.s32 $_size_execute0_lowered;
	s4 =	sadd.s32 s4, s6;
	[dreg:$0x0] =	wrdreg $0x0  }
0xae: {  	s6 =	sshll.u32 s28, $0x1;
	[dreg:$0x2] =	wrdreg s4  }
0xaf: {  	[dreg:$0x3] =	wrdreg s6  }
0xb0: {  	[dreg:$0x4] =	wrdreg $0xC0  }
0xb1: {  	_ =	task [dreg:s8], $0x5FFFF  }
0xb2: {  	[dreg:$0x1] =	wrdreg $0xFFFFFFFF  }
0xb3: {  	[dreg:$0x0] =	wrdreg $0x60  }
0xb4: {  	[dreg:$0x2] =	wrdreg s24  }
0xb5: {  	[dreg:$0x3] =	wrdreg s16  }
0xb6: {  	[dreg:$0x4] =	wrdreg s17  }
0xb7: {  	[dreg:$0x5] =	wrdreg $0x9  }
0xb8: {  	_ =	task.clear_ibuf [dreg:s8], $0x6FFFF;
	_ =	strace $0x90000046  }
0xb9: {  	s29 =	simm.s32 $0x9;
	_ =	strace $0x80000048  }
0xba: {  	_ =	swait.ge [sflag:s29], $0x1  }
0xbb: {  	[sflag:s29] =	ssyncadd.s32 $0xFFFFFFFF  }
0xbc: {  	_ =	strace $0x90000048  }
0xbd: {  	_ =	sfence  }
0xbe: {  	s30 =	sld [smem:$0x0];
	_ =	sdelay $0x2  }
0xbf: {  	s31 =	sshll.u32 s1, $0xD;
	s1 =	sshrl.u32 s1, $0x2  }
0xc0: {  	s3 =	sand.u32 $0x4000, s31;
	s1 =	sadd.s32 s1, s30  }
0xc1: {  	s0 =	sor.u32 s3, s0;
	s1 =	sshll.u32 s1, $0x11  }
0xc2: {  	s0 =	sor.u32 s1, s0  }
0xc3: {  	s0 =	sadd.s32 $0x8F2B, s0  }
0xc4: {  	[sflag:s0] =	ssyncadd.remote.s32 $0x1  }
0xc5: {  	_ =	sfence.sel $0xFFFF  }
0xc6: {  	[dreg:$0x0] =	wrdreg $0xFFFFFFFF;
	(pc) =	sbr.abs _section_cstart, $3  }
0xc7: {  	[dreg:$0x1] =	wrdreg $0xFFFFFFFF  }
0xc8: {  	_ =	task.clear_ibuf [dreg:s8], $0x2FFFF;
	_ =	strace $0x9FFFFFFF  }
0xc9: {  	(tm) =	ssettm $0x7FFFFFFF  }
tec
execute0_lowered:
.L_overlay_start_1:
0x0: {  	(tag) =	ssettag $0x1  }
0x1: {  	s4 =	rddreg [dreg:$0x0]  }
0x2: {  	s5 =	simm.s32 $0x0;
	s0 =	srdreg.scid;
	s6 =	stileid.u32  }
0x3: {  	s12 =	simm.s32 $0x302;
	s18 =	simm.s32 $0x5;
	s19 =	simm.s32 $0x18700  }
0x4: {  	s20 =	simm.s32 $0x19300;
	s29 =	simm.s32 $0x1B300;
	[smem:$0x7FF] =	sst s5  }
0x5: {  	s1 =	sadd.s32 $0x6400, s4;
	s0 =	sand.u32 $0x1, s0;
	s21 =	sshll.u32 s6, $0x1  }
0x6: {  	s2 =	sadd.s32 $0x3200, s4;
	s8 =	sadd.s32 $0x6B200, s4;
	s9 =	sadd.s32 $0x9600, s4  }
0x7: {  	s7 =	sadd.s32 $0xCCE00, s4;
	_ =	strace $0x80000047;
	[dreg:$0x4] =	wrdreg s1  }
0x8: {  	p0 =	slt.u32 s6, $0x4;
	s24 =	sadd.s32 $0x12E880, s4;
	[dreg:$0x5] =	wrdreg s2  }
0x9: {  	s1 =	sor.u32 s0, s21;
	s0 =	ssub.s32 $0x2, s0;
	s12 =	simm.s32 @!p0 $0x301  }
0xa: {  	[dreg:$0xb] =	wrdreg s24;
	s2 =	simm.s32 $0x30A;
	s22 =	smul.u32 $0x30D, s1  }
0xb: {  	[dreg:$0x6] =	wrdreg s7;
	s3 =	sshrl.u32 s0, $0x1;
	s1 =	smin.u32 s1, $0x8  }
0xc: {  	s2 =	simm.s32 @!p0 $0x309;
	s0 =	ssub.s32 s0, s3;
	s11 =	sadd.s32 s1, s22  }
0xd: {  	[dreg:$0xc] =	wrdreg s2;
	s0 =	smax.u32 s0, $0x1;
	s1 =	sshll.u32 s11, $0x4  }
0xe: {  	s21 =	simm.s32 $0x19F00;
	[dreg:$0x13] =	wrdreg s0;
	s25 =	sadd.s32 s7, s1  }
0xf: {  	s24 =	simm.s32 $0x1A500;
	s14 =	sadd.s32 s8, s1;
	[dreg:$0xd] =	wrdreg s25  }
0x10: {  	s15 =	sadd.s32 s9, s1;
	s23 =	sadd.s32 $0xC0, s1;
	[dreg:$0x7] =	wrdreg s14  }
0x11: {  	s1 =	sadd.s32 $0x40, s1;
	s26 =	sadd.s32 $0x61A80, s25;
	[dreg:$0x8] =	wrdreg s15  }
0x12: {  	s3 =	simm.s32 $0x0;
	s28 =	sadd.s32 s8, s1;
	[dreg:$0xe] =	wrdreg s26  }
0x13: {  	s22 =	simm.s32 $0x18D00;
	s30 =	sadd.s32 s9, s1;
	[dreg:$0xf] =	wrdreg s28  }
.Ltmp0:
0x14: {  	s1 =	sadd.s32 s7, s1;
	[dreg:$0x10] =	wrdreg s30;
	(pc) =	sbr.rel .LBB2_1-.Ltmp0, $4  }
0x15: {  	s0 =	simm.s32 $0x1;
	s31 =	sadd.s32 $0x61AC0, s25;
	[dreg:$0x11] =	wrdreg s1  }
0x16: {  	s16 =	sadd.s32 s8, s23;
	s17 =	sadd.s32 s9, s23;
	[dreg:$0x12] =	wrdreg s31  }
0x17: {  	s23 =	simm.s32 $0x19900;
	s25 =	simm.s32 $0x3;
	[dreg:$0x9] =	wrdreg s16  }
0x18: {  	v0 =	vimm.f32 $1.000000000e+00;
	s1 =	simm.s32 $0x2;
	s26 =	simm.s32 $0x4;
	[dreg:$0xa] =	wrdreg s17  }
.LBB2_22:
0x19: {  	s25 =	simm.s32 $0x3  }
0x1a: {  	_ =	swait.ge [sflag:s25], $0x800  }
0x1b: {  	[sflag:s25] =	ssyncset.done $0x0  }
0x1c: {  	[sflag:s25] =	ssyncadd.s32 $0xFFFFF800  }
0x1d: {  	_ =	swait.ge [sflag:s25], $0x2000  }
0x1e: {  	[sflag:s25] =	ssyncset.done $0x0  }
0x1f: {  	s26 =	simm.s32 $0x4;
	[sflag:s25] =	ssyncadd.s32 $0xFFFFE000  }
0x20: {  	_ =	swait.ge [sflag:s26], $0x800  }
0x21: {  	[sflag:s26] =	ssyncset.done $0x0  }
0x22: {  	[sflag:s26] =	ssyncadd.s32 $0xFFFFF800  }
0x23: {  	_ =	swait.ge [sflag:s26], $0x2000  }
0x24: {  	s3 =	rddreg [dreg:$0x14]  }
0x25: {  	s2 =	rddreg [dreg:$0x13];
	s3 =	sadd.s32 $0x1, s3  }
0x26: {  	p0 =	sne.s32 s3, s2  }
.Ltmp1:
0x27: {  	s18 =	simm.s32 $0x5;
	(pc) =	sbr.rel @!p0 .LBB2_23-.Ltmp1, $4  }
0x28: {  	s19 =	simm.s32 $0x18700;
	s20 =	simm.s32 $0x19300;
	s14 =	rddreg [dreg:$0x7]  }
0x29: {  	s22 =	simm.s32 $0x18D00;
	s23 =	simm.s32 $0x19900;
	s15 =	rddreg [dreg:$0x8]  }
0x2a: {  	s21 =	simm.s32 $0x19F00;
	[sflag:s26] =	ssyncset.done $0x0;
	s16 =	rddreg [dreg:$0x9]  }
0x2b: {  	s24 =	simm.s32 $0x1A500;
	s17 =	rddreg [dreg:$0xa];
	[sflag:s26] =	ssyncadd.s32 $0xFFFFE000  }
.LBB2_1:
0x2c: {  	[dreg:$0x14] =	wrdreg s3  }
0x2d: {  	s2 =	rddreg [dreg:$0x4]  }
0x2e: {  	[tilespmem:s5], [sflag:$0x5] =	stream.linear.gather [hbm4b:s2+s5], $0x18700, $0x38;
	[tilespmem:$0x1FB00] =	vst v63  }
0x2f: {  	_ =	swait.ge [sflag:s18], $0x18700  }
0x30: {  	[sflag:s18] =	ssyncset.done $0x0  }
0x31: {  	[sflag:s18] =	ssyncadd.s32 $0xFFFE7900  }
0x32: {  	[tilespmem:s19], [sflag:$0x1] =	stream.linear.gather [hbm4b:s14+s5], $0x600, $0x38;
	[tilespmem:$0x1FB00] =	vst v63  }
0x33: {  	_ = 	snop  }
0x34: {  	[tilespmem:s20], [sflag:$0x1] =	stream.linear.gather [hbm4b:s15+s5], $0x600, $0x38;
	[tilespmem:$0x1FB00] =	vst v63  }
0x35: {  	_ = 	snop  }
0x36: {  	[tilespmem:s22], [sflag:$0x2] =	stream.linear.gather [hbm4b:s16+s5], $0x600, $0x38;
	[tilespmem:$0x1FB00] =	vst v63  }
0x37: {  	s7 =	simm.s32 $0x0  }
0x38: {  	[tilespmem:s23], [sflag:$0x2] =	stream.linear.gather [hbm4b:s17+s5], $0x600, $0x38;
	[tilespmem:$0x1FB00] =	vst v63  }
.LBB2_2:
0x39: {  	_ =	swait.ge [sflag:s0], $0x600  }
0x3a: {  	[sflag:s0] =	ssyncset.done $0x0  }
0x3b: {  	[sflag:s0] =	ssyncadd.s32 $0xFFFFFA00  }
0x3c: {  	_ =	swait.ge [sflag:s0], $0x600  }
0x3d: {  	p0 =	seq.s32 s7, $0x0;
	[sflag:s0] =	ssyncset.done $0x0  }
0x3e: {  	s2 =	simm.s32 @!p0 $0x3;
	[sflag:s0] =	ssyncadd.s32 $0xFFFFFA00  }
0x3f: {  	_ =	swait.ge @!p0 [sflag:s2], $0x600  }
0x40: {  	[sflag:s2] =	ssyncset.done @!p0 $0x0  }
0x41: {  	s30 =	simm.s32 $0x18720;
	[sflag:s2] =	ssyncadd.s32 @!p0 $0xFFFFFA00  }
0x42: {  	s3 =	simm.s32 $0x19320;
	v1 =	vld [tilespmem:s30+$0x10]  }
0x43: {  	v2 =	vld [tilespmem:s3+$0x10]  }
0x44: {  	v3 =	vld [tilespmem:s3+$0xFFFFFFE0]  }
0x45: {  	v4 =	vld [tilespmem:s30+$0xFFFFFFF0]  }
0x46: {  	v5 =	vld [tilespmem:s3+$0xFFFFFFF0]  }
0x47: {  	v6 =	vld [tilespmem:s30+$0x0]  }
0x48: {  	v7 =	vld [tilespmem:s3+$0x0]  }
0x49: {  	s31 =	simm.s32 $0x18760;
	v8 =	vld [tilespmem:s30+$0xFFFFFFE0]  }
0x4a: {  	s2 =	simm.s32 $0x19360;
	v9 =	vld [tilespmem:s31+$0x10]  }
0x4b: {  	v10 =	vld [tilespmem:s2+$0x10]  }
0x4c: {  	v11 =	vld [tilespmem:s2+$0xFFFFFFE0]  }
0x4d: {  	v12 =	vld [tilespmem:s31+$0xFFFFFFF0]  }
0x4e: {  	v13 =	vld [tilespmem:s2+$0xFFFFFFF0]  }
0x4f: {  	v14 =	vld [tilespmem:s31+$0x0]  }
0x50: {  	v15 =	vld [tilespmem:s2+$0x0]  }
0x51: {  	v16 =	vld [tilespmem:s31+$0xFFFFFFE0]  }
0x52: {  	v1 =	vld.idx.msk [tilespmem:v1+s5+$0x0], $0xffff  }
0x53: {  	v2 =	vld.idx.msk [tilespmem:v2+s5+$0x0], $0xffff  }
0x54: {  	v3 =	vld.idx.msk [tilespmem:v3+s5+$0x0], $0xffff  }
0x55: {  	v4 =	vld.idx.msk [tilespmem:v4+s5+$0x0], $0xffff  }
0x56: {  	v5 =	vld.idx.msk [tilespmem:v5+s5+$0x0], $0xffff  }
0x57: {  	v6 =	vld.idx.msk [tilespmem:v6+s5+$0x0], $0xffff  }
0x58: {  	v7 =	vld.idx.msk [tilespmem:v7+s5+$0x0], $0xffff  }
0x59: {  	v8 =	vld.idx.msk [tilespmem:v8+s5+$0x0], $0xffff  }
0x5a: {  	v9 =	vld.idx.msk [tilespmem:v9+s5+$0x0], $0xffff  }
0x5b: {  	v10 =	vld.idx.msk [tilespmem:v10+s5+$0x0], $0xffff  }
0x5c: {  	v17 =	vsub.f32 v2, v1;
	v1 =	vld.idx.msk [tilespmem:v11+s5+$0x0], $0xffff  }
0x5d: {  	s3 =	simm.s32 $0x19F20;
	v5 =	vsub.f32 v5, v4;
	v2 =	vld.idx.msk [tilespmem:v12+s5+$0x0], $0xffff  }
0x5e: {  	v6 =	vsub.f32 v7, v6;
	v4 =	vld.idx.msk [tilespmem:v13+s5+$0x0], $0xffff;
	[tilespmem:s3+$0x10] =	vst v17  }
0x5f: {  	s13 =	smul.u32 $0x18, s7;
	v7 =	vsub.f32 v3, v8;
	v3 =	vld.idx.msk [tilespmem:v14+s5+$0x0], $0xffff;
	[tilespmem:s3+$0xFFFFFFF0] =	vst v5  }
0x60: {  	[tilespmem:s3+$0x0] =	vst v6;
	v5 =	vld.idx.msk [tilespmem:v15+s5+$0x0], $0xffff  }
0x61: {  	s6 =	simm.s32 $0x4;
	s10 =	simm.s32 $0x187A0;
	s4 =	sadd.s32 s11, s13;
	[tilespmem:s3+$0xFFFFFFE0] =	vst v7;
	v6 =	vld.idx.msk [tilespmem:v16+s5+$0x0], $0xffff;
	v7 =	vsub.f32 v10, v9  }
.LBB2_3:
0x62: {  	v8 =	vld [tilespmem:s10+$0x10];
	s2 =	sadd.s32 $0x40, s2;
	s3 =	sadd.s32 $0x40, s3  }
0x63: {  	s6 =	sadd.s32 $0x4, s6;
	v9 =	vld [tilespmem:s2+$0x10];
	[tilespmem:s3+$0x10] =	vst v7  }
0x64: {  	p1 =	slt.u32 s6, $0x5C;
	v2 =	vsub.f32 v4, v2;
	v7 =	vld [tilespmem:s2+$0xFFFFFFE0]  }
0x65: {  	v4 =	vld [tilespmem:s10+$0xFFFFFFF0]  }
0x66: {  	v10 =	vld [tilespmem:s2+$0xFFFFFFF0];
	[tilespmem:s3+$0xFFFFFFF0] =	vst v2;
	v2 =	vsub.f32 v5, v3  }
0x67: {  	v1 =	vsub.f32 v1, v6;
	v3 =	vld [tilespmem:s10+$0x0]  }
0x68: {  	v5 =	vld [tilespmem:s2+$0x0];
	[tilespmem:s3+$0x0] =	vst v2  }
0x69: {  	v6 =	vld [tilespmem:s10+$0xFFFFFFE0];
	[tilespmem:s3+$0xFFFFFFE0] =	vst v1  }
0x6a: {  	v8 =	vld.idx.msk [tilespmem:v8+s5+$0x0], $0xffff  }
0x6b: {  	v9 =	vld.idx.msk [tilespmem:v9+s5+$0x0], $0xffff  }
0x6c: {  	v1 =	vld.idx.msk [tilespmem:v7+s5+$0x0], $0xffff  }
.Ltmp2:
0x6d: {  	v2 =	vld.idx.msk [tilespmem:v4+s5+$0x0], $0xffff;
	(pc) =	sbr.rel @p1 .LBB2_3-.Ltmp2, $4  }
0x6e: {  	v4 =	vld.idx.msk [tilespmem:v10+s5+$0x0], $0xffff  }
0x6f: {  	v3 =	vld.idx.msk [tilespmem:v3+s5+$0x0], $0xffff  }
0x70: {  	v5 =	vld.idx.msk [tilespmem:v5+s5+$0x0], $0xffff  }
0x71: {  	s10 =	sadd.s32 $0x40, s10;
	v7 =	vsub.f32 v9, v8;
	v6 =	vld.idx.msk [tilespmem:v6+s5+$0x0], $0xffff  }
0x72: {  	_ =	sdelay $0x1  }
0x73: {  	s2 =	sadd.s32 $0x40, s3;
	v2 =	vsub.f32 v4, v2  }
0x74: {  	[tilespmem:s2+$0x10] =	vst v7;
	v3 =	vsub.f32 v5, v3  }
0x75: {  	[tilespmem:s2+$0xFFFFFFF0] =	vst v2;
	v1 =	vsub.f32 v1, v6  }
0x76: {  	[tilespmem:s2+$0x0] =	vst v3  }
0x77: {  	s10 =	sshll.u32 s4, $0x4;
	[tilespmem:s2+$0xFFFFFFE0] =	vst v1  }
0x78: {  	s3 =	sand.u32 $0x1FFFFFF0, s10;
	s2 =	rddreg [dreg:$0x6]  }
0x79: {  	p1 =	seq.s32 s7, $0x20;
	s2 =	sadd.s32 s2, s3  }
0x7a: {  	[hbm4b:s2+s5] =	stream.linear.scatter [tilespmem:s21], [sflag:$0x3], $0x600, $0x38;
	[tilespmem:$0x1FB00] =	vst v63  }
0x7b: {  	s2 =	sadd.s32 @!p1 $0x18, s13  }
0x7c: {  	p2 =	slt.s32 @!p1 s2, s12  }
0x7d: {  	p2 =	por !p2, p1  }
0x7e: {  	s2 =	smov.u32 @p2 s12  }
0x7f: {  	s2 =	sadd.s32 @!p1 s11, s2  }
0x80: {  	s2 =	sshll.u32 @!p1 s2, $0x4  }
0x81: {  	s2 =	sand.u32 @!p1 $0x1FFFFFF0, s2  }
0x82: {  	s4 =	simm.s32 @!p1 $0x0;
	s6 =	simm.s32 @!p1 $0x18700;
	s3 =	sadd.s32 @!p1 s8, s2  }
0x83: {  	[tilespmem:s6], [sflag:$0x1] =	stream.linear.gather @!p1 [hbm4b:s3+s4], $0x600, $0x38;
	[tilespmem:$0x1FB00] =	vst v63  }
0x84: {  	s2 =	sadd.s32 @!p1 s9, s2;
	s3 =	simm.s32 @!p1 $0x19300  }
0x85: {  	[tilespmem:s3], [sflag:$0x1] =	stream.linear.gather @!p1 [hbm4b:s2+s4], $0x600, $0x38;
	[tilespmem:$0x1FB00] =	vst v63  }
0x86: {  	_ =	swait.ge [sflag:s1], $0x600  }
0x87: {  	[sflag:s1] =	ssyncset.done $0x0  }
0x88: {  	[sflag:s1] =	ssyncadd.s32 $0xFFFFFA00  }
0x89: {  	_ =	swait.ge [sflag:s1], $0x600  }
0x8a: {  	[sflag:s1] =	ssyncset.done $0x0  }
0x8b: {  	s2 =	simm.s32 @!p0 $0x4;
	[sflag:s1] =	ssyncadd.s32 $0xFFFFFA00  }
0x8c: {  	_ =	swait.ge @!p0 [sflag:s2], $0x600  }
0x8d: {  	[sflag:s2] =	ssyncset.done @!p0 $0x0  }
0x8e: {  	s28 =	simm.s32 $0x18D20;
	[sflag:s2] =	ssyncadd.s32 @!p0 $0xFFFFFA00  }
0x8f: {  	s30 =	simm.s32 $0x19920;
	v1 =	vld [tilespmem:s28+$0x10]  }
0x90: {  	v2 =	vld [tilespmem:s30+$0x10]  }
0x91: {  	v3 =	vld [tilespmem:s30+$0xFFFFFFE0]  }
0x92: {  	v4 =	vld [tilespmem:s28+$0xFFFFFFF0]  }
0x93: {  	v5 =	vld [tilespmem:s30+$0xFFFFFFF0]  }
0x94: {  	v6 =	vld [tilespmem:s28+$0x0]  }
0x95: {  	v7 =	vld [tilespmem:s30+$0x0]  }
0x96: {  	s31 =	simm.s32 $0x18D60;
	v8 =	vld [tilespmem:s28+$0xFFFFFFE0]  }
0x97: {  	s2 =	simm.s32 $0x19960;
	v9 =	vld [tilespmem:s31+$0x10]  }
0x98: {  	v10 =	vld [tilespmem:s2+$0x10]  }
0x99: {  	v11 =	vld [tilespmem:s2+$0xFFFFFFE0]  }
0x9a: {  	v12 =	vld [tilespmem:s31+$0xFFFFFFF0]  }
0x9b: {  	v13 =	vld [tilespmem:s2+$0xFFFFFFF0]  }
0x9c: {  	v14 =	vld [tilespmem:s31+$0x0]  }
0x9d: {  	v15 =	vld [tilespmem:s2+$0x0]  }
0x9e: {  	v16 =	vld [tilespmem:s31+$0xFFFFFFE0]  }
0x9f: {  	v1 =	vld.idx.msk [tilespmem:v1+s5+$0x0], $0xffff  }
0xa0: {  	v2 =	vld.idx.msk [tilespmem:v2+s5+$0x0], $0xffff  }
0xa1: {  	v3 =	vld.idx.msk [tilespmem:v3+s5+$0x0], $0xffff  }
0xa2: {  	v4 =	vld.idx.msk [tilespmem:v4+s5+$0x0], $0xffff  }
0xa3: {  	v5 =	vld.idx.msk [tilespmem:v5+s5+$0x0], $0xffff  }
0xa4: {  	v6 =	vld.idx.msk [tilespmem:v6+s5+$0x0], $0xffff  }
0xa5: {  	v7 =	vld.idx.msk [tilespmem:v7+s5+$0x0], $0xffff  }
0xa6: {  	v8 =	vld.idx.msk [tilespmem:v8+s5+$0x0], $0xffff  }
0xa7: {  	v9 =	vld.idx.msk [tilespmem:v9+s5+$0x0], $0xffff  }
0xa8: {  	v10 =	vld.idx.msk [tilespmem:v10+s5+$0x0], $0xffff  }
0xa9: {  	v17 =	vsub.f32 v2, v1;
	v1 =	vld.idx.msk [tilespmem:v11+s5+$0x0], $0xffff  }
0xaa: {  	s3 =	simm.s32 $0x1A520;
	v5 =	vsub.f32 v5, v4;
	v2 =	vld.idx.msk [tilespmem:v12+s5+$0x0], $0xffff  }
0xab: {  	s4 =	sadd.s32 $0xC, s13;
	v6 =	vsub.f32 v7, v6;
	v4 =	vld.idx.msk [tilespmem:v13+s5+$0x0], $0xffff;
	[tilespmem:s3+$0x10] =	vst v17  }
0xac: {  	s6 =	smov.u32 s12;
	p0 =	slt.s32 s4, s12;
	v7 =	vsub.f32 v3, v8;
	v3 =	vld.idx.msk [tilespmem:v14+s5+$0x0], $0xffff;
	[tilespmem:s3+$0xFFFFFFF0] =	vst v5  }
0xad: {  	s6 =	smov.u32 @p0 s4;
	[tilespmem:s3+$0x0] =	vst v6;
	v5 =	vld.idx.msk [tilespmem:v15+s5+$0x0], $0xffff  }
0xae: {  	s10 =	simm.s32 $0x18DA0;
	s4 =	sadd.s32 s11, s6;
	s6 =	simm.s32 $0x4;
	[tilespmem:s3+$0xFFFFFFE0] =	vst v7;
	v6 =	vld.idx.msk [tilespmem:v16+s5+$0x0], $0xffff;
	v7 =	vsub.f32 v10, v9  }
.LBB2_5:
0xaf: {  	v8 =	vld [tilespmem:s10+$0x10];
	s2 =	sadd.s32 $0x40, s2;
	s3 =	sadd.s32 $0x40, s3  }
0xb0: {  	s6 =	sadd.s32 $0x4, s6;
	v9 =	vld [tilespmem:s2+$0x10];
	[tilespmem:s3+$0x10] =	vst v7  }
0xb1: {  	p0 =	slt.u32 s6, $0x5C;
	v2 =	vsub.f32 v4, v2;
	v7 =	vld [tilespmem:s2+$0xFFFFFFE0]  }
0xb2: {  	v4 =	vld [tilespmem:s10+$0xFFFFFFF0]  }
0xb3: {  	v10 =	vld [tilespmem:s2+$0xFFFFFFF0];
	[tilespmem:s3+$0xFFFFFFF0] =	vst v2;
	v2 =	vsub.f32 v5, v3  }
0xb4: {  	v1 =	vsub.f32 v1, v6;
	v3 =	vld [tilespmem:s10+$0x0]  }
0xb5: {  	v5 =	vld [tilespmem:s2+$0x0];
	[tilespmem:s3+$0x0] =	vst v2  }
0xb6: {  	v6 =	vld [tilespmem:s10+$0xFFFFFFE0];
	[tilespmem:s3+$0xFFFFFFE0] =	vst v1  }
0xb7: {  	v8 =	vld.idx.msk [tilespmem:v8+s5+$0x0], $0xffff  }
0xb8: {  	v9 =	vld.idx.msk [tilespmem:v9+s5+$0x0], $0xffff  }
0xb9: {  	v1 =	vld.idx.msk [tilespmem:v7+s5+$0x0], $0xffff  }
.Ltmp3:
0xba: {  	v2 =	vld.idx.msk [tilespmem:v4+s5+$0x0], $0xffff;
	(pc) =	sbr.rel @p0 .LBB2_5-.Ltmp3, $4  }
0xbb: {  	v4 =	vld.idx.msk [tilespmem:v10+s5+$0x0], $0xffff  }
0xbc: {  	v3 =	vld.idx.msk [tilespmem:v3+s5+$0x0], $0xffff  }
0xbd: {  	v5 =	vld.idx.msk [tilespmem:v5+s5+$0x0], $0xffff  }
0xbe: {  	s10 =	sadd.s32 $0x40, s10;
	v7 =	vsub.f32 v9, v8;
	v6 =	vld.idx.msk [tilespmem:v6+s5+$0x0], $0xffff  }
0xbf: {  	_ =	sdelay $0x1  }
0xc0: {  	s2 =	sadd.s32 $0x40, s3;
	v2 =	vsub.f32 v4, v2  }
0xc1: {  	[tilespmem:s2+$0x10] =	vst v7;
	v3 =	vsub.f32 v5, v3  }
0xc2: {  	[tilespmem:s2+$0xFFFFFFF0] =	vst v2;
	v1 =	vsub.f32 v1, v6  }
.Ltmp4:
0xc3: {  	[tilespmem:s2+$0x0] =	vst v3;
	(pc) =	sbr.rel @p1 .LBB2_8-.Ltmp4, $4  }
0xc4: {  	s31 =	sshll.u32 s4, $0x4;
	[tilespmem:s2+$0xFFFFFFE0] =	vst v1  }
0xc5: {  	s3 =	sand.u32 $0x1FFFFFF0, s31;
	s2 =	rddreg [dreg:$0x6]  }
0xc6: {  	s2 =	sadd.s32 s2, s3  }
0xc7: {  	[hbm4b:s2+s5] =	stream.linear.scatter [tilespmem:s24], [sflag:$0x4], $0x600, $0x38;
	[tilespmem:$0x1FB00] =	vst v63  }
0xc8: {  	s2 =	sadd.s32 $0x24, s13  }
0xc9: {  	s3 =	smov.u32 s12;
	p0 =	slt.s32 s2, s12  }
0xca: {  	s3 =	smov.u32 @p0 s2  }
0xcb: {  	s2 =	sadd.s32 s11, s3  }
0xcc: {  	s2 =	sshll.u32 s2, $0x4  }
.Ltmp5:
0xcd: {  	s2 =	sand.u32 $0x1FFFFFF0, s2;
	(pc) =	sbr.rel .LBB2_2-.Ltmp5, $4  }
0xce: {  	s31 =	sadd.s32 s8, s2  }
0xcf: {  	[tilespmem:s22], [sflag:$0x2] =	stream.linear.gather [hbm4b:s31+s5], $0x600, $0x38;
	[tilespmem:$0x1FB00] =	vst v63  }
0xd0: {  	s7 =	sadd.s32 $0x1, s7;
	s2 =	sadd.s32 s9, s2  }
0xd1: {  	[tilespmem:s23], [sflag:$0x2] =	stream.linear.gather [hbm4b:s2+s5], $0x600, $0x38;
	[tilespmem:$0x1FB00] =	vst v63  }
.LBB2_8:
0xd2: {  	_ =	swait.ge [sflag:s25], $0x600  }
0xd3: {  	[sflag:s25] =	ssyncset.done $0x0  }
0xd4: {  	[sflag:s25] =	ssyncadd.s32 $0xFFFFFA00  }
0xd5: {  	_ =	swait.ge [sflag:s26], $0x600  }
0xd6: {  	[sflag:s26] =	ssyncset.done $0x0  }
0xd7: {  	s7 =	simm.s32 $0x0;
	s2 =	rddreg [dreg:$0x5];
	[sflag:s26] =	ssyncadd.s32 $0xFFFFFA00  }
0xd8: {  	[tilespmem:s7], [sflag:$0x5] =	stream.linear.gather [hbm4b:s2+s7], $0x18700, $0x38;
	[tilespmem:$0x1FB00] =	vst v63  }
0xd9: {  	_ =	swait.ge [sflag:s18], $0x18700  }
0xda: {  	[sflag:s18] =	ssyncset.done $0x0  }
0xdb: {  	[sflag:s18] =	ssyncadd.s32 $0xFFFE7900  }
0xdc: {  	[tilespmem:s19], [sflag:$0x1] =	stream.linear.gather [hbm4b:s14+s7], $0x600, $0x38;
	[tilespmem:$0x1FB00] =	vst v63  }
0xdd: {  	_ = 	snop  }
0xde: {  	[tilespmem:s20], [sflag:$0x1] =	stream.linear.gather [hbm4b:s15+s7], $0x600, $0x38;
	[tilespmem:$0x1FB00] =	vst v63  }
0xdf: {  	_ = 	snop  }
0xe0: {  	[tilespmem:s22], [sflag:$0x2] =	stream.linear.gather [hbm4b:s16+s7], $0x600, $0x38;
	[tilespmem:$0x1FB00] =	vst v63  }
0xe1: {  	_ = 	snop  }
0xe2: {  	[tilespmem:s23], [sflag:$0x2] =	stream.linear.gather [hbm4b:s17+s7], $0x600, $0x38;
	[tilespmem:$0x1FB00] =	vst v63  }
.LBB2_9:
0xe3: {  	_ =	swait.ge [sflag:s0], $0x600  }
0xe4: {  	[sflag:s0] =	ssyncset.done $0x0  }
0xe5: {  	[sflag:s0] =	ssyncadd.s32 $0xFFFFFA00  }
0xe6: {  	_ =	swait.ge [sflag:s0], $0x600  }
0xe7: {  	p0 =	seq.s32 s7, $0x0;
	[sflag:s0] =	ssyncset.done $0x0  }
0xe8: {  	s2 =	simm.s32 @!p0 $0x3;
	[sflag:s0] =	ssyncadd.s32 $0xFFFFFA00  }
0xe9: {  	_ =	swait.ge @!p0 [sflag:s2], $0x600  }
0xea: {  	[sflag:s2] =	ssyncset.done @!p0 $0x0  }
0xeb: {  	s30 =	simm.s32 $0x18720;
	[sflag:s2] =	ssyncadd.s32 @!p0 $0xFFFFFA00  }
0xec: {  	s3 =	simm.s32 $0x19320;
	v1 =	vld [tilespmem:s30+$0x10]  }
0xed: {  	v2 =	vld [tilespmem:s3+$0x10]  }
0xee: {  	v3 =	vld [tilespmem:s3+$0xFFFFFFE0]  }
0xef: {  	v4 =	vld [tilespmem:s30+$0xFFFFFFF0]  }
0xf0: {  	v5 =	vld [tilespmem:s3+$0xFFFFFFF0]  }
0xf1: {  	v6 =	vld [tilespmem:s30+$0x0]  }
0xf2: {  	v7 =	vld [tilespmem:s3+$0x0]  }
0xf3: {  	s31 =	simm.s32 $0x18760;
	v8 =	vld [tilespmem:s30+$0xFFFFFFE0]  }
0xf4: {  	s2 =	simm.s32 $0x19360;
	v9 =	vld [tilespmem:s31+$0x10]  }
0xf5: {  	v10 =	vld [tilespmem:s2+$0x10]  }
0xf6: {  	v11 =	vld [tilespmem:s2+$0xFFFFFFE0]  }
0xf7: {  	v12 =	vld [tilespmem:s31+$0xFFFFFFF0]  }
0xf8: {  	v13 =	vld [tilespmem:s2+$0xFFFFFFF0]  }
0xf9: {  	v14 =	vld [tilespmem:s31+$0x0]  }
0xfa: {  	v15 =	vld [tilespmem:s2+$0x0]  }
0xfb: {  	v16 =	vld [tilespmem:s31+$0xFFFFFFE0]  }
0xfc: {  	v1 =	vld.idx.msk [tilespmem:v1+s5+$0x0], $0xffff  }
0xfd: {  	v2 =	vld.idx.msk [tilespmem:v2+s5+$0x0], $0xffff  }
0xfe: {  	v3 =	vld.idx.msk [tilespmem:v3+s5+$0x0], $0xffff  }
0xff: {  	v4 =	vld.idx.msk [tilespmem:v4+s5+$0x0], $0xffff  }
0x100: {  	v5 =	vld.idx.msk [tilespmem:v5+s5+$0x0], $0xffff  }
0x101: {  	v6 =	vld.idx.msk [tilespmem:v6+s5+$0x0], $0xffff  }
0x102: {  	v7 =	vld.idx.msk [tilespmem:v7+s5+$0x0], $0xffff  }
0x103: {  	v8 =	vld.idx.msk [tilespmem:v8+s5+$0x0], $0xffff  }
0x104: {  	v9 =	vld.idx.msk [tilespmem:v9+s5+$0x0], $0xffff  }
0x105: {  	v10 =	vld.idx.msk [tilespmem:v10+s5+$0x0], $0xffff  }
0x106: {  	v17 =	vsub.f32 v2, v1;
	v1 =	vld.idx.msk [tilespmem:v11+s5+$0x0], $0xffff  }
0x107: {  	s3 =	simm.s32 $0x19F20;
	v5 =	vsub.f32 v5, v4;
	v2 =	vld.idx.msk [tilespmem:v12+s5+$0x0], $0xffff  }
0x108: {  	v6 =	vsub.f32 v7, v6;
	v4 =	vld.idx.msk [tilespmem:v13+s5+$0x0], $0xffff;
	[tilespmem:s3+$0x10] =	vst v17  }
0x109: {  	s13 =	smul.u32 $0x18, s7;
	v7 =	vsub.f32 v3, v8;
	v3 =	vld.idx.msk [tilespmem:v14+s5+$0x0], $0xffff;
	[tilespmem:s3+$0xFFFFFFF0] =	vst v5  }
0x10a: {  	[tilespmem:s3+$0x0] =	vst v6;
	v5 =	vld.idx.msk [tilespmem:v15+s5+$0x0], $0xffff  }
0x10b: {  	s6 =	simm.s32 $0x4;
	s10 =	simm.s32 $0x187A0;
	s4 =	sadd.s32 s11, s13;
	[tilespmem:s3+$0xFFFFFFE0] =	vst v7;
	v6 =	vld.idx.msk [tilespmem:v16+s5+$0x0], $0xffff;
	v7 =	vsub.f32 v10, v9  }
.LBB2_10:
0x10c: {  	v8 =	vld [tilespmem:s10+$0x10];
	s2 =	sadd.s32 $0x40, s2;
	s3 =	sadd.s32 $0x40, s3  }
0x10d: {  	s6 =	sadd.s32 $0x4, s6;
	v9 =	vld [tilespmem:s2+$0x10];
	[tilespmem:s3+$0x10] =	vst v7  }
0x10e: {  	p1 =	slt.u32 s6, $0x5C;
	v2 =	vsub.f32 v4, v2;
	v7 =	vld [tilespmem:s2+$0xFFFFFFE0]  }
0x10f: {  	v4 =	vld [tilespmem:s10+$0xFFFFFFF0]  }
0x110: {  	v10 =	vld [tilespmem:s2+$0xFFFFFFF0];
	[tilespmem:s3+$0xFFFFFFF0] =	vst v2;
	v2 =	vsub.f32 v5, v3  }
0x111: {  	v1 =	vsub.f32 v1, v6;
	v3 =	vld [tilespmem:s10+$0x0]  }
0x112: {  	v5 =	vld [tilespmem:s2+$0x0];
	[tilespmem:s3+$0x0] =	vst v2  }
0x113: {  	v6 =	vld [tilespmem:s10+$0xFFFFFFE0];
	[tilespmem:s3+$0xFFFFFFE0] =	vst v1  }
0x114: {  	v8 =	vld.idx.msk [tilespmem:v8+s5+$0x0], $0xffff  }
0x115: {  	v9 =	vld.idx.msk [tilespmem:v9+s5+$0x0], $0xffff  }
0x116: {  	v1 =	vld.idx.msk [tilespmem:v7+s5+$0x0], $0xffff  }
.Ltmp6:
0x117: {  	v2 =	vld.idx.msk [tilespmem:v4+s5+$0x0], $0xffff;
	(pc) =	sbr.rel @p1 .LBB2_10-.Ltmp6, $4  }
0x118: {  	v4 =	vld.idx.msk [tilespmem:v10+s5+$0x0], $0xffff  }
0x119: {  	v3 =	vld.idx.msk [tilespmem:v3+s5+$0x0], $0xffff  }
0x11a: {  	v5 =	vld.idx.msk [tilespmem:v5+s5+$0x0], $0xffff  }
0x11b: {  	s10 =	sadd.s32 $0x40, s10;
	v7 =	vsub.f32 v9, v8;
	v6 =	vld.idx.msk [tilespmem:v6+s5+$0x0], $0xffff  }
0x11c: {  	_ =	sdelay $0x1  }
0x11d: {  	s2 =	sadd.s32 $0x40, s3;
	v2 =	vsub.f32 v4, v2  }
0x11e: {  	[tilespmem:s2+$0x10] =	vst v7;
	v3 =	vsub.f32 v5, v3  }
0x11f: {  	[tilespmem:s2+$0xFFFFFFF0] =	vst v2;
	v1 =	vsub.f32 v1, v6  }
0x120: {  	[tilespmem:s2+$0x0] =	vst v3  }
0x121: {  	[tilespmem:s2+$0xFFFFFFE0] =	vst v1  }
0x122: {  	s17 =	sshll.u32 s4, $0x4;
	s2 =	rddreg [dreg:$0xb]  }
0x123: {  	p1 =	seq.s32 s7, $0x20;
	s2 =	sadd.s32 s17, s2  }
0x124: {  	[hbm4b:s2+s5] =	stream.linear.scatter [tilespmem:s21], [sflag:$0x3], $0x600, $0x38;
	[tilespmem:$0x1FB00] =	vst v63  }
0x125: {  	s2 =	sadd.s32 @!p1 $0x18, s13  }
0x126: {  	p2 =	slt.s32 @!p1 s2, s12  }
0x127: {  	p2 =	por !p2, p1  }
0x128: {  	s2 =	smov.u32 @p2 s12  }
0x129: {  	s2 =	sadd.s32 @!p1 s11, s2  }
0x12a: {  	s2 =	sshll.u32 @!p1 s2, $0x4  }
0x12b: {  	s2 =	sand.u32 @!p1 $0x1FFFFFF0, s2  }
0x12c: {  	s4 =	simm.s32 @!p1 $0x0;
	s6 =	simm.s32 @!p1 $0x18700;
	s3 =	sadd.s32 @!p1 s8, s2  }
0x12d: {  	[tilespmem:s6], [sflag:$0x1] =	stream.linear.gather @!p1 [hbm4b:s3+s4], $0x600, $0x38;
	[tilespmem:$0x1FB00] =	vst v63  }
0x12e: {  	s2 =	sadd.s32 @!p1 s9, s2;
	s3 =	simm.s32 @!p1 $0x19300  }
0x12f: {  	[tilespmem:s3], [sflag:$0x1] =	stream.linear.gather @!p1 [hbm4b:s2+s4], $0x600, $0x38;
	[tilespmem:$0x1FB00] =	vst v63  }
0x130: {  	_ =	swait.ge [sflag:s1], $0x600  }
0x131: {  	[sflag:s1] =	ssyncset.done $0x0  }
0x132: {  	[sflag:s1] =	ssyncadd.s32 $0xFFFFFA00  }
0x133: {  	_ =	swait.ge [sflag:s1], $0x600  }
0x134: {  	[sflag:s1] =	ssyncset.done $0x0  }
0x135: {  	s2 =	simm.s32 @!p0 $0x4;
	[sflag:s1] =	ssyncadd.s32 $0xFFFFFA00  }
0x136: {  	_ =	swait.ge @!p0 [sflag:s2], $0x600  }
0x137: {  	[sflag:s2] =	ssyncset.done @!p0 $0x0  }
0x138: {  	s28 =	simm.s32 $0x18D20;
	[sflag:s2] =	ssyncadd.s32 @!p0 $0xFFFFFA00  }
0x139: {  	s30 =	simm.s32 $0x19920;
	v1 =	vld [tilespmem:s28+$0x10]  }
0x13a: {  	v2 =	vld [tilespmem:s30+$0x10]  }
0x13b: {  	v3 =	vld [tilespmem:s30+$0xFFFFFFE0]  }
0x13c: {  	v4 =	vld [tilespmem:s28+$0xFFFFFFF0]  }
0x13d: {  	v5 =	vld [tilespmem:s30+$0xFFFFFFF0]  }
0x13e: {  	v6 =	vld [tilespmem:s28+$0x0]  }
0x13f: {  	v7 =	vld [tilespmem:s30+$0x0]  }
0x140: {  	s31 =	simm.s32 $0x18D60;
	v8 =	vld [tilespmem:s28+$0xFFFFFFE0]  }
0x141: {  	s2 =	simm.s32 $0x19960;
	v9 =	vld [tilespmem:s31+$0x10]  }
0x142: {  	v10 =	vld [tilespmem:s2+$0x10]  }
0x143: {  	v11 =	vld [tilespmem:s2+$0xFFFFFFE0]  }
0x144: {  	v12 =	vld [tilespmem:s31+$0xFFFFFFF0]  }
0x145: {  	v13 =	vld [tilespmem:s2+$0xFFFFFFF0]  }
0x146: {  	v14 =	vld [tilespmem:s31+$0x0]  }
0x147: {  	v15 =	vld [tilespmem:s2+$0x0]  }
0x148: {  	v16 =	vld [tilespmem:s31+$0xFFFFFFE0]  }
0x149: {  	v1 =	vld.idx.msk [tilespmem:v1+s5+$0x0], $0xffff  }
0x14a: {  	v2 =	vld.idx.msk [tilespmem:v2+s5+$0x0], $0xffff  }
0x14b: {  	v3 =	vld.idx.msk [tilespmem:v3+s5+$0x0], $0xffff  }
0x14c: {  	v4 =	vld.idx.msk [tilespmem:v4+s5+$0x0], $0xffff  }
0x14d: {  	v5 =	vld.idx.msk [tilespmem:v5+s5+$0x0], $0xffff  }
0x14e: {  	v6 =	vld.idx.msk [tilespmem:v6+s5+$0x0], $0xffff  }
0x14f: {  	v7 =	vld.idx.msk [tilespmem:v7+s5+$0x0], $0xffff  }
0x150: {  	v8 =	vld.idx.msk [tilespmem:v8+s5+$0x0], $0xffff  }
0x151: {  	v9 =	vld.idx.msk [tilespmem:v9+s5+$0x0], $0xffff  }
0x152: {  	v10 =	vld.idx.msk [tilespmem:v10+s5+$0x0], $0xffff  }
0x153: {  	v17 =	vsub.f32 v2, v1;
	v1 =	vld.idx.msk [tilespmem:v11+s5+$0x0], $0xffff  }
0x154: {  	s3 =	simm.s32 $0x1A520;
	v5 =	vsub.f32 v5, v4;
	v2 =	vld.idx.msk [tilespmem:v12+s5+$0x0], $0xffff  }
0x155: {  	s4 =	sadd.s32 $0xC, s13;
	v6 =	vsub.f32 v7, v6;
	v4 =	vld.idx.msk [tilespmem:v13+s5+$0x0], $0xffff;
	[tilespmem:s3+$0x10] =	vst v17  }
0x156: {  	s6 =	smov.u32 s12;
	p0 =	slt.s32 s4, s12;
	v7 =	vsub.f32 v3, v8;
	v3 =	vld.idx.msk [tilespmem:v14+s5+$0x0], $0xffff;
	[tilespmem:s3+$0xFFFFFFF0] =	vst v5  }
0x157: {  	s6 =	smov.u32 @p0 s4;
	[tilespmem:s3+$0x0] =	vst v6;
	v5 =	vld.idx.msk [tilespmem:v15+s5+$0x0], $0xffff  }
0x158: {  	s10 =	simm.s32 $0x18DA0;
	s4 =	sadd.s32 s11, s6;
	s6 =	simm.s32 $0x4;
	[tilespmem:s3+$0xFFFFFFE0] =	vst v7;
	v6 =	vld.idx.msk [tilespmem:v16+s5+$0x0], $0xffff;
	v7 =	vsub.f32 v10, v9  }
.LBB2_12:
0x159: {  	v8 =	vld [tilespmem:s10+$0x10];
	s2 =	sadd.s32 $0x40, s2;
	s3 =	sadd.s32 $0x40, s3  }
0x15a: {  	s6 =	sadd.s32 $0x4, s6;
	v9 =	vld [tilespmem:s2+$0x10];
	[tilespmem:s3+$0x10] =	vst v7  }
0x15b: {  	p0 =	slt.u32 s6, $0x5C;
	v2 =	vsub.f32 v4, v2;
	v7 =	vld [tilespmem:s2+$0xFFFFFFE0]  }
0x15c: {  	v4 =	vld [tilespmem:s10+$0xFFFFFFF0]  }
0x15d: {  	v10 =	vld [tilespmem:s2+$0xFFFFFFF0];
	[tilespmem:s3+$0xFFFFFFF0] =	vst v2;
	v2 =	vsub.f32 v5, v3  }
0x15e: {  	v1 =	vsub.f32 v1, v6;
	v3 =	vld [tilespmem:s10+$0x0]  }
0x15f: {  	v5 =	vld [tilespmem:s2+$0x0];
	[tilespmem:s3+$0x0] =	vst v2  }
0x160: {  	v6 =	vld [tilespmem:s10+$0xFFFFFFE0];
	[tilespmem:s3+$0xFFFFFFE0] =	vst v1  }
0x161: {  	v8 =	vld.idx.msk [tilespmem:v8+s5+$0x0], $0xffff  }
0x162: {  	v9 =	vld.idx.msk [tilespmem:v9+s5+$0x0], $0xffff  }
0x163: {  	v1 =	vld.idx.msk [tilespmem:v7+s5+$0x0], $0xffff  }
.Ltmp7:
0x164: {  	v2 =	vld.idx.msk [tilespmem:v4+s5+$0x0], $0xffff;
	(pc) =	sbr.rel @p0 .LBB2_12-.Ltmp7, $4  }
0x165: {  	v4 =	vld.idx.msk [tilespmem:v10+s5+$0x0], $0xffff  }
0x166: {  	v3 =	vld.idx.msk [tilespmem:v3+s5+$0x0], $0xffff  }
0x167: {  	v5 =	vld.idx.msk [tilespmem:v5+s5+$0x0], $0xffff  }
0x168: {  	s10 =	sadd.s32 $0x40, s10;
	v7 =	vsub.f32 v9, v8;
	v6 =	vld.idx.msk [tilespmem:v6+s5+$0x0], $0xffff  }
0x169: {  	_ =	sdelay $0x1  }
0x16a: {  	s2 =	sadd.s32 $0x40, s3;
	v2 =	vsub.f32 v4, v2  }
0x16b: {  	[tilespmem:s2+$0x10] =	vst v7;
	v3 =	vsub.f32 v5, v3  }
0x16c: {  	[tilespmem:s2+$0xFFFFFFF0] =	vst v2;
	v1 =	vsub.f32 v1, v6  }
.Ltmp8:
0x16d: {  	[tilespmem:s2+$0x0] =	vst v3;
	(pc) =	sbr.rel @p1 .LBB2_15-.Ltmp8, $4  }
0x16e: {  	[tilespmem:s2+$0xFFFFFFE0] =	vst v1  }
0x16f: {  	s31 =	sshll.u32 s4, $0x4;
	s2 =	rddreg [dreg:$0xb]  }
0x170: {  	s2 =	sadd.s32 s31, s2  }
0x171: {  	[hbm4b:s2+s5] =	stream.linear.scatter [tilespmem:s24], [sflag:$0x4], $0x600, $0x38;
	[tilespmem:$0x1FB00] =	vst v63  }
0x172: {  	s2 =	sadd.s32 $0x24, s13  }
0x173: {  	s3 =	smov.u32 s12;
	p0 =	slt.s32 s2, s12  }
0x174: {  	s3 =	smov.u32 @p0 s2  }
0x175: {  	s2 =	sadd.s32 s11, s3  }
0x176: {  	s2 =	sshll.u32 s2, $0x4  }
.Ltmp9:
0x177: {  	s2 =	sand.u32 $0x1FFFFFF0, s2;
	(pc) =	sbr.rel .LBB2_9-.Ltmp9, $4  }
0x178: {  	s31 =	sadd.s32 s8, s2  }
0x179: {  	[tilespmem:s22], [sflag:$0x2] =	stream.linear.gather [hbm4b:s31+s5], $0x600, $0x38;
	[tilespmem:$0x1FB00] =	vst v63  }
0x17a: {  	s7 =	sadd.s32 $0x1, s7;
	s2 =	sadd.s32 s9, s2  }
0x17b: {  	[tilespmem:s23], [sflag:$0x2] =	stream.linear.gather [hbm4b:s2+s5], $0x600, $0x38;
	[tilespmem:$0x1FB00] =	vst v63  }
.LBB2_15:
0x17c: {  	_ =	swait.ge [sflag:s25], $0x600  }
0x17d: {  	[sflag:s25] =	ssyncset.done $0x0  }
0x17e: {  	[sflag:s25] =	ssyncadd.s32 $0xFFFFFA00  }
0x17f: {  	_ =	swait.ge [sflag:s26], $0x600  }
0x180: {  	[sflag:s26] =	ssyncset.done $0x0  }
0x181: {  	[sflag:s26] =	ssyncadd.s32 $0xFFFFFA00  }
0x182: {  	s21 =	simm.s32 $0x0;
	s2 =	rddreg [dreg:$0x0]  }
0x183: {  	[tilespmem:s21], [sflag:$0x5] =	stream.linear.gather [hbm4b:s2+s21], $0x18700, $0x38;
	[tilespmem:$0x1FB00] =	vst v63  }
0x184: {  	_ =	swait.ge [sflag:s18], $0x18700  }
0x185: {  	[sflag:s18] =	ssyncset.done $0x0  }
0x186: {  	[sflag:s18] =	ssyncadd.s32 $0xFFFE7900  }
0x187: {  	[tilespmem:$0x1BB00] =	vst v0  }
0x188: {  	[tilespmem:$0x1BB10] =	vst v0  }
0x189: {  	[tilespmem:$0x1BB20] =	vst v0  }
0x18a: {  	[tilespmem:$0x1BB30] =	vst v0  }
0x18b: {  	[tilespmem:$0x1BB40] =	vst v0  }
0x18c: {  	[tilespmem:$0x1BB50] =	vst v0  }
0x18d: {  	[tilespmem:$0x1BB60] =	vst v0  }
0x18e: {  	[tilespmem:$0x1BB70] =	vst v0  }
0x18f: {  	[tilespmem:$0x1BF00] =	vst v0  }
0x190: {  	[tilespmem:$0x1BF10] =	vst v0  }
0x191: {  	[tilespmem:$0x1BF20] =	vst v0  }
0x192: {  	[tilespmem:$0x1BF30] =	vst v0  }
0x193: {  	[tilespmem:$0x1BF40] =	vst v0  }
0x194: {  	[tilespmem:$0x1BF50] =	vst v0  }
0x195: {  	[tilespmem:$0x1BF60] =	vst v0  }
0x196: {  	[tilespmem:$0x1BF70] =	vst v0  }
0x197: {  	[tilespmem:$0x1C300] =	vst v0  }
0x198: {  	[tilespmem:$0x1C310] =	vst v0  }
0x199: {  	[tilespmem:$0x1C320] =	vst v0  }
0x19a: {  	[tilespmem:$0x1C330] =	vst v0  }
0x19b: {  	[tilespmem:$0x1C340] =	vst v0  }
0x19c: {  	[tilespmem:$0x1C350] =	vst v0  }
0x19d: {  	[tilespmem:$0x1C360] =	vst v0  }
0x19e: {  	[tilespmem:$0x1C370] =	vst v0  }
0x19f: {  	[tilespmem:$0x1C700] =	vst v0  }
0x1a0: {  	[tilespmem:$0x1C710] =	vst v0  }
0x1a1: {  	[tilespmem:$0x1C720] =	vst v0  }
0x1a2: {  	[tilespmem:$0x1C730] =	vst v0  }
0x1a3: {  	[tilespmem:$0x1C740] =	vst v0  }
0x1a4: {  	[tilespmem:$0x1C750] =	vst v0  }
0x1a5: {  	[tilespmem:$0x1C760] =	vst v0  }
0x1a6: {  	[tilespmem:$0x1C770] =	vst v0  }
0x1a7: {  	[tilespmem:$0x1DB00] =	vst v0  }
0x1a8: {  	[tilespmem:$0x1DB10] =	vst v0  }
0x1a9: {  	[tilespmem:$0x1DB20] =	vst v0  }
0x1aa: {  	[tilespmem:$0x1DB30] =	vst v0  }
0x1ab: {  	[tilespmem:$0x1DB40] =	vst v0  }
0x1ac: {  	[tilespmem:$0x1DB50] =	vst v0  }
0x1ad: {  	[tilespmem:$0x1DB60] =	vst v0  }
0x1ae: {  	[tilespmem:$0x1DB70] =	vst v0  }
0x1af: {  	[tilespmem:$0x1DF00] =	vst v0  }
0x1b0: {  	[tilespmem:$0x1DF10] =	vst v0  }
0x1b1: {  	[tilespmem:$0x1DF20] =	vst v0  }
0x1b2: {  	[tilespmem:$0x1DF30] =	vst v0  }
0x1b3: {  	[tilespmem:$0x1DF40] =	vst v0  }
0x1b4: {  	[tilespmem:$0x1DF50] =	vst v0  }
0x1b5: {  	[tilespmem:$0x1DF60] =	vst v0  }
0x1b6: {  	[tilespmem:$0x1DF70] =	vst v0  }
0x1b7: {  	[tilespmem:$0x1E300] =	vst v0  }
0x1b8: {  	[tilespmem:$0x1E310] =	vst v0  }
0x1b9: {  	[tilespmem:$0x1E320] =	vst v0  }
0x1ba: {  	[tilespmem:$0x1E330] =	vst v0  }
0x1bb: {  	[tilespmem:$0x1E340] =	vst v0  }
0x1bc: {  	[tilespmem:$0x1E350] =	vst v0  }
0x1bd: {  	[tilespmem:$0x1E360] =	vst v0  }
0x1be: {  	[tilespmem:$0x1E370] =	vst v0  }
0x1bf: {  	[tilespmem:$0x1E700] =	vst v0  }
0x1c0: {  	[tilespmem:$0x1E710] =	vst v0  }
0x1c1: {  	[tilespmem:$0x1E720] =	vst v0  }
0x1c2: {  	[tilespmem:$0x1E730] =	vst v0  }
0x1c3: {  	[tilespmem:$0x1E740] =	vst v0  }
0x1c4: {  	[tilespmem:$0x1E750] =	vst v0  }
0x1c5: {  	[tilespmem:$0x1E760] =	vst v0  }
0x1c6: {  	[tilespmem:$0x1E770] =	vst v0  }
0x1c7: {  	[tilespmem:s19], [sflag:$0x1] =	stream.linear.gather [hbm4b:s14+s21], $0x200, $0x38;
	[tilespmem:$0x1FB00] =	vst v63  }
0x1c8: {  	_ = 	snop  }
0x1c9: {  	[tilespmem:s20], [sflag:$0x1] =	stream.linear.gather [hbm4b:s15+s21], $0x200, $0x38;
	[tilespmem:$0x1FB00] =	vst v63  }
0x1ca: {  	s17 =	simm.s32 $0x1AB00;
	s3 =	rddreg [dreg:$0xd]  }
0x1cb: {  	[tilespmem:s17], [sflag:$0x1] =	stream.linear.gather [hbm4b:s3+s21], $0x80, $0x38;
	[tilespmem:$0x1FB00] =	vst v63  }
0x1cc: {  	s4 =	simm.s32 $0x1AD00;
	s18 =	sadd.s32 $0x10, s3  }
0x1cd: {  	[tilespmem:s4], [sflag:$0x1] =	stream.linear.gather [hbm4b:s18+s21], $0x80, $0x38;
	[tilespmem:$0x1FB00] =	vst v63  }
0x1ce: {  	s19 =	sadd.s32 $0x20, s3;
	s20 =	simm.s32 $0x1AF00  }
0x1cf: {  	[tilespmem:s20], [sflag:$0x1] =	stream.linear.gather [hbm4b:s19+s21], $0x80, $0x38;
	[tilespmem:$0x1FB00] =	vst v63  }
0x1d0: {  	s25 =	simm.s32 $0x1B100;
	s24 =	sadd.s32 $0x30, s3  }
0x1d1: {  	[tilespmem:s25], [sflag:$0x1] =	stream.linear.gather [hbm4b:s24+s21], $0x80, $0x38;
	[tilespmem:$0x1FB00] =	vst v63  }
0x1d2: {  	s28 =	simm.s32 $0x1AB80;
	s26 =	rddreg [dreg:$0xe]  }
0x1d3: {  	[tilespmem:s28], [sflag:$0x1] =	stream.linear.gather [hbm4b:s26+s21], $0x80, $0x38;
	[tilespmem:$0x1FB00] =	vst v63  }
0x1d4: {  	s31 =	simm.s32 $0x1AD80;
	s30 =	sadd.s32 $0x10, s26  }
0x1d5: {  	[tilespmem:s31], [sflag:$0x1] =	stream.linear.gather [hbm4b:s30+s21], $0x80, $0x38;
	[tilespmem:$0x1FB00] =	vst v63  }
0x1d6: {  	s6 =	simm.s32 $0x1AF80;
	s4 =	sadd.s32 $0x20, s26  }
0x1d7: {  	[tilespmem:s6], [sflag:$0x1] =	stream.linear.gather [hbm4b:s4+s21], $0x80, $0x38;
	[tilespmem:$0x1FB00] =	vst v63  }
0x1d8: {  	s10 =	simm.s32 $0x1B180;
	s7 =	sadd.s32 $0x30, s26  }
0x1d9: {  	[tilespmem:s10], [sflag:$0x1] =	stream.linear.gather [hbm4b:s7+s21], $0x80, $0x38;
	[tilespmem:$0x1FB00] =	vst v63  }
0x1da: {  	s13 =	rddreg [dreg:$0xf]  }
0x1db: {  	[tilespmem:s22], [sflag:$0x2] =	stream.linear.gather [hbm4b:s13+s21], $0x200, $0x38;
	[tilespmem:$0x1FB00] =	vst v63  }
0x1dc: {  	s14 =	rddreg [dreg:$0x10]  }
0x1dd: {  	[tilespmem:s23], [sflag:$0x2] =	stream.linear.gather [hbm4b:s14+s21], $0x200, $0x38;
	[tilespmem:$0x1FB00] =	vst v63  }
0x1de: {  	s15 =	rddreg [dreg:$0x11]  }
0x1df: {  	[tilespmem:s29], [sflag:$0x2] =	stream.linear.gather [hbm4b:s15+s21], $0x80, $0x38;
	[tilespmem:$0x1FB00] =	vst v63  }
0x1e0: {  	s16 =	sadd.s32 $0x10, s15;
	s17 =	simm.s32 $0x1B500  }
0x1e1: {  	[tilespmem:s17], [sflag:$0x2] =	stream.linear.gather [hbm4b:s16+s21], $0x80, $0x38;
	[tilespmem:$0x1FB00] =	vst v63  }
0x1e2: {  	s18 =	sadd.s32 $0x20, s15;
	s19 =	simm.s32 $0x1B700  }
0x1e3: {  	[tilespmem:s19], [sflag:$0x2] =	stream.linear.gather [hbm4b:s18+s21], $0x80, $0x38;
	[tilespmem:$0x1FB00] =	vst v63  }
0x1e4: {  	s20 =	sadd.s32 $0x30, s15;
	s22 =	simm.s32 $0x1B900  }
0x1e5: {  	[tilespmem:s22], [sflag:$0x2] =	stream.linear.gather [hbm4b:s20+s21], $0x80, $0x38;
	[tilespmem:$0x1FB00] =	vst v63  }
0x1e6: {  	s24 =	simm.s32 $0x1B380;
	s23 =	rddreg [dreg:$0x12]  }
0x1e7: {  	[tilespmem:s24], [sflag:$0x2] =	stream.linear.gather [hbm4b:s23+s21], $0x80, $0x38;
	[tilespmem:$0x1FB00] =	vst v63  }
0x1e8: {  	s26 =	simm.s32 $0x1B580;
	s25 =	sadd.s32 $0x10, s23  }
0x1e9: {  	[tilespmem:s26], [sflag:$0x2] =	stream.linear.gather [hbm4b:s25+s21], $0x80, $0x38;
	[tilespmem:$0x1FB00] =	vst v63  }
0x1ea: {  	s28 =	sadd.s32 $0x20, s23;
	s29 =	simm.s32 $0x1B780  }
0x1eb: {  	[tilespmem:s29], [sflag:$0x2] =	stream.linear.gather [hbm4b:s28+s21], $0x80, $0x38;
	[tilespmem:$0x1FB00] =	vst v63  }
0x1ec: {  	s31 =	simm.s32 $0x1B980;
	s30 =	sadd.s32 $0x30, s23  }
0x1ed: {  	[tilespmem:s31], [sflag:$0x2] =	stream.linear.gather [hbm4b:s30+s21], $0x80, $0x38;
	[tilespmem:$0x1FB00] =	vst v63  }
.LBB2_16:
0x1ee: {  	_ =	swait.ge [sflag:s0], $0x200  }
0x1ef: {  	[sflag:s0] =	ssyncset.done $0x0  }
0x1f0: {  	[sflag:s0] =	ssyncadd.s32 $0xFFFFFE00  }
0x1f1: {  	_ =	swait.ge [sflag:s0], $0x200  }
0x1f2: {  	[sflag:s0] =	ssyncset.done $0x0  }
0x1f3: {  	[sflag:s0] =	ssyncadd.s32 $0xFFFFFE00  }
0x1f4: {  	_ =	swait.ge [sflag:s0], $0x200  }
0x1f5: {  	[sflag:s0] =	ssyncset.done $0x0  }
0x1f6: {  	[sflag:s0] =	ssyncadd.s32 $0xFFFFFE00  }
0x1f7: {  	_ =	swait.ge [sflag:s0], $0x200  }
0x1f8: {  	p0 =	seq.s32 s21, $0x0;
	[sflag:s0] =	ssyncset.done $0x0  }
0x1f9: {  	s2 =	simm.s32 @!p0 $0x3;
	[sflag:s0] =	ssyncadd.s32 $0xFFFFFE00  }
0x1fa: {  	_ =	swait.ge @!p0 [sflag:s2], $0x800  }
0x1fb: {  	[sflag:s2] =	ssyncset.done @!p0 $0x0  }
0x1fc: {  	[sflag:s2] =	ssyncadd.s32 @!p0 $0xFFFFF800  }
0x1fd: {  	s7 =	sshll.u32 s21, $0x3;
	s29 =	simm.s32 $0xFFFFFFFC;
	_ =	swait.ge @!p0 [sflag:s2], $0x2000  }
0x1fe: {  	s15 =	simm.s32 $0x18700;
	s16 =	simm.s32 $0x19300;
	[sflag:s2] =	ssyncset.done @!p0 $0x0  }
0x1ff: {  	s13 =	simm.s32 $0x0;
	s28 =	sadd.s32 s11, s7;
	[sflag:s2] =	ssyncadd.s32 @!p0 $0xFFFFE000  }
.LBB2_17:
0x200: {  	v1 =	vld [tilespmem:s15+$0x0]  }
0x201: {  	v2 =	vld [tilespmem:s16+$0x0];
	s29 =	sadd.s32 $0x4, s29  }
0x202: {  	s2 =	sshll.u32 s29, $0x6  }
0x203: {  	s2 =	sand.u32 $0x3FFFFE00, s2  }
0x204: {  	s30 =	sand.u32 $0x40, s13;
	s2 =	sadd.s32 $0x1AB00, s2  }
0x205: {  	s3 =	sor.u32 s30, s2  }
0x206: {  	v3 =	vld [tilespmem:s3+$0x0]  }
0x207: {  	v4 =	vld [tilespmem:s3+$0x80]  }
0x208: {  	v1 =	vld.idx.msk [tilespmem:v1+s5+$0x0], $0xffff  }
0x209: {  	v2 =	vld.idx.msk [tilespmem:v2+s5+$0x0], $0xffff;
	_ =	sdelay $0x4  }
0x20a: {  	v5 =	vsub.f32 v2, v1;
	v1 =	vmul.f32 v3, v3;
	v2 =	vmul.f32 v4, v4;
	_ =	sdelay $0x1  }
0x20b: {  	v1 =	vadd.f32 v2, v1;
	v2 =	vmul.f32 v5, v5;
	_ =	sdelay $0x1  }
0x20c: {  	v1 =	vadd.f32 v1, v2;
	_ =	sdelay $0x1  }
0x20d: {  	v1 =	vmax.f32 v1, $1.000000020e-24  }
0x20e: {  	s4 =	sand.u32 $0x180, s13;
	s19 =	sor.u32 $0x10, s30;
	v2 =	vshrl.u32 v1, $0x1;
	v1 =	vmul.f32 $5.000000000e-01, v1  }
0x20f: {  	s6 =	sor.u32 s4, s19;
	v2 =	vsub.s32 $0x5F3759DF, v2  }
0x210: {  	v7 =	vld [tilespmem:s6+$0x18700];
	v6 =	vmul.f32 v2, v1  }
0x211: {  	v8 =	vld [tilespmem:s6+$0x19300]  }
0x212: {  	v6 =	vmul.f32 v2, v6;
	_ =	sdelay $0x1  }
0x213: {  	v6 =	vsub.f32 $1.500000000e+00, v6  }
0x214: {  	s10 =	sor.u32 s19, s2  }
0x215: {  	v33 =	vld [tilespmem:s10+$0x0];
	v2 =	vmul.f32 v2, v6  }
0x216: {  	v9 =	vld [tilespmem:s10+$0x80]  }
0x217: {  	s20 =	sor.u32 $0x20, s30;
	v31 =	vld.idx.msk [tilespmem:v7+s5+$0x0], $0xffff;
	v1 =	vmul.f32 v2, v1  }
0x218: {  	s18 =	sor.u32 s20, s2;
	v32 =	vld.idx.msk [tilespmem:v8+s5+$0x0], $0xffff  }
0x219: {  	v7 =	vld [tilespmem:s18+$0x0];
	v1 =	vmul.f32 v1, v2;
	_ =	sdelay $0x1  }
0x21a: {  	v1 =	vsub.f32 $1.500000000e+00, v1;
	_ =	sdelay $0x1  }
0x21b: {  	v34 =	vmul.f32 v33, v33;
	v2 =	vmul.f32 v1, v2  }
0x21c: {  	v35 =	vmul.f32 v9, v9;
	v44 =	vmul.f32 v7, v7;
	v1 =	vsub.f32 v32, v31  }
0x21d: {  	v3 =	vmul.f32 v2, v3;
	v4 =	vmul.f32 v2, v4  }
0x21e: {  	v6 =	vadd.f32 v35, v34;
	v2 =	vmul.f32 v2, v5;
	v36 =	vmul.f32 v1, v1  }
0x21f: {  	v10 =	vmul.f32 $1.732050780e+00, v3;
	v11 =	vmul.f32 $1.732050780e+00, v4  }
0x220: {  	v12 =	vmul.f32 $1.732050780e+00, v2;
	v13 =	vmul.f32 v3, v3;
	v6 =	vadd.f32 v6, v36  }
0x221: {  	v14 =	vmul.f32 v2, v2;
	v37 =	vmul.f32 v4, v4  }
0x222: {  	v15 =	vmul.f32 $3.872983460e+00, v3;
	v20 =	vmul.f32 $3.872983460e+00, v4;
	v6 =	vmax.f32 v6, $1.000000020e-24  }
0x223: {  	s26 =	sor.u32 s4, s20;
	v27 =	vmul.f32 $1.322875620e+00, v4;
	v17 =	vshrl.u32 v6, $0x1;
	v6 =	vmul.f32 $5.000000000e-01, v6  }
0x224: {  	v19 =	vld [tilespmem:s26+$0x18700];
	v16 =	vadd.f32 v14, v13;
	v38 =	vmul.f32 v15, v2;
	v17 =	vsub.s32 $0x5F3759DF, v17  }
0x225: {  	v22 =	vld [tilespmem:s26+$0x19300];
	v13 =	vsub.f32 v14, v13;
	v23 =	vmul.f32 $4.000000000e+00, v37;
	v21 =	vmul.f32 v17, v6  }
0x226: {  	v15 =	vmul.f32 v15, v4;
	v20 =	vmul.f32 v20, v2  }
0x227: {  	v13 =	vmul.f32 $1.936491730e+00, v13;
	v21 =	vmul.f32 v17, v21  }
0x228: {  	v18 =	vmul.f32 $5.000000000e-01, v16;
	v24 =	vmul.f32 v38, v2  }
0x229: {  	v23 =	vsub.f32 v23, v16;
	v39 =	vmul.f32 $2.645751240e+00, v38;
	v21 =	vsub.f32 $1.500000000e+00, v21  }
0x22a: {  	v16 =	vmul.f32 $3.000000000e+00, v16;
	v25 =	vmul.f32 v13, v3  }
0x22b: {  	v26 =	vmul.f32 $1.620185140e+00, v23;
	v17 =	vmul.f32 v17, v21  }
0x22c: {  	v19 =	vld.idx.msk [tilespmem:v19+s5+$0x0], $0xffff;
	v42 =	vadd.f32 v37, v37;
	v40 =	vmul.f32 v39, v4;
	v28 =	vmul.f32 v13, v2  }
0x22d: {  	v22 =	vld.idx.msk [tilespmem:v22+s5+$0x0], $0xffff;
	v2 =	vmul.f32 $1.620185140e+00, v2;
	v6 =	vmul.f32 v17, v6  }
0x22e: {  	s14 =	sor.u32 $0x30, s30;
	s31 =	sshll.u32 s29, $0x7;
	v16 =	vsub.f32 v42, v16;
	v29 =	vmul.f32 $2.645751240e+00, v13;
	v41 =	vmul.f32 v26, v3  }
0x22f: {  	s24 =	sand.u32 $0x3FFFFC00, s31;
	s31 =	sor.u32 s14, s2;
	v18 =	vsub.f32 v37, v18;
	v3 =	vmul.f32 v38, v3;
	v43 =	vmul.f32 v6, v17  }
0x230: {  	v16 =	vmul.f32 v16, v27;
	v27 =	vmul.f32 v29, v4;
	v4 =	vld [tilespmem:s31+$0x80]  }
0x231: {  	v18 =	vmul.f32 $2.236068010e+00, v18;
	v3 =	vsub.f32 v28, v3;
	v6 =	vld [tilespmem:s18+$0x80];
	v26 =	vsub.f32 $1.500000000e+00, v43  }
0x232: {  	v24 =	vadd.f32 v25, v24;
	v23 =	vmul.f32 v23, v2;
	v2 =	vsub.f32 v22, v19  }
0x233: {  	v28 =	vmul.f32 $1.080123420e+00, v3;
	v3 =	vmul.f32 v26, v17  }
0x234: {  	v24 =	vmul.f32 $1.080123420e+00, v24;
	v48 =	vmul.f32 v2, v2  }
0x235: {  	s4 =	sor.u32 s4, s14;
	v42 =	vmul.f32 v4, v4;
	v8 =	vmul.f32 v3, v33  }
0x236: {  	v46 =	vld [tilespmem:s4+$0x18700];
	v45 =	vmul.f32 v6, v6;
	v9 =	vmul.f32 v3, v9  }
0x237: {  	v47 =	vld [tilespmem:s4+$0x19300];
	s26 =	sadd.s32 $0x1BB00, s24;
	v26 =	vmul.f32 v3, v1;
	v49 =	vmul.f32 $1.732050780e+00, v8  }
0x238: {  	s6 =	sor.u32 s30, s26;
	[tilespmem:s3+$0x100] =	vst v5;
	v3 =	vadd.f32 v45, v44;
	v29 =	vmul.f32 $1.732050780e+00, v9;
	v50 =	vmul.f32 v8, v8  }
0x239: {  	[tilespmem:s6+$0x80] =	vst v10;
	v30 =	vmul.f32 v26, v26;
	v10 =	vmul.f32 $1.732050780e+00, v26  }
0x23a: {  	v31 =	vmul.f32 v9, v9;
	v51 =	vmul.f32 $3.872983460e+00, v8;
	v3 =	vadd.f32 v3, v48  }
0x23b: {  	[tilespmem:s6+$0x100] =	vst v11;
	v59 =	vmul.f32 $1.322875620e+00, v9;
	v43 =	vmul.f32 $1.620185140e+00, v26  }
0x23c: {  	[tilespmem:s6+$0x180] =	vst v12;
	v52 =	vsub.f32 v30, v50;
	v53 =	vadd.f32 v30, v50;
	v3 =	vmax.f32 v3, $1.000000020e-24  }
0x23d: {  	[tilespmem:s6+$0x200] =	vst v38;
	v56 =	vmul.f32 v51, v26;
	v54 =	vshrl.u32 v3, $0x1;
	v55 =	vmul.f32 $5.000000000e-01, v3  }
0x23e: {  	[tilespmem:s6+$0x280] =	vst v15;
	v19 =	vld.idx.msk [tilespmem:v46+s5+$0x0], $0xffff;
	v58 =	vmul.f32 v51, v9;
	v61 =	vmul.f32 $4.000000000e+00, v31;
	v5 =	vsub.s32 $0x5F3759DF, v54  }
0x23f: {  	s22 =	sadd.s32 $0x1CB00, s24;
	[tilespmem:s6+$0x380] =	vst v20;
	v22 =	vld.idx.msk [tilespmem:v47+s5+$0x0], $0xffff;
	v11 =	vmul.f32 $1.936491730e+00, v52;
	v33 =	vmul.f32 v5, v55  }
0x240: {  	s17 =	sor.u32 s30, s22;
	s2 =	sadd.s32 $0x1CB80, s24;
	[tilespmem:s6+$0x300] =	vst v18;
	v32 =	vmul.f32 $3.000000000e+00, v53;
	v34 =	vmul.f32 $5.000000000e-01, v53;
	v3 =	vld [tilespmem:s31+$0x0]  }
0x241: {  	s23 =	sor.u32 s30, s2;
	s3 =	sadd.s32 $0x1CC00, s24;
	[tilespmem:s17+$0x0] =	vst v13;
	v57 =	vadd.f32 v31, v31;
	v62 =	vmul.f32 $2.645751240e+00, v56;
	v60 =	vmul.f32 v5, v33  }
0x242: {  	s25 =	sor.u32 s30, s3;
	[tilespmem:s23+$0x0] =	vst v24;
	v63 =	vmul.f32 v56, v26;
	v12 =	vsub.f32 v61, v53;
	v37 =	vmul.f32 v11, v8  }
0x243: {  	s4 =	sadd.s32 $0x1CC80, s24;
	[tilespmem:s25+$0x0] =	vst v40;
	v38 =	vmul.f32 v62, v9;
	v40 =	vmul.f32 $2.645751240e+00, v11;
	v36 =	vsub.f32 $1.500000000e+00, v60  }
0x244: {  	[tilespmem:s10+$0x100] =	vst v1;
	s23 =	sor.u32 s30, s4;
	v15 =	vsub.f32 v57, v32;
	v13 =	vmul.f32 v12, v43;
	v12 =	vmul.f32 $1.620185140e+00, v12  }
0x245: {  	s6 =	sadd.s32 $0x1CD00, s24;
	[tilespmem:s23+$0x0] =	vst v41;
	v41 =	vmul.f32 v3, v3;
	v24 =	vmul.f32 v5, v36;
	v5 =	vsub.f32 v22, v19  }
0x246: {  	[tilespmem:s18+$0x100] =	vst v2;
	s17 =	sor.u32 s30, s6;
	s25 =	sadd.s32 $0x1CD80, s24;
	v39 =	vsub.f32 v31, v34;
	v51 =	vmul.f32 v11, v26;
	v15 =	vmul.f32 v15, v59  }
0x247: {  	s23 =	sadd.s32 $0x1CE00, s24;
	[tilespmem:s17+$0x0] =	vst v16;
	s17 =	sor.u32 s30, s25;
	v16 =	vadd.f32 v42, v41;
	v44 =	vmul.f32 v24, v55;
	v46 =	vmul.f32 v5, v5  }
0x248: {  	s24 =	sadd.s32 $0x1CE80, s24;
	[tilespmem:s17+$0x0] =	vst v23;
	s17 =	sor.u32 s30, s23;
	v45 =	vmul.f32 v40, v9;
	v9 =	vmul.f32 $3.872983460e+00, v9  }
0x249: {  	s30 =	sor.u32 s30, s24;
	[tilespmem:s17+$0x0] =	vst v27;
	v48 =	vmul.f32 $2.236068010e+00, v39;
	v47 =	vmul.f32 v44, v24;
	v1 =	vadd.f32 v16, v46  }
0x24a: {  	[tilespmem:s30+$0x0] =	vst v28;
	s30 =	sor.u32 s19, s26;
	v20 =	vadd.f32 v37, v63;
	v12 =	vmul.f32 v12, v8;
	v8 =	vmul.f32 v56, v8  }
0x24b: {  	[tilespmem:s30+$0x80] =	vst v49;
	v9 =	vmul.f32 v9, v26;
	v49 =	vsub.f32 $1.500000000e+00, v47;
	v1 =	vmax.f32 v1, $1.000000020e-24  }
0x24c: {  	[tilespmem:s30+$0x100] =	vst v29;
	v8 =	vsub.f32 v51, v8;
	v52 =	vshrl.u32 v1, $0x1;
	v1 =	vmul.f32 $5.000000000e-01, v1  }
0x24d: {  	[tilespmem:s30+$0x180] =	vst v10;
	v50 =	vmul.f32 $1.080123420e+00, v20;
	v17 =	vmul.f32 v49, v24;
	v14 =	vsub.s32 $0x5F3759DF, v52  }
0x24e: {  	[tilespmem:s30+$0x200] =	vst v56;
	v8 =	vmul.f32 $1.080123420e+00, v8;
	v54 =	vmul.f32 v14, v1  }
0x24f: {  	[tilespmem:s30+$0x280] =	vst v58;
	v7 =	vmul.f32 v17, v7;
	v53 =	vmul.f32 v17, v2  }
0x250: {  	[tilespmem:s30+$0x300] =	vst v48;
	v6 =	vmul.f32 v17, v6;
	v10 =	vmul.f32 v14, v54  }
0x251: {  	s17 =	sor.u32 s19, s22;
	[tilespmem:s30+$0x380] =	vst v9;
	v55 =	vmul.f32 v7, v7;
	v56 =	vmul.f32 v53, v53  }
0x252: {  	s30 =	sor.u32 s19, s2;
	[tilespmem:s17+$0x0] =	vst v11;
	v57 =	vmul.f32 $1.732050780e+00, v7;
	v17 =	vmul.f32 $1.732050780e+00, v6  }
0x253: {  	[tilespmem:s30+$0x0] =	vst v50;
	v59 =	vmul.f32 $1.732050780e+00, v53;
	v60 =	vmul.f32 $3.872983460e+00, v7  }
0x254: {  	s17 =	sor.u32 s19, s3;
	[tilespmem:s31+$0x100] =	vst v5;
	v61 =	vmul.f32 v6, v6;
	v26 =	vmul.f32 $3.872983460e+00, v6  }
0x255: {  	s30 =	sor.u32 s19, s4;
	[tilespmem:s17+$0x0] =	vst v38;
	v31 =	vmul.f32 $1.322875620e+00, v6;
	v34 =	vmul.f32 $1.620185140e+00, v53;
	v10 =	vsub.f32 $1.500000000e+00, v10  }
0x256: {  	s17 =	sor.u32 s19, s6;
	[tilespmem:s30+$0x0] =	vst v12;
	v58 =	vadd.f32 v56, v55;
	v63 =	vmul.f32 v60, v53;
	v24 =	vmul.f32 v60, v6  }
0x257: {  	s30 =	sor.u32 s19, s25;
	[tilespmem:s17+$0x0] =	vst v15;
	v9 =	vsub.f32 v56, v55;
	v2 =	vmul.f32 v26, v53;
	v30 =	vmul.f32 $4.000000000e+00, v61  }
0x258: {  	s17 =	sor.u32 s19, s23;
	[tilespmem:s30+$0x0] =	vst v13;
	v10 =	vmul.f32 v14, v10;
	v62 =	vmul.f32 $5.000000000e-01, v58  }
0x259: {  	s30 =	sor.u32 s20, s26;
	[tilespmem:s17+$0x0] =	vst v45;
	v9 =	vmul.f32 $1.936491730e+00, v9;
	v29 =	vmul.f32 $3.000000000e+00, v58;
	v11 =	vsub.f32 v30, v58  }
0x25a: {  	v28 =	vadd.f32 v61, v61;
	[tilespmem:s30+$0x80] =	vst v57;
	v32 =	vmul.f32 v63, v53;
	v1 =	vmul.f32 v10, v1  }
0x25b: {  	[tilespmem:s30+$0x100] =	vst v17;
	v25 =	vsub.f32 v61, v62;
	v33 =	vmul.f32 v9, v7;
	v37 =	vmul.f32 v11, v34  }
0x25c: {  	[tilespmem:s30+$0x180] =	vst v59;
	v15 =	vsub.f32 v28, v29;
	v11 =	vmul.f32 $1.620185140e+00, v11;
	v1 =	vmul.f32 v1, v10  }
0x25d: {  	[tilespmem:s30+$0x280] =	vst v24;
	v38 =	vmul.f32 v9, v53;
	v27 =	vmul.f32 $2.236068010e+00, v25;
	v35 =	vadd.f32 v33, v32  }
0x25e: {  	[tilespmem:s30+$0x380] =	vst v2;
	v11 =	vmul.f32 v11, v7;
	v7 =	vmul.f32 v63, v7;
	v1 =	vsub.f32 $1.500000000e+00, v1  }
0x25f: {  	v36 =	vmul.f32 $2.645751240e+00, v63;
	[tilespmem:s30+$0x200] =	vst v63;
	v12 =	vmul.f32 v15, v31  }
0x260: {  	s17 =	sor.u32 s20, s22;
	[tilespmem:s30+$0x300] =	vst v27;
	v2 =	vmul.f32 $1.080123420e+00, v35;
	v7 =	vsub.f32 v38, v7;
	v1 =	vmul.f32 v1, v10  }
0x261: {  	s18 =	sor.u32 s20, s2;
	v10 =	vmul.f32 v36, v6;
	[tilespmem:s17+$0x0] =	vst v9;
	v9 =	vmul.f32 $2.645751240e+00, v9  }
0x262: {  	s19 =	sor.u32 s19, s24;
	[tilespmem:s18+$0x0] =	vst v2;
	v7 =	vmul.f32 $1.080123420e+00, v7;
	v2 =	vmul.f32 v1, v3  }
0x263: {  	[tilespmem:s19+$0x0] =	vst v8;
	s19 =	sor.u32 s20, s3;
	v3 =	vmul.f32 v1, v5;
	v6 =	vmul.f32 v9, v6  }
0x264: {  	s30 =	sor.u32 s20, s4;
	[tilespmem:s19+$0x0] =	vst v10;
	v1 =	vmul.f32 v1, v4;
	v39 =	vmul.f32 v2, v2  }
0x265: {  	s17 =	sor.u32 s20, s6;
	[tilespmem:s30+$0x0] =	vst v11;
	v40 =	vmul.f32 v3, v3;
	v41 =	vmul.f32 $1.732050780e+00, v2  }
0x266: {  	s18 =	sor.u32 s20, s25;
	[tilespmem:s17+$0x0] =	vst v12;
	v42 =	vmul.f32 $1.732050780e+00, v1;
	v44 =	vmul.f32 $3.872983460e+00, v2  }
0x267: {  	s19 =	sor.u32 s20, s23;
	v45 =	vmul.f32 $1.732050780e+00, v3;
	v46 =	vmul.f32 v1, v1;
	[tilespmem:s18+$0x0] =	vst v37  }
0x268: {  	s17 =	sor.u32 s14, s26;
	v50 =	vmul.f32 $3.872983460e+00, v1;
	v43 =	vadd.f32 v40, v39;
	[tilespmem:s19+$0x0] =	vst v6;
	v4 =	vsub.f32 v40, v39  }
0x269: {  	v47 =	vmul.f32 v44, v3;
	v49 =	vmul.f32 v44, v1;
	[tilespmem:s17+$0x80] =	vst v41  }
0x26a: {  	[tilespmem:s17+$0x100] =	vst v42;
	v48 =	vmul.f32 $5.000000000e-01, v43;
	v4 =	vmul.f32 $1.936491730e+00, v4  }
0x26b: {  	s30 =	sor.u32 s20, s24;
	v51 =	vmul.f32 $4.000000000e+00, v46;
	[tilespmem:s17+$0x180] =	vst v45;
	v56 =	vmul.f32 v50, v3  }
0x26c: {  	[tilespmem:s30+$0x0] =	vst v7;
	v52 =	vmul.f32 v47, v3;
	v9 =	vsub.f32 v46, v48;
	v53 =	vmul.f32 v4, v2  }
0x26d: {  	v61 =	vmul.f32 $1.322875620e+00, v1;
	v62 =	vmul.f32 $1.620185140e+00, v3;
	[tilespmem:s17+$0x280] =	vst v49  }
0x26e: {  	v55 =	vsub.f32 v51, v43;
	[tilespmem:s17+$0x380] =	vst v56;
	v54 =	vmul.f32 $2.236068010e+00, v9;
	v8 =	vadd.f32 v53, v52  }
0x26f: {  	v60 =	vadd.f32 v46, v46;
	v57 =	vmul.f32 $2.645751240e+00, v47;
	v11 =	vmul.f32 $3.000000000e+00, v43;
	[tilespmem:s17+$0x200] =	vst v47  }
0x270: {  	s18 =	sor.u32 s14, s22;
	v58 =	vmul.f32 $1.620185140e+00, v55;
	[tilespmem:s17+$0x300] =	vst v54;
	v59 =	vmul.f32 $1.080123420e+00, v8  }
0x271: {  	s2 =	sor.u32 s14, s2;
	v6 =	vmul.f32 v57, v1;
	v3 =	vmul.f32 v4, v3;
	v8 =	vsub.f32 v60, v11;
	[tilespmem:s18+$0x0] =	vst v4  }
0x272: {  	s19 =	sor.u32 s14, s3;
	v10 =	vmul.f32 v58, v2;
	v2 =	vmul.f32 v47, v2;
	[tilespmem:s2+$0x0] =	vst v59  }
0x273: {  	p1 =	slt.u32 s29, $0x1C;
	s20 =	sor.u32 s14, s4;
	v4 =	vmul.f32 $2.645751240e+00, v4;
	v63 =	vmul.f32 v8, v61;
	[tilespmem:s19+$0x0] =	vst v6  }
.Ltmp10:
0x274: {  	s22 =	sor.u32 s14, s6;
	v5 =	vmul.f32 v55, v62;
	v2 =	vsub.f32 v3, v2;
	[tilespmem:s20+$0x0] =	vst v10;
	(pc) =	sbr.rel @p1 .LBB2_17-.Ltmp10, $4  }
0x275: {  	s26 =	sor.u32 s14, s25;
	v1 =	vmul.f32 v4, v1;
	[tilespmem:s22+$0x0] =	vst v63  }
0x276: {  	s30 =	sor.u32 s14, s23;
	v2 =	vmul.f32 $1.080123420e+00, v2;
	[tilespmem:s26+$0x0] =	vst v5  }
0x277: {  	s31 =	sor.u32 s14, s24;
	[tilespmem:s30+$0x0] =	vst v1  }
0x278: {  	s13 =	sadd.s32 $0x40, s13;
	s15 =	sadd.s32 $0x40, s15;
	s16 =	sadd.s32 $0x40, s16;
	[tilespmem:s31+$0x0] =	vst v2  }
0x279: {  	s2 =	sshll.u32 s28, $0x6  }
0x27a: {  	s3 =	rddreg [dreg:$0x1];
	s24 =	simm.s32 $0x1AB00;
	s2 =	sand.u32 $0x1FFFFFC0, s2  }
0x27b: {  	s25 =	sshll.u32 s28, $0x7;
	s26 =	rddreg [dreg:$0x2];
	s2 =	sadd.s32 s3, s2  }
0x27c: {  	[hbm4b:s2+s5] =	stream.linear.scatter [tilespmem:s24], [sflag:$0x3], $0x800, $0x38;
	[tilespmem:$0x1FB00] =	vst v63  }
0x27d: {  	s30 =	simm.s32 $0x1000;
	s4 =	simm.s32 $0x186A000;
	s2 =	sand.u32 $0x1FFFFF80, s25  }
0x27e: {  	s6 =	simm.s32 $0x1BB00;
	p1 =	seq.s32 s21, $0x61;
	s2 =	sadd.s32 s26, s2  }
0x27f: {  	[hbm4b:s2+s30] =	stream.strided.scatter [tilespmem:s6], [sflag:$0x3], $0x2000, s4, s30, $0x38;
	[tilespmem:$0x1FB00] =	vst v63  }
0x280: {  	s13 =	rddreg [dreg:$0xc];
	s2 =	sadd.s32 @!p1 $0x8, s7  }
0x281: {  	s2 =	smin.u32 @!p1 s2, s13  }
0x282: {  	s2 =	sadd.s32 @!p1 s11, s2  }
0x283: {  	s2 =	sshll.u32 @!p1 s2, $0x4  }
0x284: {  	s4 =	simm.s32 @!p1 $0x0;
	s6 =	simm.s32 @!p1 $0x18700;
	s3 =	sadd.s32 @!p1 s8, s2  }
0x285: {  	[tilespmem:s6], [sflag:$0x1] =	stream.linear.gather @!p1 [hbm4b:s3+s4], $0x200, $0x38;
	[tilespmem:$0x1FB00] =	vst v63  }
0x286: {  	s3 =	sadd.s32 @!p1 s9, s2;
	s6 =	simm.s32 @!p1 $0x19300  }
0x287: {  	[tilespmem:s6], [sflag:$0x1] =	stream.linear.gather @!p1 [hbm4b:s3+s4], $0x200, $0x38;
	[tilespmem:$0x1FB00] =	vst v63  }
0x288: {  	s3 =	rddreg [dreg:$0x6]  }
0x289: {  	s6 =	simm.s32 @!p1 $0x1AB00;
	s3 =	sadd.s32 @!p1 s3, s2  }
0x28a: {  	[tilespmem:s6], [sflag:$0x1] =	stream.linear.gather @!p1 [hbm4b:s3+s4], $0x80, $0x38;
	[tilespmem:$0x1FB00] =	vst v63  }
0x28b: {  	s10 =	simm.s32 @!p1 $0x1AD00;
	s6 =	sadd.s32 @!p1 $0x10, s3  }
0x28c: {  	[tilespmem:s10], [sflag:$0x1] =	stream.linear.gather @!p1 [hbm4b:s6+s4], $0x80, $0x38;
	[tilespmem:$0x1FB00] =	vst v63  }
0x28d: {  	s6 =	sadd.s32 @!p1 $0x20, s3;
	s10 =	simm.s32 @!p1 $0x1AF00  }
0x28e: {  	[tilespmem:s10], [sflag:$0x1] =	stream.linear.gather @!p1 [hbm4b:s6+s4], $0x80, $0x38;
	[tilespmem:$0x1FB00] =	vst v63  }
0x28f: {  	s3 =	sadd.s32 @!p1 $0x30, s3;
	s6 =	simm.s32 @!p1 $0x1B100  }
0x290: {  	[tilespmem:s6], [sflag:$0x1] =	stream.linear.gather @!p1 [hbm4b:s3+s4], $0x80, $0x38;
	[tilespmem:$0x1FB00] =	vst v63  }
0x291: {  	s3 =	rddreg [dreg:$0xb]  }
0x292: {  	s2 =	sadd.s32 @!p1 s2, s3;
	s3 =	simm.s32 @!p1 $0x1AB80  }
0x293: {  	[tilespmem:s3], [sflag:$0x1] =	stream.linear.gather @!p1 [hbm4b:s2+s4], $0x80, $0x38;
	[tilespmem:$0x1FB00] =	vst v63  }
0x294: {  	s6 =	simm.s32 @!p1 $0x1AD80;
	s3 =	sadd.s32 @!p1 $0x10, s2  }
0x295: {  	[tilespmem:s6], [sflag:$0x1] =	stream.linear.gather @!p1 [hbm4b:s3+s4], $0x80, $0x38;
	[tilespmem:$0x1FB00] =	vst v63  }
0x296: {  	s3 =	sadd.s32 @!p1 $0x20, s2;
	s6 =	simm.s32 @!p1 $0x1AF80  }
0x297: {  	[tilespmem:s6], [sflag:$0x1] =	stream.linear.gather @!p1 [hbm4b:s3+s4], $0x80, $0x38;
	[tilespmem:$0x1FB00] =	vst v63  }
0x298: {  	s2 =	sadd.s32 @!p1 $0x30, s2;
	s3 =	simm.s32 @!p1 $0x1B180  }
0x299: {  	[tilespmem:s3], [sflag:$0x1] =	stream.linear.gather @!p1 [hbm4b:s2+s4], $0x80, $0x38;
	[tilespmem:$0x1FB00] =	vst v63  }
0x29a: {  	_ =	swait.ge [sflag:s1], $0x200  }
0x29b: {  	[sflag:s1] =	ssyncset.done $0x0  }
0x29c: {  	[sflag:s1] =	ssyncadd.s32 $0xFFFFFE00  }
0x29d: {  	_ =	swait.ge [sflag:s1], $0x200  }
0x29e: {  	[sflag:s1] =	ssyncset.done $0x0  }
0x29f: {  	[sflag:s1] =	ssyncadd.s32 $0xFFFFFE00  }
0x2a0: {  	_ =	swait.ge [sflag:s1], $0x200  }
0x2a1: {  	[sflag:s1] =	ssyncset.done $0x0  }
0x2a2: {  	[sflag:s1] =	ssyncadd.s32 $0xFFFFFE00  }
0x2a3: {  	_ =	swait.ge [sflag:s1], $0x200  }
0x2a4: {  	[sflag:s1] =	ssyncset.done $0x0  }
0x2a5: {  	s2 =	simm.s32 @!p0 $0x4;
	[sflag:s1] =	ssyncadd.s32 $0xFFFFFE00  }
0x2a6: {  	_ =	swait.ge @!p0 [sflag:s2], $0x800  }
0x2a7: {  	[sflag:s2] =	ssyncset.done @!p0 $0x0  }
0x2a8: {  	s31 =	sor.u32 $0x4, s7;
	[sflag:s2] =	ssyncadd.s32 @!p0 $0xFFFFF800  }
0x2a9: {  	s29 =	simm.s32 $0xFFFFFFFC;
	s15 =	simm.s32 $0x0;
	_ =	swait.ge @!p0 [sflag:s2], $0x2000  }
0x2aa: {  	s16 =	simm.s32 $0x18D00;
	s3 =	smin.u32 s31, s13;
	[sflag:s2] =	ssyncset.done @!p0 $0x0  }
0x2ab: {  	s13 =	simm.s32 $0x19900;
	s28 =	sadd.s32 s11, s3;
	[sflag:s2] =	ssyncadd.s32 @!p0 $0xFFFFE000  }
.LBB2_19:
0x2ac: {  	v1 =	vld [tilespmem:s16+$0x0]  }
0x2ad: {  	v2 =	vld [tilespmem:s13+$0x0];
	s29 =	sadd.s32 $0x4, s29  }
0x2ae: {  	s2 =	sshll.u32 s29, $0x6  }
0x2af: {  	s2 =	sand.u32 $0x3FFFFE00, s2  }
0x2b0: {  	s30 =	sand.u32 $0x40, s15;
	s2 =	sadd.s32 $0x1B300, s2  }
0x2b1: {  	s3 =	sor.u32 s30, s2  }
0x2b2: {  	v3 =	vld [tilespmem:s3+$0x0]  }
0x2b3: {  	v4 =	vld [tilespmem:s3+$0x80]  }
0x2b4: {  	v1 =	vld.idx.msk [tilespmem:v1+s5+$0x0], $0xffff  }
0x2b5: {  	v2 =	vld.idx.msk [tilespmem:v2+s5+$0x0], $0xffff;
	_ =	sdelay $0x4  }
0x2b6: {  	v5 =	vsub.f32 v2, v1;
	v1 =	vmul.f32 v3, v3;
	v2 =	vmul.f32 v4, v4;
	_ =	sdelay $0x1  }
0x2b7: {  	v1 =	vadd.f32 v2, v1;
	v2 =	vmul.f32 v5, v5;
	_ =	sdelay $0x1  }
0x2b8: {  	v1 =	vadd.f32 v1, v2;
	_ =	sdelay $0x1  }
0x2b9: {  	v1 =	vmax.f32 v1, $1.000000020e-24  }
0x2ba: {  	s4 =	sand.u32 $0x180, s15;
	s19 =	sor.u32 $0x10, s30;
	v2 =	vshrl.u32 v1, $0x1;
	v1 =	vmul.f32 $5.000000000e-01, v1  }
0x2bb: {  	s6 =	sor.u32 s4, s19;
	v2 =	vsub.s32 $0x5F3759DF, v2  }
0x2bc: {  	v7 =	vld [tilespmem:s6+$0x18D00];
	v6 =	vmul.f32 v2, v1  }
0x2bd: {  	v8 =	vld [tilespmem:s6+$0x19900]  }
0x2be: {  	v6 =	vmul.f32 v2, v6;
	_ =	sdelay $0x1  }
0x2bf: {  	v6 =	vsub.f32 $1.500000000e+00, v6  }
0x2c0: {  	s10 =	sor.u32 s19, s2  }
0x2c1: {  	v33 =	vld [tilespmem:s10+$0x0];
	v2 =	vmul.f32 v2, v6  }
0x2c2: {  	v9 =	vld [tilespmem:s10+$0x80]  }
0x2c3: {  	s20 =	sor.u32 $0x20, s30;
	v31 =	vld.idx.msk [tilespmem:v7+s5+$0x0], $0xffff;
	v1 =	vmul.f32 v2, v1  }
0x2c4: {  	s18 =	sor.u32 s20, s2;
	v32 =	vld.idx.msk [tilespmem:v8+s5+$0x0], $0xffff  }
0x2c5: {  	v7 =	vld [tilespmem:s18+$0x0];
	v1 =	vmul.f32 v1, v2;
	_ =	sdelay $0x1  }
0x2c6: {  	v1 =	vsub.f32 $1.500000000e+00, v1;
	_ =	sdelay $0x1  }
0x2c7: {  	v34 =	vmul.f32 v33, v33;
	v2 =	vmul.f32 v1, v2  }
0x2c8: {  	v35 =	vmul.f32 v9, v9;
	v44 =	vmul.f32 v7, v7;
	v1 =	vsub.f32 v32, v31  }
0x2c9: {  	v3 =	vmul.f32 v2, v3;
	v4 =	vmul.f32 v2, v4  }
0x2ca: {  	v6 =	vadd.f32 v35, v34;
	v2 =	vmul.f32 v2, v5;
	v36 =	vmul.f32 v1, v1  }
0x2cb: {  	v10 =	vmul.f32 $1.732050780e+00, v3;
	v11 =	vmul.f32 $1.732050780e+00, v4  }
0x2cc: {  	v12 =	vmul.f32 $1.732050780e+00, v2;
	v13 =	vmul.f32 v3, v3;
	v6 =	vadd.f32 v6, v36  }
0x2cd: {  	v14 =	vmul.f32 v2, v2;
	v37 =	vmul.f32 v4, v4  }
0x2ce: {  	v15 =	vmul.f32 $3.872983460e+00, v3;
	v20 =	vmul.f32 $3.872983460e+00, v4;
	v6 =	vmax.f32 v6, $1.000000020e-24  }
0x2cf: {  	s23 =	sor.u32 s4, s20;
	v27 =	vmul.f32 $1.322875620e+00, v4;
	v17 =	vshrl.u32 v6, $0x1;
	v6 =	vmul.f32 $5.000000000e-01, v6  }
0x2d0: {  	v19 =	vld [tilespmem:s23+$0x18D00];
	v16 =	vadd.f32 v14, v13;
	v38 =	vmul.f32 v15, v2;
	v17 =	vsub.s32 $0x5F3759DF, v17  }
0x2d1: {  	v22 =	vld [tilespmem:s23+$0x19900];
	v13 =	vsub.f32 v14, v13;
	v23 =	vmul.f32 $4.000000000e+00, v37;
	v21 =	vmul.f32 v17, v6  }
0x2d2: {  	v15 =	vmul.f32 v15, v4;
	v20 =	vmul.f32 v20, v2  }
0x2d3: {  	v13 =	vmul.f32 $1.936491730e+00, v13;
	v21 =	vmul.f32 v17, v21  }
0x2d4: {  	v18 =	vmul.f32 $5.000000000e-01, v16;
	v24 =	vmul.f32 v38, v2  }
0x2d5: {  	v23 =	vsub.f32 v23, v16;
	v39 =	vmul.f32 $2.645751240e+00, v38;
	v21 =	vsub.f32 $1.500000000e+00, v21  }
0x2d6: {  	v16 =	vmul.f32 $3.000000000e+00, v16;
	v25 =	vmul.f32 v13, v3  }
0x2d7: {  	v26 =	vmul.f32 $1.620185140e+00, v23;
	v17 =	vmul.f32 v17, v21  }
0x2d8: {  	v19 =	vld.idx.msk [tilespmem:v19+s5+$0x0], $0xffff;
	v42 =	vadd.f32 v37, v37;
	v40 =	vmul.f32 v39, v4;
	v28 =	vmul.f32 v13, v2  }
0x2d9: {  	v22 =	vld.idx.msk [tilespmem:v22+s5+$0x0], $0xffff;
	v2 =	vmul.f32 $1.620185140e+00, v2;
	v6 =	vmul.f32 v17, v6  }
0x2da: {  	s14 =	sor.u32 $0x30, s30;
	v16 =	vsub.f32 v42, v16;
	v29 =	vmul.f32 $2.645751240e+00, v13;
	v41 =	vmul.f32 v26, v3  }
0x2db: {  	s31 =	sor.u32 s14, s2;
	v18 =	vsub.f32 v37, v18;
	v3 =	vmul.f32 v38, v3;
	v43 =	vmul.f32 v6, v17  }
0x2dc: {  	v16 =	vmul.f32 v16, v27;
	v27 =	vmul.f32 v29, v4;
	v4 =	vld [tilespmem:s31+$0x80]  }
0x2dd: {  	v18 =	vmul.f32 $2.236068010e+00, v18;
	v3 =	vsub.f32 v28, v3;
	v6 =	vld [tilespmem:s18+$0x80];
	v26 =	vsub.f32 $1.500000000e+00, v43  }
0x2de: {  	v24 =	vadd.f32 v25, v24;
	v23 =	vmul.f32 v23, v2;
	v2 =	vsub.f32 v22, v19  }
0x2df: {  	v28 =	vmul.f32 $1.080123420e+00, v3;
	v3 =	vmul.f32 v26, v17  }
0x2e0: {  	v24 =	vmul.f32 $1.080123420e+00, v24;
	v48 =	vmul.f32 v2, v2  }
0x2e1: {  	s24 =	sshll.u32 s29, $0x7;
	s4 =	sor.u32 s4, s14;
	v42 =	vmul.f32 v4, v4;
	v8 =	vmul.f32 v3, v33  }
0x2e2: {  	s24 =	sand.u32 $0x3FFFFC00, s24;
	v46 =	vld [tilespmem:s4+$0x18D00];
	v45 =	vmul.f32 v6, v6;
	v9 =	vmul.f32 v3, v9  }
0x2e3: {  	v47 =	vld [tilespmem:s4+$0x19900];
	s26 =	sadd.s32 $0x1DB00, s24;
	v26 =	vmul.f32 v3, v1;
	v49 =	vmul.f32 $1.732050780e+00, v8  }
0x2e4: {  	s25 =	sor.u32 s30, s26;
	[tilespmem:s3+$0x100] =	vst v5;
	v3 =	vadd.f32 v45, v44;
	v29 =	vmul.f32 $1.732050780e+00, v9;
	v50 =	vmul.f32 v8, v8  }
0x2e5: {  	[tilespmem:s25+$0x80] =	vst v10;
	v30 =	vmul.f32 v26, v26;
	v10 =	vmul.f32 $1.732050780e+00, v26  }
0x2e6: {  	v31 =	vmul.f32 v9, v9;
	v51 =	vmul.f32 $3.872983460e+00, v8;
	v3 =	vadd.f32 v3, v48  }
0x2e7: {  	[tilespmem:s25+$0x100] =	vst v11;
	v59 =	vmul.f32 $1.322875620e+00, v9;
	v43 =	vmul.f32 $1.620185140e+00, v26  }
0x2e8: {  	[tilespmem:s25+$0x180] =	vst v12;
	v52 =	vsub.f32 v30, v50;
	v53 =	vadd.f32 v30, v50;
	v3 =	vmax.f32 v3, $1.000000020e-24  }
0x2e9: {  	[tilespmem:s25+$0x200] =	vst v38;
	v56 =	vmul.f32 v51, v26;
	v54 =	vshrl.u32 v3, $0x1;
	v55 =	vmul.f32 $5.000000000e-01, v3  }
0x2ea: {  	[tilespmem:s25+$0x280] =	vst v15;
	v19 =	vld.idx.msk [tilespmem:v46+s5+$0x0], $0xffff;
	v58 =	vmul.f32 v51, v9;
	v61 =	vmul.f32 $4.000000000e+00, v31;
	v5 =	vsub.s32 $0x5F3759DF, v54  }
0x2eb: {  	s22 =	sadd.s32 $0x1EB00, s24;
	[tilespmem:s25+$0x380] =	vst v20;
	v22 =	vld.idx.msk [tilespmem:v47+s5+$0x0], $0xffff;
	v11 =	vmul.f32 $1.936491730e+00, v52;
	v33 =	vmul.f32 v5, v55  }
0x2ec: {  	s4 =	sor.u32 s30, s22;
	s2 =	sadd.s32 $0x1EB80, s24;
	[tilespmem:s25+$0x300] =	vst v18;
	v32 =	vmul.f32 $3.000000000e+00, v53;
	v34 =	vmul.f32 $5.000000000e-01, v53;
	v3 =	vld [tilespmem:s31+$0x0]  }
0x2ed: {  	s6 =	sor.u32 s30, s2;
	s3 =	sadd.s32 $0x1EC00, s24;
	[tilespmem:s4+$0x0] =	vst v13;
	v57 =	vadd.f32 v31, v31;
	v62 =	vmul.f32 $2.645751240e+00, v56;
	v60 =	vmul.f32 v5, v33  }
0x2ee: {  	s17 =	sor.u32 s30, s3;
	[tilespmem:s6+$0x0] =	vst v24;
	v63 =	vmul.f32 v56, v26;
	v12 =	vsub.f32 v61, v53;
	v37 =	vmul.f32 v11, v8  }
0x2ef: {  	s4 =	sadd.s32 $0x1EC80, s24;
	[tilespmem:s17+$0x0] =	vst v40;
	v38 =	vmul.f32 v62, v9;
	v40 =	vmul.f32 $2.645751240e+00, v11;
	v36 =	vsub.f32 $1.500000000e+00, v60  }
0x2f0: {  	[tilespmem:s10+$0x100] =	vst v1;
	s17 =	sor.u32 s30, s4;
	v15 =	vsub.f32 v57, v32;
	v13 =	vmul.f32 v12, v43;
	v12 =	vmul.f32 $1.620185140e+00, v12  }
0x2f1: {  	s6 =	sadd.s32 $0x1ED00, s24;
	[tilespmem:s17+$0x0] =	vst v41;
	v41 =	vmul.f32 v3, v3;
	v24 =	vmul.f32 v5, v36;
	v5 =	vsub.f32 v22, v19  }
0x2f2: {  	s25 =	sadd.s32 $0x1ED80, s24;
	[tilespmem:s18+$0x100] =	vst v2;
	s23 =	sor.u32 s30, s6;
	v39 =	vsub.f32 v31, v34;
	v51 =	vmul.f32 v11, v26;
	v15 =	vmul.f32 v15, v59  }
0x2f3: {  	s17 =	sor.u32 s30, s25;
	[tilespmem:s23+$0x0] =	vst v16;
	s23 =	sadd.s32 $0x1EE00, s24;
	v16 =	vadd.f32 v42, v41;
	v44 =	vmul.f32 v24, v55;
	v46 =	vmul.f32 v5, v5  }
0x2f4: {  	s24 =	sadd.s32 $0x1EE80, s24;
	[tilespmem:s17+$0x0] =	vst v23;
	s17 =	sor.u32 s30, s23;
	v45 =	vmul.f32 v40, v9;
	v9 =	vmul.f32 $3.872983460e+00, v9  }
0x2f5: {  	s30 =	sor.u32 s30, s24;
	[tilespmem:s17+$0x0] =	vst v27;
	v48 =	vmul.f32 $2.236068010e+00, v39;
	v47 =	vmul.f32 v44, v24;
	v1 =	vadd.f32 v16, v46  }
0x2f6: {  	[tilespmem:s30+$0x0] =	vst v28;
	s30 =	sor.u32 s19, s26;
	v20 =	vadd.f32 v37, v63;
	v12 =	vmul.f32 v12, v8;
	v8 =	vmul.f32 v56, v8  }
0x2f7: {  	[tilespmem:s30+$0x80] =	vst v49;
	v9 =	vmul.f32 v9, v26;
	v49 =	vsub.f32 $1.500000000e+00, v47;
	v1 =	vmax.f32 v1, $1.000000020e-24  }
0x2f8: {  	[tilespmem:s30+$0x100] =	vst v29;
	v8 =	vsub.f32 v51, v8;
	v52 =	vshrl.u32 v1, $0x1;
	v1 =	vmul.f32 $5.000000000e-01, v1  }
0x2f9: {  	[tilespmem:s30+$0x180] =	vst v10;
	v50 =	vmul.f32 $1.080123420e+00, v20;
	v17 =	vmul.f32 v49, v24;
	v14 =	vsub.s32 $0x5F3759DF, v52  }
0x2fa: {  	[tilespmem:s30+$0x200] =	vst v56;
	v8 =	vmul.f32 $1.080123420e+00, v8;
	v54 =	vmul.f32 v14, v1  }
0x2fb: {  	[tilespmem:s30+$0x280] =	vst v58;
	v7 =	vmul.f32 v17, v7;
	v53 =	vmul.f32 v17, v2  }
0x2fc: {  	[tilespmem:s30+$0x300] =	vst v48;
	v6 =	vmul.f32 v17, v6;
	v10 =	vmul.f32 v14, v54  }
0x2fd: {  	s17 =	sor.u32 s19, s22;
	[tilespmem:s30+$0x380] =	vst v9;
	v55 =	vmul.f32 v7, v7;
	v56 =	vmul.f32 v53, v53  }
0x2fe: {  	s30 =	sor.u32 s19, s2;
	[tilespmem:s17+$0x0] =	vst v11;
	v57 =	vmul.f32 $1.732050780e+00, v7;
	v17 =	vmul.f32 $1.732050780e+00, v6  }
0x2ff: {  	[tilespmem:s30+$0x0] =	vst v50;
	v59 =	vmul.f32 $1.732050780e+00, v53;
	v60 =	vmul.f32 $3.872983460e+00, v7  }
0x300: {  	s17 =	sor.u32 s19, s3;
	[tilespmem:s31+$0x100] =	vst v5;
	v61 =	vmul.f32 v6, v6;
	v26 =	vmul.f32 $3.872983460e+00, v6  }
0x301: {  	s30 =	sor.u32 s19, s4;
	[tilespmem:s17+$0x0] =	vst v38;
	v31 =	vmul.f32 $1.322875620e+00, v6;
	v34 =	vmul.f32 $1.620185140e+00, v53;
	v10 =	vsub.f32 $1.500000000e+00, v10  }
0x302: {  	s17 =	sor.u32 s19, s6;
	[tilespmem:s30+$0x0] =	vst v12;
	v58 =	vadd.f32 v56, v55;
	v63 =	vmul.f32 v60, v53;
	v24 =	vmul.f32 v60, v6  }
0x303: {  	s30 =	sor.u32 s19, s25;
	[tilespmem:s17+$0x0] =	vst v15;
	v9 =	vsub.f32 v56, v55;
	v2 =	vmul.f32 v26, v53;
	v30 =	vmul.f32 $4.000000000e+00, v61  }
0x304: {  	s17 =	sor.u32 s19, s23;
	[tilespmem:s30+$0x0] =	vst v13;
	v10 =	vmul.f32 v14, v10;
	v62 =	vmul.f32 $5.000000000e-01, v58  }
0x305: {  	s30 =	sor.u32 s20, s26;
	[tilespmem:s17+$0x0] =	vst v45;
	v9 =	vmul.f32 $1.936491730e+00, v9;
	v29 =	vmul.f32 $3.000000000e+00, v58;
	v11 =	vsub.f32 v30, v58  }
0x306: {  	v28 =	vadd.f32 v61, v61;
	[tilespmem:s30+$0x80] =	vst v57;
	v32 =	vmul.f32 v63, v53;
	v1 =	vmul.f32 v10, v1  }
0x307: {  	[tilespmem:s30+$0x100] =	vst v17;
	v25 =	vsub.f32 v61, v62;
	v33 =	vmul.f32 v9, v7;
	v37 =	vmul.f32 v11, v34  }
0x308: {  	[tilespmem:s30+$0x180] =	vst v59;
	v15 =	vsub.f32 v28, v29;
	v11 =	vmul.f32 $1.620185140e+00, v11;
	v1 =	vmul.f32 v1, v10  }
0x309: {  	[tilespmem:s30+$0x280] =	vst v24;
	v38 =	vmul.f32 v9, v53;
	v27 =	vmul.f32 $2.236068010e+00, v25;
	v35 =	vadd.f32 v33, v32  }
0x30a: {  	[tilespmem:s30+$0x380] =	vst v2;
	v11 =	vmul.f32 v11, v7;
	v7 =	vmul.f32 v63, v7;
	v1 =	vsub.f32 $1.500000000e+00, v1  }
0x30b: {  	v36 =	vmul.f32 $2.645751240e+00, v63;
	[tilespmem:s30+$0x200] =	vst v63;
	v12 =	vmul.f32 v15, v31  }
0x30c: {  	s17 =	sor.u32 s20, s22;
	[tilespmem:s30+$0x300] =	vst v27;
	v2 =	vmul.f32 $1.080123420e+00, v35;
	v7 =	vsub.f32 v38, v7;
	v1 =	vmul.f32 v1, v10  }
0x30d: {  	s18 =	sor.u32 s20, s2;
	v10 =	vmul.f32 v36, v6;
	[tilespmem:s17+$0x0] =	vst v9;
	v9 =	vmul.f32 $2.645751240e+00, v9  }
0x30e: {  	s19 =	sor.u32 s19, s24;
	[tilespmem:s18+$0x0] =	vst v2;
	v7 =	vmul.f32 $1.080123420e+00, v7;
	v2 =	vmul.f32 v1, v3  }
0x30f: {  	[tilespmem:s19+$0x0] =	vst v8;
	s19 =	sor.u32 s20, s3;
	v3 =	vmul.f32 v1, v5;
	v6 =	vmul.f32 v9, v6  }
0x310: {  	s30 =	sor.u32 s20, s4;
	[tilespmem:s19+$0x0] =	vst v10;
	v1 =	vmul.f32 v1, v4;
	v39 =	vmul.f32 v2, v2  }
0x311: {  	s17 =	sor.u32 s20, s6;
	[tilespmem:s30+$0x0] =	vst v11;
	v40 =	vmul.f32 v3, v3;
	v41 =	vmul.f32 $1.732050780e+00, v2  }
0x312: {  	s18 =	sor.u32 s20, s25;
	[tilespmem:s17+$0x0] =	vst v12;
	v42 =	vmul.f32 $1.732050780e+00, v1;
	v44 =	vmul.f32 $3.872983460e+00, v2  }
0x313: {  	s19 =	sor.u32 s20, s23;
	v45 =	vmul.f32 $1.732050780e+00, v3;
	v46 =	vmul.f32 v1, v1;
	[tilespmem:s18+$0x0] =	vst v37  }
0x314: {  	s17 =	sor.u32 s14, s26;
	v50 =	vmul.f32 $3.872983460e+00, v1;
	v43 =	vadd.f32 v40, v39;
	[tilespmem:s19+$0x0] =	vst v6;
	v4 =	vsub.f32 v40, v39  }
0x315: {  	v47 =	vmul.f32 v44, v3;
	v49 =	vmul.f32 v44, v1;
	[tilespmem:s17+$0x80] =	vst v41  }
0x316: {  	[tilespmem:s17+$0x100] =	vst v42;
	v48 =	vmul.f32 $5.000000000e-01, v43;
	v4 =	vmul.f32 $1.936491730e+00, v4  }
0x317: {  	s30 =	sor.u32 s20, s24;
	v51 =	vmul.f32 $4.000000000e+00, v46;
	[tilespmem:s17+$0x180] =	vst v45;
	v56 =	vmul.f32 v50, v3  }
0x318: {  	[tilespmem:s30+$0x0] =	vst v7;
	v52 =	vmul.f32 v47, v3;
	v9 =	vsub.f32 v46, v48;
	v53 =	vmul.f32 v4, v2  }
0x319: {  	v61 =	vmul.f32 $1.322875620e+00, v1;
	v62 =	vmul.f32 $1.620185140e+00, v3;
	[tilespmem:s17+$0x280] =	vst v49  }
0x31a: {  	v55 =	vsub.f32 v51, v43;
	[tilespmem:s17+$0x380] =	vst v56;
	v54 =	vmul.f32 $2.236068010e+00, v9;
	v8 =	vadd.f32 v53, v52  }
0x31b: {  	v60 =	vadd.f32 v46, v46;
	v57 =	vmul.f32 $2.645751240e+00, v47;
	v11 =	vmul.f32 $3.000000000e+00, v43;
	[tilespmem:s17+$0x200] =	vst v47  }
0x31c: {  	s18 =	sor.u32 s14, s22;
	v58 =	vmul.f32 $1.620185140e+00, v55;
	[tilespmem:s17+$0x300] =	vst v54;
	v59 =	vmul.f32 $1.080123420e+00, v8  }
0x31d: {  	s2 =	sor.u32 s14, s2;
	v6 =	vmul.f32 v57, v1;
	v3 =	vmul.f32 v4, v3;
	v8 =	vsub.f32 v60, v11;
	[tilespmem:s18+$0x0] =	vst v4  }
0x31e: {  	s19 =	sor.u32 s14, s3;
	v10 =	vmul.f32 v58, v2;
	v2 =	vmul.f32 v47, v2;
	[tilespmem:s2+$0x0] =	vst v59  }
0x31f: {  	p0 =	slt.u32 s29, $0x1C;
	s20 =	sor.u32 s14, s4;
	v4 =	vmul.f32 $2.645751240e+00, v4;
	v63 =	vmul.f32 v8, v61;
	[tilespmem:s19+$0x0] =	vst v6  }
.Ltmp11:
0x320: {  	s22 =	sor.u32 s14, s6;
	v5 =	vmul.f32 v55, v62;
	v2 =	vsub.f32 v3, v2;
	[tilespmem:s20+$0x0] =	vst v10;
	(pc) =	sbr.rel @p0 .LBB2_19-.Ltmp11, $4  }
0x321: {  	s26 =	sor.u32 s14, s25;
	v1 =	vmul.f32 v4, v1;
	[tilespmem:s22+$0x0] =	vst v63  }
0x322: {  	s30 =	sor.u32 s14, s23;
	v2 =	vmul.f32 $1.080123420e+00, v2;
	[tilespmem:s26+$0x0] =	vst v5  }
0x323: {  	s31 =	sor.u32 s14, s24;
	[tilespmem:s30+$0x0] =	vst v1  }
0x324: {  	s15 =	sadd.s32 $0x40, s15;
	s16 =	sadd.s32 $0x40, s16;
	s13 =	sadd.s32 $0x40, s13;
	[tilespmem:s31+$0x0] =	vst v2  }
0x325: {  	s2 =	sshll.u32 s28, $0x6;
	s3 =	rddreg [dreg:$0x1]  }
.Ltmp12:
0x326: {  	s29 =	simm.s32 $0x1B300;
	s28 =	sshll.u32 s28, $0x7;
	(pc) =	sbr.rel @p1 .LBB2_22-.Ltmp12, $4  }
0x327: {  	s30 =	rddreg [dreg:$0x2];
	s31 =	simm.s32 $0x1000;
	s2 =	sadd.s32 s3, s2  }
0x328: {  	[hbm4b:s2+s5] =	stream.linear.scatter [tilespmem:s29], [sflag:$0x4], $0x800, $0x38;
	[tilespmem:$0x1FB00] =	vst v63  }
0x329: {  	s4 =	simm.s32 $0x186A000;
	s6 =	simm.s32 $0x1DB00;
	s2 =	sadd.s32 s30, s28  }
0x32a: {  	[hbm4b:s2+s31] =	stream.strided.scatter [tilespmem:s6], [sflag:$0x4], $0x2000, s4, s31, $0x38;
	[tilespmem:$0x1FB00] =	vst v63  }
0x32b: {  	s2 =	sadd.s32 $0xC, s7;
	s3 =	rddreg [dreg:$0xc]  }
0x32c: {  	s2 =	smin.u32 s2, s3  }
0x32d: {  	s2 =	sadd.s32 s11, s2  }
0x32e: {  	s2 =	sshll.u32 s2, $0x4  }
0x32f: {  	s4 =	simm.s32 $0x18D00;
	s15 =	sadd.s32 s8, s2  }
0x330: {  	[tilespmem:s4], [sflag:$0x2] =	stream.linear.gather [hbm4b:s15+s5], $0x200, $0x38;
	[tilespmem:$0x1FB00] =	vst v63  }
0x331: {  	s17 =	simm.s32 $0x19900;
	s18 =	rddreg [dreg:$0x6];
	s16 =	sadd.s32 s9, s2  }
0x332: {  	[tilespmem:s17], [sflag:$0x2] =	stream.linear.gather [hbm4b:s16+s5], $0x200, $0x38;
	[tilespmem:$0x1FB00] =	vst v63  }
0x333: {  	s3 =	sadd.s32 s18, s2  }
0x334: {  	[tilespmem:s29], [sflag:$0x2] =	stream.linear.gather [hbm4b:s3+s5], $0x80, $0x38;
	[tilespmem:$0x1FB00] =	vst v63  }
0x335: {  	s6 =	simm.s32 $0x1B500;
	s19 =	sadd.s32 $0x10, s3  }
0x336: {  	[tilespmem:s6], [sflag:$0x2] =	stream.linear.gather [hbm4b:s19+s5], $0x80, $0x38;
	[tilespmem:$0x1FB00] =	vst v63  }
0x337: {  	s22 =	simm.s32 $0x1B700;
	s20 =	sadd.s32 $0x20, s3  }
0x338: {  	[tilespmem:s22], [sflag:$0x2] =	stream.linear.gather [hbm4b:s20+s5], $0x80, $0x38;
	[tilespmem:$0x1FB00] =	vst v63  }
0x339: {  	s23 =	simm.s32 $0x1B900;
	s24 =	rddreg [dreg:$0xb];
	s3 =	sadd.s32 $0x30, s3  }
0x33a: {  	[tilespmem:s23], [sflag:$0x2] =	stream.linear.gather [hbm4b:s3+s5], $0x80, $0x38;
	[tilespmem:$0x1FB00] =	vst v63  }
0x33b: {  	s25 =	simm.s32 $0x1B380;
	s2 =	sadd.s32 s2, s24  }
0x33c: {  	[tilespmem:s25], [sflag:$0x2] =	stream.linear.gather [hbm4b:s2+s5], $0x80, $0x38;
	[tilespmem:$0x1FB00] =	vst v63  }
0x33d: {  	s28 =	simm.s32 $0x1B580;
	s26 =	sadd.s32 $0x10, s2  }
0x33e: {  	[tilespmem:s28], [sflag:$0x2] =	stream.linear.gather [hbm4b:s26+s5], $0x80, $0x38;
	[tilespmem:$0x1FB00] =	vst v63  }
.Ltmp13:
0x33f: {  	_ = 	snop;
	(pc) =	sbr.rel .LBB2_16-.Ltmp13, $4  }
0x340: {  	s30 =	simm.s32 $0x1B780;
	s29 =	sadd.s32 $0x20, s2  }
0x341: {  	[tilespmem:s30], [sflag:$0x2] =	stream.linear.gather [hbm4b:s29+s5], $0x80, $0x38;
	[tilespmem:$0x1FB00] =	vst v63  }
0x342: {  	s31 =	simm.s32 $0x1B980;
	s21 =	sadd.s32 $0x1, s21;
	s2 =	sadd.s32 $0x30, s2  }
0x343: {  	[tilespmem:s31], [sflag:$0x2] =	stream.linear.gather [hbm4b:s2+s5], $0x80, $0x38;
	[tilespmem:$0x1FB00] =	vst v63  }
.LBB2_23:
0x344: {  	_ =	sfence.sel $0x180000  }
0x345: {  	[bflag:$0x0] =	sbarrier.arrive $0xFFFF  }
0x346: {  	_ =	strace $0x90000047  }
0x347: {  	s0 =	stileid.u32;
	[bflag:$0x2] =	sbarrier.arrive $0xFFFF  }
0x348: {  	p0 =	sne.s32 s0, $0x0;
	s0 =	rddreg [dreg:$0x3]  }
0x349: {  	s0 =	sadd.s32 @!p0 $0x100000, s0  }
0x34a: {  	[sflag:s0] =	ssyncadd.tile.s32 @!p0 $0x1;
	_ =	shalt  }
.Lfunc_end2:
_tile_overlayer_lowered:
.L_overlay_start_2:
0x34b: {  	(tag) =	ssettag $0x2  }
0x34c: {  	s0 =	rddreg [dreg:$0x0];
	s2 =	stileid.u32  }
0x34d: {  	s1 =	rddreg [dreg:$0x1];
	p0 =	sne.s32 s2, $0x0  }
0x34e: {  	s3 =	rddreg [dreg:$0x2];
	[bflag:$0x3] =	sbarrier.arrive $0xFFFF;
	s2 =	simm.s32 @!p0 $0x1C05  }
0x34f: {  	[timem:s3], [sflag:s2] =	dma.local @!p0 [hbm:s0], s1  }
0x350: {  	s0 =	simm.s32 @!p0 $0x5  }
0x351: {  	_ =	swait.ge @!p0 [sflag:s0], s1  }
0x352: {  	s1 =	ssub.s32 @!p0 $0x0, s1;
	[sflag:s0] =	ssyncset.done @!p0 $0x0  }
0x353: {  	[sflag:s0] =	ssyncadd.s32 @!p0 s1  }
0x354: {  	[bflag:$0x3] =	sbarrier.arrive $0xFFFF  }
0x355: {  	_ =	shalt  }

</sc_bundles>
